<compile_context>
chip_gen: v7x
topology: tpu7x:2x2x1
jax: 0.10.2.dev20260603
libtpu: 0.0.44.dev20260713+nightly
codegen_flags: <defaults>
</compile_context>

<pallas_src>
import functools
import math

import jax
import jax.numpy as jnp
from jax import lax
from jax.experimental import pallas as pl
from jax.experimental.pallas import tpu as pltpu
from jax.experimental.pallas import tpu_sc as plsc

AVG_NUM_NEIGHBORS = 64.0
FACTOR = 1.0 / math.sqrt(AVG_NUM_NEIGHBORS)

NC = 2
NS = 16
NW = NC * NS
LANES = 16
ROW = 128
ROWS = 80
CHUNK = ROW * ROWS


def _sc_scatter_kernel(E, N):
    assert E % (ROW * ROWS) == 0
    n_chunks = E // CHUNK
    cpw = -(-n_chunks // NW)
    cpw += (-cpw) % 6
    nps = -(-N // (NS * 8)) * 8
    n_pad = nps * NS

    mesh = plsc.VectorSubcoreMesh(core_axis_name="c", subcore_axis_name="s")

    scratch = dict(
        acc_sh=pltpu.VMEM_SHARED((n_pad,), jnp.float32),
        in_sem=pltpu.SemaphoreType.DMA,
        scat_sem=pltpu.SemaphoreType.DMA,
        wb_sem=pltpu.SemaphoreType.DMA,
    )
    for b in range(3):
        scratch[f"idx{b}"] = pltpu.VMEM((ROWS, ROW), jnp.int32)
        scratch[f"eng{b}"] = pltpu.VMEM((CHUNK,), jnp.float32)
    for b in range(2):
        scratch[f"j{b}"] = pltpu.VMEM((CHUNK,), jnp.float32)
        scratch[f"s{b}"] = pltpu.VMEM((CHUNK,), jnp.float32)

    @functools.partial(
        pl.kernel,
        out_type=(
            jax.ShapeDtypeStruct((E,), jnp.float32),
            jax.ShapeDtypeStruct((NC * n_pad,), jnp.float32),
        ),
        mesh=mesh,
        scratch_types=scratch,
    )
    def body(center_hbm, j_hbm, s_hbm, eng_hbm, partial_hbm, **refs):
        idxs = [refs[f"idx{b}"] for b in range(3)]
        engs = [refs[f"eng{b}"] for b in range(3)]
        js = [refs[f"j{b}"] for b in range(2)]
        ss = [refs[f"s{b}"] for b in range(2)]
        acc_sh = refs["acc_sh"]
        in_sem = refs["in_sem"]
        scat_sem = refs["scat_sem"]
        wb_sem = refs["wb_sem"]

        cid = lax.axis_index("c")
        sid = lax.axis_index("s")
        wid = sid * NC + cid

        def fire_inputs(c, i3, i2):
            pltpu.async_copy(center_hbm.at[pl.ds(c * ROWS, ROWS)], idxs[i3],
                             in_sem)
            pltpu.async_copy(j_hbm.at[pl.ds(c * CHUNK, CHUNK)], js[i2],
                             in_sem)
            pltpu.async_copy(s_hbm.at[pl.ds(c * CHUNK, CHUNK)], ss[i2],
                             in_sem)

        def wait_inputs(c, i3, i2):
            pltpu.make_async_copy(center_hbm.at[pl.ds(c * ROWS, ROWS)],
                                  idxs[i3], in_sem).wait()
            pltpu.make_async_copy(j_hbm.at[pl.ds(c * CHUNK, CHUNK)], js[i2],
                                  in_sem).wait()
            pltpu.make_async_copy(s_hbm.at[pl.ds(c * CHUNK, CHUNK)], ss[i2],
                                  in_sem).wait()

        def drain_chunk(c, i3):
            idx_v, eng_v = idxs[i3], engs[i3]

            def drain_body(r, _):
                pltpu.make_async_copy(eng_v.at[pl.ds(r * ROW, ROW)],
                                      acc_sh.at[idx_v.at[r]],
                                      scat_sem).wait()
                return 0
            lax.fori_loop(0, ROWS, drain_body, 0)
            pltpu.make_async_copy(eng_v, eng_hbm.at[pl.ds(c * CHUNK, CHUNK)],
                                  wb_sem).wait()

        fire_inputs(wid, 0, 0)

        def zero_body(i, _):
            engs[0][pl.ds(i * LANES, LANES)] = jnp.zeros((LANES,),
                                                         jnp.float32)
            return 0
        lax.fori_loop(0, nps // LANES, zero_body, 0, unroll=8)
        pltpu.sync_copy(engs[0].at[pl.ds(0, nps)],
                        acc_sh.at[pl.ds(sid * nps, nps)])
        plsc.subcore_barrier()

        def process(k, i3, i2):
            c = wid + k * NW
            cp = wid + (k - 2) * NW
            cn = wid + (k + 1) * NW

            @pl.when(c < n_chunks)
            def _():
                wait_inputs(c, i3, i2)

            @pl.when((k >= 2) & (cp < n_chunks))
            def _():
                drain_chunk(cp, (i3 + 1) % 3)

            @pl.when(cn < n_chunks)
            def _():
                fire_inputs(cn, (i3 + 1) % 3, (i2 + 1) % 2)

            @pl.when(c < n_chunks)
            def _():
                idx_v, eng_v = idxs[i3], engs[i3]
                j_v, s_v = js[i2], ss[i2]

                def row_body(r, _):
                    for t in range(ROW // LANES):
                        sl = pl.ds(r * ROW + t * LANES, LANES)
                        eng_v[sl] = j_v[sl] * s_v[sl]
                    pltpu.async_copy(eng_v.at[pl.ds(r * ROW, ROW)],
                                     acc_sh.at[idx_v.at[r]], scat_sem,
                                     add=True)
                    return 0
                lax.fori_loop(0, ROWS, row_body, 0)

                pltpu.async_copy(eng_v, eng_hbm.at[pl.ds(c * CHUNK, CHUNK)],
                                 wb_sem)

        def rot_body(p, _):
            for jj in range(6):
                process(6 * p + jj, jj % 3, jj % 2)
            return 0
        lax.fori_loop(0, cpw // 6, rot_body, 0)

        for k in (cpw - 2, cpw - 1):
            c_last = wid + k * NW

            @pl.when(c_last < n_chunks)
            def _(c_last=c_last, k=k):
                drain_chunk(c_last, k % 3)

        plsc.subcore_barrier()
        pltpu.sync_copy(acc_sh.at[pl.ds(sid * nps, nps)],
                        engs[0].at[pl.ds(0, nps)])
        pltpu.sync_copy(engs[0].at[pl.ds(0, nps)],
                        partial_hbm.at[pl.ds(cid * n_pad + sid * nps, nps)])

    return body, n_pad


def _combine_kernel(p_ref, o_ref):
    o_ref[...] = (p_ref[0] + p_ref[1]) * FACTOR


def kernel(edge_index, atom_type, edge_J, edge_spin_distance):
    N = atom_type.shape[0]
    E = edge_J.shape[0]
    center2d = edge_index[0].reshape(E // ROW, ROW)
    j_flat = edge_J.reshape(E)

    sc_fn, n_pad = _sc_scatter_kernel(E, N)
    eng_flat, partial = sc_fn(center2d, j_flat, edge_spin_distance)

    p3 = partial.reshape(NC, n_pad // 128, 128)
    atom_pad = pl.pallas_call(
        _combine_kernel,
        out_shape=jax.ShapeDtypeStruct((n_pad // 128, 128), jnp.float32),
    )(p3)
    atom_eng = atom_pad.reshape(n_pad)[:N].reshape(N, 1)
    return eng_flat.reshape(E, 1), atom_eng

# --- scband reference (transcript-rebuilt; emitter-appended) ---
"""Pipeline reference for scband-edgewise-energy-sum-hegnn-64080912056846 (READ-ONLY COPY).

The authoritative reference and input builder live on the scoring server;
editing this copy changes nothing except your own understanding.
"""

import jax, jax.numpy as jnp
import numpy as np

N = 100000
E = 6400000
AVG_NUM_NEIGHBORS = 64.0
FACTOR = 1.0 / float(np.sqrt(AVG_NUM_NEIGHBORS))


def setup_inputs(seed: int = 0) -> dict:
    key = jax.random.key(seed)
    k1, k2, k3, k4 = jax.random.split(key, 4)
    edge_index = jax.random.randint(k1, (2, E), 0, N, dtype=jnp.int32)
    atom_type = jax.random.randint(k2, (N, 1), 0, 4, dtype=jnp.int32)
    edge_J = jax.random.normal(k3, (E, 1), dtype=jnp.float32)
    edge_spin_distance = jax.random.normal(k4, (E,), dtype=jnp.float32)
    return {
        "edge_index": edge_index,
        "atom_type": atom_type,
        "edge_J": edge_J,
        "edge_spin_distance": edge_spin_distance,
    }


def reference(edge_index, atom_type, edge_J, edge_spin_distance):
    # edge_center = data[EDGE_INDEX_KEY][0]
    edge_center = edge_index[0]
    # species = atom_type.squeeze(-1); only its length is used for dim_size
    num_nodes = atom_type.shape[0]
    # edge_eng = edge_J * edge_spin_distance.unsqueeze(-1)
    edge_eng = edge_J * edge_spin_distance[:, None]
    # scatter-sum edges into center atoms
    atom_eng = jax.ops.segment_sum(edge_eng, edge_center, num_segments=num_nodes)
    # normalize_edge_energy_sum with avg_num_neighbors -> factor = 1/sqrt(avg)
    atom_eng = atom_eng * FACTOR
    # returns (EDGE_ENERGY, PER_ATOM_ENERGY) entries of the data dict
    return edge_eng, atom_eng

if __name__ == "__main__":
    import jax
    _d = setup_inputs()
    print(jax.jit(kernel)(*tuple(_d.values())))

</pallas_src>

<mosaic_0001>
#map = affine_map<(d0, d1) -> (0, 0)>
#map1 = affine_map<(d0, d1) -> (0)>
module attributes {stable_mosaic.version = 14 : i64} {
  func.func @body(%arg0: i32, %arg1: i32, %arg2: memref<50000x128xi32, #tpu.memory_space<hbm>>, %arg3: memref<6400000xf32, #tpu.memory_space<hbm>>, %arg4: memref<6400000xf32, #tpu.memory_space<hbm>>, %arg5: memref<6400000xf32, #tpu.memory_space<hbm>>, %arg6: memref<200192xf32, #tpu.memory_space<hbm>>, %arg7: memref<100096xf32, #tpu.memory_space<vmem_shared>>, %arg8: memref<10240xf32, #tpu.memory_space<vmem>>, %arg9: memref<10240xf32, #tpu.memory_space<vmem>>, %arg10: memref<10240xf32, #tpu.memory_space<vmem>>, %arg11: memref<80x128xi32, #tpu.memory_space<vmem>>, %arg12: memref<80x128xi32, #tpu.memory_space<vmem>>, %arg13: memref<80x128xi32, #tpu.memory_space<vmem>>, %arg14: memref<!tpu.dma_semaphore, #tpu.memory_space<semaphore_mem>>, %arg15: memref<10240xf32, #tpu.memory_space<vmem>>, %arg16: memref<10240xf32, #tpu.memory_space<vmem>>, %arg17: memref<10240xf32, #tpu.memory_space<vmem>>, %arg18: memref<10240xf32, #tpu.memory_space<vmem>>, %arg19: memref<!tpu.dma_semaphore, #tpu.memory_space<semaphore_mem>>, %arg20: memref<!tpu.dma_semaphore, #tpu.memory_space<semaphore_mem>>) attributes {dimension_semantics = [#tpu.dimension_semantics<core_parallel>, #tpu.dimension_semantics<subcore_parallel>], iteration_bounds = array<i64: 2, 16>, scalar_prefetch = 0 : i64, scratch_operands = 14 : i64, tpu.core_type = #tpu.core_type<sc_vector_subcore>, window_params = [{transform_indices = #map}, {transform_indices = #map1}, {transform_indices = #map1}, {transform_indices = #map1}, {transform_indices = #map1}]} {
    %mul3A = arith.constant 2 : i32
    %mul3A_0 = arith.muli %arg1, %mul3A : i32
    %add3A = arith.addi %mul3A_0, %arg0 : i32
    %mul3A_1 = arith.constant 80 : i32
    %mul3A_2 = arith.muli %add3A, %mul3A_1 : i32
    %dma_start3A = arith.constant 0 : i32
    %dma_start3A_3 = tpu.memref_slice %arg2[%mul3A_2, %dma_start3A] : memref<50000x128xi32, #tpu.memory_space<hbm>> -> memref<80x128xi32, #tpu.memory_space<hbm>>
    %dma_start3A_4 = arith.constant 0 : i32
    %dma_start3A_5 = tpu.memref_slice %arg2[%mul3A_2, %dma_start3A_4] : memref<50000x128xi32, #tpu.memory_space<hbm>> -> memref<80x128xi32, #tpu.memory_space<hbm>>
    tpu.enqueue_dma source(%dma_start3A_5 : memref<80x128xi32, #tpu.memory_space<hbm>>) target(%arg11 : memref<80x128xi32, #tpu.memory_space<vmem>>) target_semaphore(%arg14 : memref<!tpu.dma_semaphore, #tpu.memory_space<semaphore_mem>>)
    %mul3A_6 = arith.constant 10240 : i32
    %mul3A_7 = arith.muli %add3A, %mul3A_6 : i32
    %dma_start3A_8 = tpu.memref_slice %arg3[%mul3A_7] : memref<6400000xf32, #tpu.memory_space<hbm>> -> memref<10240xf32, #tpu.memory_space<hbm>>
    %dma_start3A_9 = tpu.memref_slice %arg3[%mul3A_7] : memref<6400000xf32, #tpu.memory_space<hbm>> -> memref<10240xf32, #tpu.memory_space<hbm>>
    tpu.enqueue_dma source(%dma_start3A_9 : memref<10240xf32, #tpu.memory_space<hbm>>) target(%arg15 : memref<10240xf32, #tpu.memory_space<vmem>>) target_semaphore(%arg14 : memref<!tpu.dma_semaphore, #tpu.memory_space<semaphore_mem>>)
    %mul3A_10 = arith.constant 10240 : i32
    %mul3A_11 = arith.muli %add3A, %mul3A_10 : i32
    %dma_start3A_12 = tpu.memref_slice %arg4[%mul3A_11] : memref<6400000xf32, #tpu.memory_space<hbm>> -> memref<10240xf32, #tpu.memory_space<hbm>>
    %dma_start3A_13 = tpu.memref_slice %arg4[%mul3A_11] : memref<6400000xf32, #tpu.memory_space<hbm>> -> memref<10240xf32, #tpu.memory_space<hbm>>
    tpu.enqueue_dma source(%dma_start3A_13 : memref<10240xf32, #tpu.memory_space<hbm>>) target(%arg17 : memref<10240xf32, #tpu.memory_space<vmem>>) target_semaphore(%arg14 : memref<!tpu.dma_semaphore, #tpu.memory_space<semaphore_mem>>)
    %scan3A = arith.constant 0 : i32
    %scan3A_14 = arith.constant 0 : i32
    %scan3A_15 = arith.constant 384 : i32
    %scan3A_16 = arith.addi %scan3A_14, %scan3A_15 : i32
    %scan3A_17 = arith.constant 8 : i32
    %scan3A_18 = scf.for %scan3A_123 = %scan3A_14 to %scan3A_16 step %scan3A_17 iter_args(%scan3A_124 = %scan3A) -> (i32)  : i32 {
      %broadcast_in_dim3A_125 = arith.constant 0.000000e+00 : f32
      %broadcast_in_dim3A_126 = vector.broadcast %broadcast_in_dim3A_125 : f32 to vector<16xf32>
      %mul3A_127 = arith.constant 16 : i32
      %mul3A_128 = arith.muli %scan3A_123, %mul3A_127 : i32
      %swap3A_129 = arith.index_cast %mul3A_128 : i32 to index
      %swap3A_130 = tpu.vector_load %arg8[%swap3A_129] {strides = array<i32>} : memref<10240xf32, #tpu.memory_space<vmem>>, vector<16xf32>,
      %swap3A_131 = vector.shape_cast %swap3A_130 : vector<16xf32> to vector<16xf32>
      %swap3A_132 = vector.shape_cast %broadcast_in_dim3A_126 : vector<16xf32> to vector<16xf32>
      tpu.vector_store %arg8[%swap3A_129], %swap3A_132 {strides = array<i32>} : memref<10240xf32, #tpu.memory_space<vmem>>, vector<16xf32>,
      %scan3A_133 = arith.constant 0 : i32
      %scan3A_134 = arith.constant 1 : i32
      %scan3A_135 = arith.addi %scan3A_123, %scan3A_134 : i32
      %broadcast_in_dim3A_136 = arith.constant 0.000000e+00 : f32
      %broadcast_in_dim3A_137 = vector.broadcast %broadcast_in_dim3A_136 : f32 to vector<16xf32>
      %mul3A_138 = arith.constant 16 : i32
      %mul3A_139 = arith.muli %scan3A_135, %mul3A_138 : i32
      %swap3A_140 = arith.index_cast %mul3A_139 : i32 to index
      %swap3A_141 = tpu.vector_load %arg8[%swap3A_140] {strides = array<i32>} : memref<10240xf32, #tpu.memory_space<vmem>>, vector<16xf32>,
      %swap3A_142 = vector.shape_cast %swap3A_141 : vector<16xf32> to vector<16xf32>
      %swap3A_143 = vector.shape_cast %broadcast_in_dim3A_137 : vector<16xf32> to vector<16xf32>
      tpu.vector_store %arg8[%swap3A_140], %swap3A_143 {strides = array<i32>} : memref<10240xf32, #tpu.memory_space<vmem>>, vector<16xf32>,
      %scan3A_144 = arith.constant 0 : i32
      %scan3A_145 = arith.constant 2 : i32
      %scan3A_146 = arith.addi %scan3A_123, %scan3A_145 : i32
      %broadcast_in_dim3A_147 = arith.constant 0.000000e+00 : f32
      %broadcast_in_dim3A_148 = vector.broadcast %broadcast_in_dim3A_147 : f32 to vector<16xf32>
      %mul3A_149 = arith.constant 16 : i32
      %mul3A_150 = arith.muli %scan3A_146, %mul3A_149 : i32
      %swap3A_151 = arith.index_cast %mul3A_150 : i32 to index
      %swap3A_152 = tpu.vector_load %arg8[%swap3A_151] {strides = array<i32>} : memref<10240xf32, #tpu.memory_space<vmem>>, vector<16xf32>,
      %swap3A_153 = vector.shape_cast %swap3A_152 : vector<16xf32> to vector<16xf32>
      %swap3A_154 = vector.shape_cast %broadcast_in_dim3A_148 : vector<16xf32> to vector<16xf32>
      tpu.vector_store %arg8[%swap3A_151], %swap3A_154 {strides = array<i32>} : memref<10240xf32, #tpu.memory_space<vmem>>, vector<16xf32>,
      %scan3A_155 = arith.constant 0 : i32
      %scan3A_156 = arith.constant 3 : i32
      %scan3A_157 = arith.addi %scan3A_123, %scan3A_156 : i32
      %broadcast_in_dim3A_158 = arith.constant 0.000000e+00 : f32
      %broadcast_in_dim3A_159 = vector.broadcast %broadcast_in_dim3A_158 : f32 to vector<16xf32>
      %mul3A_160 = arith.constant 16 : i32
      %mul3A_161 = arith.muli %scan3A_157, %mul3A_160 : i32
      %swap3A_162 = arith.index_cast %mul3A_161 : i32 to index
      %swap3A_163 = tpu.vector_load %arg8[%swap3A_162] {strides = array<i32>} : memref<10240xf32, #tpu.memory_space<vmem>>, vector<16xf32>,
      %swap3A_164 = vector.shape_cast %swap3A_163 : vector<16xf32> to vector<16xf32>
      %swap3A_165 = vector.shape_cast %broadcast_in_dim3A_159 : vector<16xf32> to vector<16xf32>
      tpu.vector_store %arg8[%swap3A_162], %swap3A_165 {strides = array<i32>} : memref<10240xf32, #tpu.memory_space<vmem>>, vector<16xf32>,
      %scan3A_166 = arith.constant 0 : i32
      %scan3A_167 = arith.constant 4 : i32
      %scan3A_168 = arith.addi %scan3A_123, %scan3A_167 : i32
      %broadcast_in_dim3A_169 = arith.constant 0.000000e+00 : f32
      %broadcast_in_dim3A_170 = vector.broadcast %broadcast_in_dim3A_169 : f32 to vector<16xf32>
      %mul3A_171 = arith.constant 16 : i32
      %mul3A_172 = arith.muli %scan3A_168, %mul3A_171 : i32
      %swap3A_173 = arith.index_cast %mul3A_172 : i32 to index
      %swap3A_174 = tpu.vector_load %arg8[%swap3A_173] {strides = array<i32>} : memref<10240xf32, #tpu.memory_space<vmem>>, vector<16xf32>,
      %swap3A_175 = vector.shape_cast %swap3A_174 : vector<16xf32> to vector<16xf32>
      %swap3A_176 = vector.shape_cast %broadcast_in_dim3A_170 : vector<16xf32> to vector<16xf32>
      tpu.vector_store %arg8[%swap3A_173], %swap3A_176 {strides = array<i32>} : memref<10240xf32, #tpu.memory_space<vmem>>, vector<16xf32>,
      %scan3A_177 = arith.constant 0 : i32
      %scan3A_178 = arith.constant 5 : i32
      %scan3A_179 = arith.addi %scan3A_123, %scan3A_178 : i32
      %broadcast_in_dim3A_180 = arith.constant 0.000000e+00 : f32
      %broadcast_in_dim3A_181 = vector.broadcast %broadcast_in_dim3A_180 : f32 to vector<16xf32>
      %mul3A_182 = arith.constant 16 : i32
      %mul3A_183 = arith.muli %scan3A_179, %mul3A_182 : i32
      %swap3A_184 = arith.index_cast %mul3A_183 : i32 to index
      %swap3A_185 = tpu.vector_load %arg8[%swap3A_184] {strides = array<i32>} : memref<10240xf32, #tpu.memory_space<vmem>>, vector<16xf32>,
      %swap3A_186 = vector.shape_cast %swap3A_185 : vector<16xf32> to vector<16xf32>
      %swap3A_187 = vector.shape_cast %broadcast_in_dim3A_181 : vector<16xf32> to vector<16xf32>
      tpu.vector_store %arg8[%swap3A_184], %swap3A_187 {strides = array<i32>} : memref<10240xf32, #tpu.memory_space<vmem>>, vector<16xf32>,
      %scan3A_188 = arith.constant 0 : i32
      %scan3A_189 = arith.constant 6 : i32
      %scan3A_190 = arith.addi %scan3A_123, %scan3A_189 : i32
      %broadcast_in_dim3A_191 = arith.constant 0.000000e+00 : f32
      %broadcast_in_dim3A_192 = vector.broadcast %broadcast_in_dim3A_191 : f32 to vector<16xf32>
      %mul3A_193 = arith.constant 16 : i32
      %mul3A_194 = arith.muli %scan3A_190, %mul3A_193 : i32
      %swap3A_195 = arith.index_cast %mul3A_194 : i32 to index
      %swap3A_196 = tpu.vector_load %arg8[%swap3A_195] {strides = array<i32>} : memref<10240xf32, #tpu.memory_space<vmem>>, vector<16xf32>,
      %swap3A_197 = vector.shape_cast %swap3A_196 : vector<16xf32> to vector<16xf32>
      %swap3A_198 = vector.shape_cast %broadcast_in_dim3A_192 : vector<16xf32> to vector<16xf32>
      tpu.vector_store %arg8[%swap3A_195], %swap3A_198 {strides = array<i32>} : memref<10240xf32, #tpu.memory_space<vmem>>, vector<16xf32>,
      %scan3A_199 = arith.constant 0 : i32
      %scan3A_200 = arith.constant 7 : i32
      %scan3A_201 = arith.addi %scan3A_123, %scan3A_200 : i32
      %broadcast_in_dim3A_202 = arith.constant 0.000000e+00 : f32
      %broadcast_in_dim3A_203 = vector.broadcast %broadcast_in_dim3A_202 : f32 to vector<16xf32>
      %mul3A_204 = arith.constant 16 : i32
      %mul3A_205 = arith.muli %scan3A_201, %mul3A_204 : i32
      %swap3A_206 = arith.index_cast %mul3A_205 : i32 to index
      %swap3A_207 = tpu.vector_load %arg8[%swap3A_206] {strides = array<i32>} : memref<10240xf32, #tpu.memory_space<vmem>>, vector<16xf32>,
      %swap3A_208 = vector.shape_cast %swap3A_207 : vector<16xf32> to vector<16xf32>
      %swap3A_209 = vector.shape_cast %broadcast_in_dim3A_203 : vector<16xf32> to vector<16xf32>
      tpu.vector_store %arg8[%swap3A_206], %swap3A_209 {strides = array<i32>} : memref<10240xf32, #tpu.memory_space<vmem>>, vector<16xf32>,
      %scan3A_210 = arith.constant 0 : i32
      scf.yield %scan3A_210 : i32
    }
    %scan3A_19 = arith.constant 384 : i32
    %scan3A_20 = arith.addi %scan3A_14, %scan3A_19 : i32
    %broadcast_in_dim3A = arith.constant 0.000000e+00 : f32
    %broadcast_in_dim3A_21 = vector.broadcast %broadcast_in_dim3A : f32 to vector<16xf32>
    %mul3A_22 = arith.constant 16 : i32
    %mul3A_23 = arith.muli %scan3A_20, %mul3A_22 : i32
    %swap3A = arith.index_cast %mul3A_23 : i32 to index
    %swap3A_24 = tpu.vector_load %arg8[%swap3A] {strides = array<i32>} : memref<10240xf32, #tpu.memory_space<vmem>>, vector<16xf32>,
    %swap3A_25 = vector.shape_cast %swap3A_24 : vector<16xf32> to vector<16xf32>
    %swap3A_26 = vector.shape_cast %broadcast_in_dim3A_21 : vector<16xf32> to vector<16xf32>
    tpu.vector_store %arg8[%swap3A], %swap3A_26 {strides = array<i32>} : memref<10240xf32, #tpu.memory_space<vmem>>, vector<16xf32>,
    %scan3A_27 = arith.constant 0 : i32
    %scan3A_28 = arith.constant 385 : i32
    %scan3A_29 = arith.addi %scan3A_14, %scan3A_28 : i32
    %broadcast_in_dim3A_30 = arith.constant 0.000000e+00 : f32
    %broadcast_in_dim3A_31 = vector.broadcast %broadcast_in_dim3A_30 : f32 to vector<16xf32>
    %mul3A_32 = arith.constant 16 : i32
    %mul3A_33 = arith.muli %scan3A_29, %mul3A_32 : i32
    %swap3A_34 = arith.index_cast %mul3A_33 : i32 to index
    %swap3A_35 = tpu.vector_load %arg8[%swap3A_34] {strides = array<i32>} : memref<10240xf32, #tpu.memory_space<vmem>>, vector<16xf32>,
    %swap3A_36 = vector.shape_cast %swap3A_35 : vector<16xf32> to vector<16xf32>
    %swap3A_37 = vector.shape_cast %broadcast_in_dim3A_31 : vector<16xf32> to vector<16xf32>
    tpu.vector_store %arg8[%swap3A_34], %swap3A_37 {strides = array<i32>} : memref<10240xf32, #tpu.memory_space<vmem>>, vector<16xf32>,
    %scan3A_38 = arith.constant 0 : i32
    %scan3A_39 = arith.constant 386 : i32
    %scan3A_40 = arith.addi %scan3A_14, %scan3A_39 : i32
    %broadcast_in_dim3A_41 = arith.constant 0.000000e+00 : f32
    %broadcast_in_dim3A_42 = vector.broadcast %broadcast_in_dim3A_41 : f32 to vector<16xf32>
    %mul3A_43 = arith.constant 16 : i32
    %mul3A_44 = arith.muli %scan3A_40, %mul3A_43 : i32
    %swap3A_45 = arith.index_cast %mul3A_44 : i32 to index
    %swap3A_46 = tpu.vector_load %arg8[%swap3A_45] {strides = array<i32>} : memref<10240xf32, #tpu.memory_space<vmem>>, vector<16xf32>,
    %swap3A_47 = vector.shape_cast %swap3A_46 : vector<16xf32> to vector<16xf32>
    %swap3A_48 = vector.shape_cast %broadcast_in_dim3A_42 : vector<16xf32> to vector<16xf32>
    tpu.vector_store %arg8[%swap3A_45], %swap3A_48 {strides = array<i32>} : memref<10240xf32, #tpu.memory_space<vmem>>, vector<16xf32>,
    %scan3A_49 = arith.constant 0 : i32
    %scan3A_50 = arith.constant 387 : i32
    %scan3A_51 = arith.addi %scan3A_14, %scan3A_50 : i32
    %broadcast_in_dim3A_52 = arith.constant 0.000000e+00 : f32
    %broadcast_in_dim3A_53 = vector.broadcast %broadcast_in_dim3A_52 : f32 to vector<16xf32>
    %mul3A_54 = arith.constant 16 : i32
    %mul3A_55 = arith.muli %scan3A_51, %mul3A_54 : i32
    %swap3A_56 = arith.index_cast %mul3A_55 : i32 to index
    %swap3A_57 = tpu.vector_load %arg8[%swap3A_56] {strides = array<i32>} : memref<10240xf32, #tpu.memory_space<vmem>>, vector<16xf32>,
    %swap3A_58 = vector.shape_cast %swap3A_57 : vector<16xf32> to vector<16xf32>
    %swap3A_59 = vector.shape_cast %broadcast_in_dim3A_53 : vector<16xf32> to vector<16xf32>
    tpu.vector_store %arg8[%swap3A_56], %swap3A_59 {strides = array<i32>} : memref<10240xf32, #tpu.memory_space<vmem>>, vector<16xf32>,
    %scan3A_60 = arith.constant 0 : i32
    %scan3A_61 = arith.constant 388 : i32
    %scan3A_62 = arith.addi %scan3A_14, %scan3A_61 : i32
    %broadcast_in_dim3A_63 = arith.constant 0.000000e+00 : f32
    %broadcast_in_dim3A_64 = vector.broadcast %broadcast_in_dim3A_63 : f32 to vector<16xf32>
    %mul3A_65 = arith.constant 16 : i32
    %mul3A_66 = arith.muli %scan3A_62, %mul3A_65 : i32
    %swap3A_67 = arith.index_cast %mul3A_66 : i32 to index
    %swap3A_68 = tpu.vector_load %arg8[%swap3A_67] {strides = array<i32>} : memref<10240xf32, #tpu.memory_space<vmem>>, vector<16xf32>,
    %swap3A_69 = vector.shape_cast %swap3A_68 : vector<16xf32> to vector<16xf32>
    %swap3A_70 = vector.shape_cast %broadcast_in_dim3A_64 : vector<16xf32> to vector<16xf32>
    tpu.vector_store %arg8[%swap3A_67], %swap3A_70 {strides = array<i32>} : memref<10240xf32, #tpu.memory_space<vmem>>, vector<16xf32>,
    %scan3A_71 = arith.constant 0 : i32
    %scan3A_72 = arith.constant 389 : i32
    %scan3A_73 = arith.addi %scan3A_14, %scan3A_72 : i32
    %broadcast_in_dim3A_74 = arith.constant 0.000000e+00 : f32
    %broadcast_in_dim3A_75 = vector.broadcast %broadcast_in_dim3A_74 : f32 to vector<16xf32>
    %mul3A_76 = arith.constant 16 : i32
    %mul3A_77 = arith.muli %scan3A_73, %mul3A_76 : i32
    %swap3A_78 = arith.index_cast %mul3A_77 : i32 to index
    %swap3A_79 = tpu.vector_load %arg8[%swap3A_78] {strides = array<i32>} : memref<10240xf32, #tpu.memory_space<vmem>>, vector<16xf32>,
    %swap3A_80 = vector.shape_cast %swap3A_79 : vector<16xf32> to vector<16xf32>
    %swap3A_81 = vector.shape_cast %broadcast_in_dim3A_75 : vector<16xf32> to vector<16xf32>
    tpu.vector_store %arg8[%swap3A_78], %swap3A_81 {strides = array<i32>} : memref<10240xf32, #tpu.memory_space<vmem>>, vector<16xf32>,
    %scan3A_82 = arith.constant 0 : i32
    %scan3A_83 = arith.constant 390 : i32
    %scan3A_84 = arith.addi %scan3A_14, %scan3A_83 : i32
    %broadcast_in_dim3A_85 = arith.constant 0.000000e+00 : f32
    %broadcast_in_dim3A_86 = vector.broadcast %broadcast_in_dim3A_85 : f32 to vector<16xf32>
    %mul3A_87 = arith.constant 16 : i32
    %mul3A_88 = arith.muli %scan3A_84, %mul3A_87 : i32
    %swap3A_89 = arith.index_cast %mul3A_88 : i32 to index
    %swap3A_90 = tpu.vector_load %arg8[%swap3A_89] {strides = array<i32>} : memref<10240xf32, #tpu.memory_space<vmem>>, vector<16xf32>,
    %swap3A_91 = vector.shape_cast %swap3A_90 : vector<16xf32> to vector<16xf32>
    %swap3A_92 = vector.shape_cast %broadcast_in_dim3A_86 : vector<16xf32> to vector<16xf32>
    tpu.vector_store %arg8[%swap3A_89], %swap3A_92 {strides = array<i32>} : memref<10240xf32, #tpu.memory_space<vmem>>, vector<16xf32>,
    %scan3A_93 = arith.constant 0 : i32
    %scan3A_94 = arith.constant 391 : i32
    %mul3A_95 = arith.constant 6256 : i32
    %mul3A_96 = arith.muli %arg1, %mul3A_95 : i32
    "tpu.region"() ({
      %run_scoped3A = tpu.sem_alloc : memref<!tpu.dma_semaphore, #tpu.memory_space<semaphore_mem>>
      %dma_start3A_123 = arith.constant 0 : i32
      %dma_start3A_124 = tpu.memref_slice %arg8[%dma_start3A_123] : memref<10240xf32, #tpu.memory_space<vmem>> -> memref<6256xf32, #tpu.memory_space<vmem>>
      %dma_start3A_125 = tpu.memref_slice %arg7[%mul3A_96] : memref<100096xf32, #tpu.memory_space<vmem_shared>> -> memref<6256xf32, #tpu.memory_space<vmem_shared>>
      %dma_start3A_126 = tpu.memref_slice %arg7[%mul3A_96] : memref<100096xf32, #tpu.memory_space<vmem_shared>> -> memref<6256xf32, #tpu.memory_space<vmem_shared>>
      %dma_start3A_127 = arith.constant 0 : i32
      %dma_start3A_128 = tpu.memref_slice %arg8[%dma_start3A_127] : memref<10240xf32, #tpu.memory_space<vmem>> -> memref<6256xf32, #tpu.memory_space<vmem>>
      tpu.enqueue_dma source(%dma_start3A_128 : memref<6256xf32, #tpu.memory_space<vmem>>) target(%dma_start3A_126 : memref<6256xf32, #tpu.memory_space<vmem_shared>>) target_semaphore(%run_scoped3A : memref<!tpu.dma_semaphore, #tpu.memory_space<semaphore_mem>>)
      %dma_wait3A = arith.constant 0 : i32
      %dma_wait3A_129 = tpu.memref_slice %arg8[%dma_wait3A] : memref<10240xf32, #tpu.memory_space<vmem>> -> memref<6256xf32, #tpu.memory_space<vmem>>
      %dma_wait3A_130 = tpu.memref_slice %arg7[%mul3A_96] : memref<100096xf32, #tpu.memory_space<vmem_shared>> -> memref<6256xf32, #tpu.memory_space<vmem_shared>>
      %dma_wait3A_131 = tpu.memref_slice %arg7[%mul3A_96] : memref<100096xf32, #tpu.memory_space<vmem_shared>> -> memref<6256xf32, #tpu.memory_space<vmem_shared>>
      %dma_wait3A_132 = arith.constant 0 : i32
      %dma_wait3A_133 = tpu.memref_slice %arg8[%dma_wait3A_132] : memref<10240xf32, #tpu.memory_space<vmem>> -> memref<6256xf32, #tpu.memory_space<vmem>>
      tpu.wait_dma2 semaphore(%run_scoped3A : memref<!tpu.dma_semaphore, #tpu.memory_space<semaphore_mem>>) src(%dma_wait3A_133 : memref<6256xf32, #tpu.memory_space<vmem>>) dst(%dma_wait3A_131 : memref<6256xf32, #tpu.memory_space<vmem_shared>>)
      tpu.yield
    }) : () -> ()
    %barrier3A = arith.constant 0 : index
    tpu.barrier barrier_id(%barrier3A)
    %scan3A_97 = arith.constant 0 : i32
    %scan3A_98 = arith.constant 0 : i32
    %scan3A_99 = arith.constant 4 : i32
    %scan3A_100 = arith.addi %scan3A_98, %scan3A_99 : i32
    %scan3A_101 = arith.constant 1 : i32
    %scan3A_102 = scf.for %scan3A_123 = %scan3A_98 to %scan3A_100 step %scan3A_101 iter_args(%scan3A_124 = %scan3A_97) -> (i32)  : i32 {
      %mul3A_125 = arith.constant 6 : i32
      %mul3A_126 = arith.muli %mul3A_125, %scan3A_123 : i32
      %add3A_127 = arith.constant 0 : i32
      %add3A_128 = arith.addi %mul3A_126, %add3A_127 : i32
      %mul3A_129 = arith.constant 32 : i32
      %mul3A_130 = arith.muli %add3A_128, %mul3A_129 : i32
      %add3A_131 = arith.addi %add3A, %mul3A_130 : i32
      %sub3A = arith.constant 2 : i32
      %sub3A_132 = arith.subi %add3A_128, %sub3A : i32
      %mul3A_133 = arith.constant 32 : i32
      %mul3A_134 = arith.muli %sub3A_132, %mul3A_133 : i32
      %add3A_135 = arith.addi %add3A, %mul3A_134 : i32
      %add3A_136 = arith.constant 1 : i32
      %add3A_137 = arith.addi %add3A_128, %add3A_136 : i32
      %mul3A_138 = arith.constant 32 : i32
      %mul3A_139 = arith.muli %add3A_137, %mul3A_138 : i32
      %add3A_140 = arith.addi %add3A, %mul3A_139 : i32
      %lt3A_141 = arith.constant 625 : i32
      %lt3A_142 = arith.cmpi slt, %add3A_131, %lt3A_141 : i32
      %convert_element_type3A_143 = arith.extui %lt3A_142 : i1 to i32
      %cond3A_144 = arith.constant 0 : i32
      %cond3A_145 = arith.cmpi ne, %convert_element_type3A_143, %cond3A_144 : i32
      scf.if %cond3A_145 {
        %mul3A_363 = arith.constant 80 : i32
        %mul3A_364 = arith.muli %add3A_131, %mul3A_363 : i32
        %dma_wait3A = arith.constant 0 : i32
        %dma_wait3A_365 = tpu.memref_slice %arg2[%mul3A_364, %dma_wait3A] : memref<50000x128xi32, #tpu.memory_space<hbm>> -> memref<80x128xi32, #tpu.memory_space<hbm>>
        %dma_wait3A_366 = arith.constant 0 : i32
        %dma_wait3A_367 = tpu.memref_slice %arg2[%mul3A_364, %dma_wait3A_366] : memref<50000x128xi32, #tpu.memory_space<hbm>> -> memref<80x128xi32, #tpu.memory_space<hbm>>
        tpu.wait_dma2 semaphore(%arg14 : memref<!tpu.dma_semaphore, #tpu.memory_space<semaphore_mem>>) src(%dma_wait3A_367 : memref<80x128xi32, #tpu.memory_space<hbm>>) dst(%arg11 : memref<80x128xi32, #tpu.memory_space<vmem>>)
        %mul3A_368 = arith.constant 10240 : i32
        %mul3A_369 = arith.muli %add3A_131, %mul3A_368 : i32
        %dma_wait3A_370 = tpu.memref_slice %arg3[%mul3A_369] : memref<6400000xf32, #tpu.memory_space<hbm>> -> memref<10240xf32, #tpu.memory_space<hbm>>
        %dma_wait3A_371 = tpu.memref_slice %arg3[%mul3A_369] : memref<6400000xf32, #tpu.memory_space<hbm>> -> memref<10240xf32, #tpu.memory_space<hbm>>
        tpu.wait_dma2 semaphore(%arg14 : memref<!tpu.dma_semaphore, #tpu.memory_space<semaphore_mem>>) src(%dma_wait3A_371 : memref<10240xf32, #tpu.memory_space<hbm>>) dst(%arg15 : memref<10240xf32, #tpu.memory_space<vmem>>)
        %mul3A_372 = arith.constant 10240 : i32
        %mul3A_373 = arith.muli %add3A_131, %mul3A_372 : i32
        %dma_wait3A_374 = tpu.memref_slice %arg4[%mul3A_373] : memref<6400000xf32, #tpu.memory_space<hbm>> -> memref<10240xf32, #tpu.memory_space<hbm>>
        %dma_wait3A_375 = tpu.memref_slice %arg4[%mul3A_373] : memref<6400000xf32, #tpu.memory_space<hbm>> -> memref<10240xf32, #tpu.memory_space<hbm>>
        tpu.wait_dma2 semaphore(%arg14 : memref<!tpu.dma_semaphore, #tpu.memory_space<semaphore_mem>>) src(%dma_wait3A_375 : memref<10240xf32, #tpu.memory_space<hbm>>) dst(%arg17 : memref<10240xf32, #tpu.memory_space<vmem>>)
      } else {
      }
      %ge3A = arith.constant 2 : i32
      %ge3A_146 = arith.cmpi sge, %add3A_128, %ge3A : i32
      %lt3A_147 = arith.constant 625 : i32
      %lt3A_148 = arith.cmpi slt, %add3A_135, %lt3A_147 : i32
      %and3A = arith.andi %ge3A_146, %lt3A_148 : i1
      %convert_element_type3A_149 = arith.extui %and3A : i1 to i32
      %cond3A_150 = arith.constant 0 : i32
      %cond3A_151 = arith.cmpi ne, %convert_element_type3A_149, %cond3A_150 : i32
      scf.if %cond3A_151 {
        %scan3A_363 = arith.constant 0 : i32
        %scan3A_364 = arith.constant 0 : i32
        %scan3A_365 = arith.constant 80 : i32
        %scan3A_366 = arith.addi %scan3A_364, %scan3A_365 : i32
        %scan3A_367 = arith.constant 1 : i32
        %scan3A_368 = scf.for %scan3A_373 = %scan3A_364 to %scan3A_366 step %scan3A_367 iter_args(%scan3A_374 = %scan3A_363) -> (i32)  : i32 {
          %mul3A_375 = arith.constant 128 : i32
          %mul3A_376 = arith.muli %scan3A_373, %mul3A_375 : i32
          %dma_wait3A_377 = tpu.memref_slice %arg9[%mul3A_376] : memref<10240xf32, #tpu.memory_space<vmem>> -> memref<128xf32, #tpu.memory_space<vmem>>
          %dma_wait3A_378 = arith.constant 0 : i32
          %dma_wait3A_379 = tpu.memref_slice %arg12[%scan3A_373, %dma_wait3A_378] : memref<80x128xi32, #tpu.memory_space<vmem>> -> memref<1x128xi32, #tpu.memory_space<vmem>>
          %dma_wait3A_380 = tpu.memref_squeeze %dma_wait3A_379 : memref<1x128xi32, #tpu.memory_space<vmem>> -> memref<128xi32, #tpu.memory_space<vmem>>
          %dma_wait3A_381 = arith.constant 0 : i32
          %dma_wait3A_382 = tpu.memref_slice %arg7[%dma_wait3A_381] : memref<100096xf32, #tpu.memory_space<vmem_shared>> -> memref<100096xf32, #tpu.memory_space<vmem_shared>>
          tpu.wait_indirect_dma semaphore(%arg19 : memref<!tpu.dma_semaphore, #tpu.memory_space<semaphore_mem>>) src(%dma_wait3A_377 : memref<128xf32, #tpu.memory_space<vmem>>) dst(%dma_wait3A_382 : memref<100096xf32, #tpu.memory_space<vmem_shared>>)
          %scan3A_383 = arith.constant 0 : i32
          scf.yield %scan3A_383 : i32
        }
        %scan3A_369 = arith.constant 80 : i32
        %mul3A_370 = arith.constant 10240 : i32
        %mul3A_371 = arith.muli %add3A_135, %mul3A_370 : i32
        %dma_wait3A = tpu.memref_slice %arg5[%mul3A_371] : memref<6400000xf32, #tpu.memory_space<hbm>> -> memref<10240xf32, #tpu.memory_space<hbm>>
        %dma_wait3A_372 = tpu.memref_slice %arg5[%mul3A_371] : memref<6400000xf32, #tpu.memory_space<hbm>> -> memref<10240xf32, #tpu.memory_space<hbm>>
        tpu.wait_dma2 semaphore(%arg20 : memref<!tpu.dma_semaphore, #tpu.memory_space<semaphore_mem>>) src(%arg9 : memref<10240xf32, #tpu.memory_space<vmem>>) dst(%dma_wait3A_372 : memref<10240xf32, #tpu.memory_space<hbm>>)
      } else {
      }
      %lt3A_152 = arith.constant 625 : i32
      %lt3A_153 = arith.cmpi slt, %add3A_140, %lt3A_152 : i32
      %convert_element_type3A_154 = arith.extui %lt3A_153 : i1 to i32
      %cond3A_155 = arith.constant 0 : i32
      %cond3A_156 = arith.cmpi ne, %convert_element_type3A_154, %cond3A_155 : i32
      scf.if %cond3A_156 {
        %mul3A_363 = arith.constant 80 : i32
        %mul3A_364 = arith.muli %add3A_140, %mul3A_363 : i32
        %dma_start3A_365 = arith.constant 0 : i32
        %dma_start3A_366 = tpu.memref_slice %arg2[%mul3A_364, %dma_start3A_365] : memref<50000x128xi32, #tpu.memory_space<hbm>> -> memref<80x128xi32, #tpu.memory_space<hbm>>
        %dma_start3A_367 = arith.constant 0 : i32
        %dma_start3A_368 = tpu.memref_slice %arg2[%mul3A_364, %dma_start3A_367] : memref<50000x128xi32, #tpu.memory_space<hbm>> -> memref<80x128xi32, #tpu.memory_space<hbm>>
        tpu.enqueue_dma source(%dma_start3A_368 : memref<80x128xi32, #tpu.memory_space<hbm>>) target(%arg12 : memref<80x128xi32, #tpu.memory_space<vmem>>) target_semaphore(%arg14 : memref<!tpu.dma_semaphore, #tpu.memory_space<semaphore_mem>>)
        %mul3A_369 = arith.constant 10240 : i32
        %mul3A_370 = arith.muli %add3A_140, %mul3A_369 : i32
        %dma_start3A_371 = tpu.memref_slice %arg3[%mul3A_370] : memref<6400000xf32, #tpu.memory_space<hbm>> -> memref<10240xf32, #tpu.memory_space<hbm>>
        %dma_start3A_372 = tpu.memref_slice %arg3[%mul3A_370] : memref<6400000xf32, #tpu.memory_space<hbm>> -> memref<10240xf32, #tpu.memory_space<hbm>>
        tpu.enqueue_dma source(%dma_start3A_372 : memref<10240xf32, #tpu.memory_space<hbm>>) target(%arg16 : memref<10240xf32, #tpu.memory_space<vmem>>) target_semaphore(%arg14 : memref<!tpu.dma_semaphore, #tpu.memory_space<semaphore_mem>>)
        %mul3A_373 = arith.constant 10240 : i32
        %mul3A_374 = arith.muli %add3A_140, %mul3A_373 : i32
        %dma_start3A_375 = tpu.memref_slice %arg4[%mul3A_374] : memref<6400000xf32, #tpu.memory_space<hbm>> -> memref<10240xf32, #tpu.memory_space<hbm>>
        %dma_start3A_376 = tpu.memref_slice %arg4[%mul3A_374] : memref<6400000xf32, #tpu.memory_space<hbm>> -> memref<10240xf32, #tpu.memory_space<hbm>>
        tpu.enqueue_dma source(%dma_start3A_376 : memref<10240xf32, #tpu.memory_space<hbm>>) target(%arg18 : memref<10240xf32, #tpu.memory_space<vmem>>) target_semaphore(%arg14 : memref<!tpu.dma_semaphore, #tpu.memory_space<semaphore_mem>>)
      } else {
      }
      %lt3A_157 = arith.constant 625 : i32
      %lt3A_158 = arith.cmpi slt, %add3A_131, %lt3A_157 : i32
      %convert_element_type3A_159 = arith.extui %lt3A_158 : i1 to i32
      %cond3A_160 = arith.constant 0 : i32
      %cond3A_161 = arith.cmpi ne, %convert_element_type3A_159, %cond3A_160 : i32
      scf.if %cond3A_161 {
        %scan3A_363 = arith.constant 0 : i32
        %scan3A_364 = arith.constant 0 : i32
        %scan3A_365 = arith.constant 80 : i32
        %scan3A_366 = arith.addi %scan3A_364, %scan3A_365 : i32
        %scan3A_367 = arith.constant 1 : i32
        %scan3A_368 = scf.for %scan3A_374 = %scan3A_364 to %scan3A_366 step %scan3A_367 iter_args(%scan3A_375 = %scan3A_363) -> (i32)  : i32 {
          %mul3A_376 = arith.constant 128 : i32
          %mul3A_377 = arith.muli %scan3A_374, %mul3A_376 : i32
          %add3A_378 = arith.constant 0 : i32
          %add3A_379 = arith.addi %mul3A_377, %add3A_378 : i32
          %get3A = arith.index_cast %add3A_379 : i32 to index
          %get3A_380 = tpu.vector_load %arg15[%get3A] {strides = array<i32>} : memref<10240xf32, #tpu.memory_space<vmem>>, vector<16xf32>,
          %get3A_381 = vector.shape_cast %get3A_380 : vector<16xf32> to vector<16xf32>
          %get3A_382 = arith.index_cast %add3A_379 : i32 to index
          %get3A_383 = tpu.vector_load %arg17[%get3A_382] {strides = array<i32>} : memref<10240xf32, #tpu.memory_space<vmem>>, vector<16xf32>,
          %get3A_384 = vector.shape_cast %get3A_383 : vector<16xf32> to vector<16xf32>
          %mul3A_385 = arith.mulf %get3A_381, %get3A_384 : vector<16xf32>
          %swap3A_386 = arith.index_cast %add3A_379 : i32 to index
          %swap3A_387 = tpu.vector_load %arg8[%swap3A_386] {strides = array<i32>} : memref<10240xf32, #tpu.memory_space<vmem>>, vector<16xf32>,
          %swap3A_388 = vector.shape_cast %swap3A_387 : vector<16xf32> to vector<16xf32>
          %swap3A_389 = vector.shape_cast %mul3A_385 : vector<16xf32> to vector<16xf32>
          tpu.vector_store %arg8[%swap3A_386], %swap3A_389 {strides = array<i32>} : memref<10240xf32, #tpu.memory_space<vmem>>, vector<16xf32>,
          %mul3A_390 = arith.constant 128 : i32
          %mul3A_391 = arith.muli %scan3A_374, %mul3A_390 : i32
          %add3A_392 = arith.constant 16 : i32
          %add3A_393 = arith.addi %mul3A_391, %add3A_392 : i32
          %get3A_394 = arith.index_cast %add3A_393 : i32 to index
          %get3A_395 = tpu.vector_load %arg15[%get3A_394] {strides = array<i32>} : memref<10240xf32, #tpu.memory_space<vmem>>, vector<16xf32>,
          %get3A_396 = vector.shape_cast %get3A_395 : vector<16xf32> to vector<16xf32>
          %get3A_397 = arith.index_cast %add3A_393 : i32 to index
          %get3A_398 = tpu.vector_load %arg17[%get3A_397] {strides = array<i32>} : memref<10240xf32, #tpu.memory_space<vmem>>, vector<16xf32>,
          %get3A_399 = vector.shape_cast %get3A_398 : vector<16xf32> to vector<16xf32>
          %mul3A_400 = arith.mulf %get3A_396, %get3A_399 : vector<16xf32>
          %swap3A_401 = arith.index_cast %add3A_393 : i32 to index
          %swap3A_402 = tpu.vector_load %arg8[%swap3A_401] {strides = array<i32>} : memref<10240xf32, #tpu.memory_space<vmem>>, vector<16xf32>,
          %swap3A_403 = vector.shape_cast %swap3A_402 : vector<16xf32> to vector<16xf32>
          %swap3A_404 = vector.shape_cast %mul3A_400 : vector<16xf32> to vector<16xf32>
          tpu.vector_store %arg8[%swap3A_401], %swap3A_404 {strides = array<i32>} : memref<10240xf32, #tpu.memory_space<vmem>>, vector<16xf32>,
          %mul3A_405 = arith.constant 128 : i32
          %mul3A_406 = arith.muli %scan3A_374, %mul3A_405 : i32
          %add3A_407 = arith.constant 32 : i32
          %add3A_408 = arith.addi %mul3A_406, %add3A_407 : i32
          %get3A_409 = arith.index_cast %add3A_408 : i32 to index
          %get3A_410 = tpu.vector_load %arg15[%get3A_409] {strides = array<i32>} : memref<10240xf32, #tpu.memory_space<vmem>>, vector<16xf32>,
          %get3A_411 = vector.shape_cast %get3A_410 : vector<16xf32> to vector<16xf32>
          %get3A_412 = arith.index_cast %add3A_408 : i32 to index
          %get3A_413 = tpu.vector_load %arg17[%get3A_412] {strides = array<i32>} : memref<10240xf32, #tpu.memory_space<vmem>>, vector<16xf32>,
          %get3A_414 = vector.shape_cast %get3A_413 : vector<16xf32> to vector<16xf32>
          %mul3A_415 = arith.mulf %get3A_411, %get3A_414 : vector<16xf32>
          %swap3A_416 = arith.index_cast %add3A_408 : i32 to index
          %swap3A_417 = tpu.vector_load %arg8[%swap3A_416] {strides = array<i32>} : memref<10240xf32, #tpu.memory_space<vmem>>, vector<16xf32>,
          %swap3A_418 = vector.shape_cast %swap3A_417 : vector<16xf32> to vector<16xf32>
          %swap3A_419 = vector.shape_cast %mul3A_415 : vector<16xf32> to vector<16xf32>
          tpu.vector_store %arg8[%swap3A_416], %swap3A_419 {strides = array<i32>} : memref<10240xf32, #tpu.memory_space<vmem>>, vector<16xf32>,
          %mul3A_420 = arith.constant 128 : i32
          %mul3A_421 = arith.muli %scan3A_374, %mul3A_420 : i32
          %add3A_422 = arith.constant 48 : i32
          %add3A_423 = arith.addi %mul3A_421, %add3A_422 : i32
          %get3A_424 = arith.index_cast %add3A_423 : i32 to index
          %get3A_425 = tpu.vector_load %arg15[%get3A_424] {strides = array<i32>} : memref<10240xf32, #tpu.memory_space<vmem>>, vector<16xf32>,
          %get3A_426 = vector.shape_cast %get3A_425 : vector<16xf32> to vector<16xf32>
          %get3A_427 = arith.index_cast %add3A_423 : i32 to index
          %get3A_428 = tpu.vector_load %arg17[%get3A_427] {strides = array<i32>} : memref<10240xf32, #tpu.memory_space<vmem>>, vector<16xf32>,
          %get3A_429 = vector.shape_cast %get3A_428 : vector<16xf32> to vector<16xf32>
          %mul3A_430 = arith.mulf %get3A_426, %get3A_429 : vector<16xf32>
          %swap3A_431 = arith.index_cast %add3A_423 : i32 to index
          %swap3A_432 = tpu.vector_load %arg8[%swap3A_431] {strides = array<i32>} : memref<10240xf32, #tpu.memory_space<vmem>>, vector<16xf32>,
          %swap3A_433 = vector.shape_cast %swap3A_432 : vector<16xf32> to vector<16xf32>
          %swap3A_434 = vector.shape_cast %mul3A_430 : vector<16xf32> to vector<16xf32>
          tpu.vector_store %arg8[%swap3A_431], %swap3A_434 {strides = array<i32>} : memref<10240xf32, #tpu.memory_space<vmem>>, vector<16xf32>,
          %mul3A_435 = arith.constant 128 : i32
          %mul3A_436 = arith.muli %scan3A_374, %mul3A_435 : i32
          %add3A_437 = arith.constant 64 : i32
          %add3A_438 = arith.addi %mul3A_436, %add3A_437 : i32
          %get3A_439 = arith.index_cast %add3A_438 : i32 to index
          %get3A_440 = tpu.vector_load %arg15[%get3A_439] {strides = array<i32>} : memref<10240xf32, #tpu.memory_space<vmem>>, vector<16xf32>,
          %get3A_441 = vector.shape_cast %get3A_440 : vector<16xf32> to vector<16xf32>
          %get3A_442 = arith.index_cast %add3A_438 : i32 to index
          %get3A_443 = tpu.vector_load %arg17[%get3A_442] {strides = array<i32>} : memref<10240xf32, #tpu.memory_space<vmem>>, vector<16xf32>,
          %get3A_444 = vector.shape_cast %get3A_443 : vector<16xf32> to vector<16xf32>
          %mul3A_445 = arith.mulf %get3A_441, %get3A_444 : vector<16xf32>
          %swap3A_446 = arith.index_cast %add3A_438 : i32 to index
          %swap3A_447 = tpu.vector_load %arg8[%swap3A_446] {strides = array<i32>} : memref<10240xf32, #tpu.memory_space<vmem>>, vector<16xf32>,
          %swap3A_448 = vector.shape_cast %swap3A_447 : vector<16xf32> to vector<16xf32>
          %swap3A_449 = vector.shape_cast %mul3A_445 : vector<16xf32> to vector<16xf32>
          tpu.vector_store %arg8[%swap3A_446], %swap3A_449 {strides = array<i32>} : memref<10240xf32, #tpu.memory_space<vmem>>, vector<16xf32>,
          %mul3A_450 = arith.constant 128 : i32
          %mul3A_451 = arith.muli %scan3A_374, %mul3A_450 : i32
          %add3A_452 = arith.constant 80 : i32
          %add3A_453 = arith.addi %mul3A_451, %add3A_452 : i32
          %get3A_454 = arith.index_cast %add3A_453 : i32 to index
          %get3A_455 = tpu.vector_load %arg15[%get3A_454] {strides = array<i32>} : memref<10240xf32, #tpu.memory_space<vmem>>, vector<16xf32>,
          %get3A_456 = vector.shape_cast %get3A_455 : vector<16xf32> to vector<16xf32>
          %get3A_457 = arith.index_cast %add3A_453 : i32 to index
          %get3A_458 = tpu.vector_load %arg17[%get3A_457] {strides = array<i32>} : memref<10240xf32, #tpu.memory_space<vmem>>, vector<16xf32>,
          %get3A_459 = vector.shape_cast %get3A_458 : vector<16xf32> to vector<16xf32>
          %mul3A_460 = arith.mulf %get3A_456, %get3A_459 : vector<16xf32>
          %swap3A_461 = arith.index_cast %add3A_453 : i32 to index
          %swap3A_462 = tpu.vector_load %arg8[%swap3A_461] {strides = array<i32>} : memref<10240xf32, #tpu.memory_space<vmem>>, vector<16xf32>,
          %swap3A_463 = vector.shape_cast %swap3A_462 : vector<16xf32> to vector<16xf32>
          %swap3A_464 = vector.shape_cast %mul3A_460 : vector<16xf32> to vector<16xf32>
          tpu.vector_store %arg8[%swap3A_461], %swap3A_464 {strides = array<i32>} : memref<10240xf32, #tpu.memory_space<vmem>>, vector<16xf32>,
          %mul3A_465 = arith.constant 128 : i32
          %mul3A_466 = arith.muli %scan3A_374, %mul3A_465 : i32
          %add3A_467 = arith.constant 96 : i32
          %add3A_468 = arith.addi %mul3A_466, %add3A_467 : i32
          %get3A_469 = arith.index_cast %add3A_468 : i32 to index
          %get3A_470 = tpu.vector_load %arg15[%get3A_469] {strides = array<i32>} : memref<10240xf32, #tpu.memory_space<vmem>>, vector<16xf32>,
          %get3A_471 = vector.shape_cast %get3A_470 : vector<16xf32> to vector<16xf32>
          %get3A_472 = arith.index_cast %add3A_468 : i32 to index
          %get3A_473 = tpu.vector_load %arg17[%get3A_472] {strides = array<i32>} : memref<10240xf32, #tpu.memory_space<vmem>>, vector<16xf32>,
          %get3A_474 = vector.shape_cast %get3A_473 : vector<16xf32> to vector<16xf32>
          %mul3A_475 = arith.mulf %get3A_471, %get3A_474 : vector<16xf32>
          %swap3A_476 = arith.index_cast %add3A_468 : i32 to index
          %swap3A_477 = tpu.vector_load %arg8[%swap3A_476] {strides = array<i32>} : memref<10240xf32, #tpu.memory_space<vmem>>, vector<16xf32>,
          %swap3A_478 = vector.shape_cast %swap3A_477 : vector<16xf32> to vector<16xf32>
          %swap3A_479 = vector.shape_cast %mul3A_475 : vector<16xf32> to vector<16xf32>
          tpu.vector_store %arg8[%swap3A_476], %swap3A_479 {strides = array<i32>} : memref<10240xf32, #tpu.memory_space<vmem>>, vector<16xf32>,
          %mul3A_480 = arith.constant 128 : i32
          %mul3A_481 = arith.muli %scan3A_374, %mul3A_480 : i32
          %add3A_482 = arith.constant 112 : i32
          %add3A_483 = arith.addi %mul3A_481, %add3A_482 : i32
          %get3A_484 = arith.index_cast %add3A_483 : i32 to index
          %get3A_485 = tpu.vector_load %arg15[%get3A_484] {strides = array<i32>} : memref<10240xf32, #tpu.memory_space<vmem>>, vector<16xf32>,
          %get3A_486 = vector.shape_cast %get3A_485 : vector<16xf32> to vector<16xf32>
          %get3A_487 = arith.index_cast %add3A_483 : i32 to index
          %get3A_488 = tpu.vector_load %arg17[%get3A_487] {strides = array<i32>} : memref<10240xf32, #tpu.memory_space<vmem>>, vector<16xf32>,
          %get3A_489 = vector.shape_cast %get3A_488 : vector<16xf32> to vector<16xf32>
          %mul3A_490 = arith.mulf %get3A_486, %get3A_489 : vector<16xf32>
          %swap3A_491 = arith.index_cast %add3A_483 : i32 to index
          %swap3A_492 = tpu.vector_load %arg8[%swap3A_491] {strides = array<i32>} : memref<10240xf32, #tpu.memory_space<vmem>>, vector<16xf32>,
          %swap3A_493 = vector.shape_cast %swap3A_492 : vector<16xf32> to vector<16xf32>
          %swap3A_494 = vector.shape_cast %mul3A_490 : vector<16xf32> to vector<16xf32>
          tpu.vector_store %arg8[%swap3A_491], %swap3A_494 {strides = array<i32>} : memref<10240xf32, #tpu.memory_space<vmem>>, vector<16xf32>,
          %mul3A_495 = arith.constant 128 : i32
          %mul3A_496 = arith.muli %scan3A_374, %mul3A_495 : i32
          %dma_start3A_497 = tpu.memref_slice %arg8[%mul3A_496] : memref<10240xf32, #tpu.memory_space<vmem>> -> memref<128xf32, #tpu.memory_space<vmem>>
          %dma_start3A_498 = arith.constant 0 : i32
          %dma_start3A_499 = tpu.memref_slice %arg11[%scan3A_374, %dma_start3A_498] : memref<80x128xi32, #tpu.memory_space<vmem>> -> memref<1x128xi32, #tpu.memory_space<vmem>>
          %dma_start3A_500 = tpu.memref_squeeze %dma_start3A_499 : memref<1x128xi32, #tpu.memory_space<vmem>> -> memref<128xi32, #tpu.memory_space<vmem>>
          %dma_start3A_501 = arith.constant 0 : i32
          %dma_start3A_502 = tpu.memref_slice %arg7[%dma_start3A_501] : memref<100096xf32, #tpu.memory_space<vmem_shared>> -> memref<100096xf32, #tpu.memory_space<vmem_shared>>
          tpu.enqueue_indirect_dma source(%dma_start3A_497 : memref<128xf32, #tpu.memory_space<vmem>>) target(%dma_start3A_502 : memref<100096xf32, #tpu.memory_space<vmem_shared>>) offsets(%dma_start3A_500 : memref<128xi32, #tpu.memory_space<vmem>>) semaphore(%arg19 : memref<!tpu.dma_semaphore, #tpu.memory_space<semaphore_mem>>) {add = true}
          %scan3A_503 = arith.constant 0 : i32
          scf.yield %scan3A_503 : i32
        }
        %scan3A_369 = arith.constant 80 : i32
        %mul3A_370 = arith.constant 10240 : i32
        %mul3A_371 = arith.muli %add3A_131, %mul3A_370 : i32
        %dma_start3A_372 = tpu.memref_slice %arg5[%mul3A_371] : memref<6400000xf32, #tpu.memory_space<hbm>> -> memref<10240xf32, #tpu.memory_space<hbm>>
        %dma_start3A_373 = tpu.memref_slice %arg5[%mul3A_371] : memref<6400000xf32, #tpu.memory_space<hbm>> -> memref<10240xf32, #tpu.memory_space<hbm>>
        tpu.enqueue_dma source(%arg8 : memref<10240xf32, #tpu.memory_space<vmem>>) target(%dma_start3A_373 : memref<10240xf32, #tpu.memory_space<hbm>>) target_semaphore(%arg20 : memref<!tpu.dma_semaphore, #tpu.memory_space<semaphore_mem>>)
      } else {
      }
      %mul3A_162 = arith.constant 6 : i32
      %mul3A_163 = arith.muli %mul3A_162, %scan3A_123 : i32
      %add3A_164 = arith.constant 1 : i32
      %add3A_165 = arith.addi %mul3A_163, %add3A_164 : i32
      %mul3A_166 = arith.constant 32 : i32
      %mul3A_167 = arith.muli %add3A_165, %mul3A_166 : i32
      %add3A_168 = arith.addi %add3A, %mul3A_167 : i32
      %sub3A_169 = arith.constant 2 : i32
      %sub3A_170 = arith.subi %add3A_165, %sub3A_169 : i32
      %mul3A_171 = arith.constant 32 : i32
      %mul3A_172 = arith.muli %sub3A_170, %mul3A_171 : i32
      %add3A_173 = arith.addi %add3A, %mul3A_172 : i32
      %add3A_174 = arith.constant 1 : i32
      %add3A_175 = arith.addi %add3A_165, %add3A_174 : i32
      %mul3A_176 = arith.constant 32 : i32
      %mul3A_177 = arith.muli %add3A_175, %mul3A_176 : i32
      %add3A_178 = arith.addi %add3A, %mul3A_177 : i32
      %lt3A_179 = arith.constant 625 : i32
      %lt3A_180 = arith.cmpi slt, %add3A_168, %lt3A_179 : i32
      %convert_element_type3A_181 = arith.extui %lt3A_180 : i1 to i32
      %cond3A_182 = arith.constant 0 : i32
      %cond3A_183 = arith.cmpi ne, %convert_element_type3A_181, %cond3A_182 : i32
      scf.if %cond3A_183 {
        %mul3A_363 = arith.constant 80 : i32
        %mul3A_364 = arith.muli %add3A_168, %mul3A_363 : i32
        %dma_wait3A = arith.constant 0 : i32
        %dma_wait3A_365 = tpu.memref_slice %arg2[%mul3A_364, %dma_wait3A] : memref<50000x128xi32, #tpu.memory_space<hbm>> -> memref<80x128xi32, #tpu.memory_space<hbm>>
        %dma_wait3A_366 = arith.constant 0 : i32
        %dma_wait3A_367 = tpu.memref_slice %arg2[%mul3A_364, %dma_wait3A_366] : memref<50000x128xi32, #tpu.memory_space<hbm>> -> memref<80x128xi32, #tpu.memory_space<hbm>>
        tpu.wait_dma2 semaphore(%arg14 : memref<!tpu.dma_semaphore, #tpu.memory_space<semaphore_mem>>) src(%dma_wait3A_367 : memref<80x128xi32, #tpu.memory_space<hbm>>) dst(%arg12 : memref<80x128xi32, #tpu.memory_space<vmem>>)
        %mul3A_368 = arith.constant 10240 : i32
        %mul3A_369 = arith.muli %add3A_168, %mul3A_368 : i32
        %dma_wait3A_370 = tpu.memref_slice %arg3[%mul3A_369] : memref<6400000xf32, #tpu.memory_space<hbm>> -> memref<10240xf32, #tpu.memory_space<hbm>>
        %dma_wait3A_371 = tpu.memref_slice %arg3[%mul3A_369] : memref<6400000xf32, #tpu.memory_space<hbm>> -> memref<10240xf32, #tpu.memory_space<hbm>>
        tpu.wait_dma2 semaphore(%arg14 : memref<!tpu.dma_semaphore, #tpu.memory_space<semaphore_mem>>) src(%dma_wait3A_371 : memref<10240xf32, #tpu.memory_space<hbm>>) dst(%arg16 : memref<10240xf32, #tpu.memory_space<vmem>>)
        %mul3A_372 = arith.constant 10240 : i32
        %mul3A_373 = arith.muli %add3A_168, %mul3A_372 : i32
        %dma_wait3A_374 = tpu.memref_slice %arg4[%mul3A_373] : memref<6400000xf32, #tpu.memory_space<hbm>> -> memref<10240xf32, #tpu.memory_space<hbm>>
        %dma_wait3A_375 = tpu.memref_slice %arg4[%mul3A_373] : memref<6400000xf32, #tpu.memory_space<hbm>> -> memref<10240xf32, #tpu.memory_space<hbm>>
        tpu.wait_dma2 semaphore(%arg14 : memref<!tpu.dma_semaphore, #tpu.memory_space<semaphore_mem>>) src(%dma_wait3A_375 : memref<10240xf32, #tpu.memory_space<hbm>>) dst(%arg18 : memref<10240xf32, #tpu.memory_space<vmem>>)
      } else {
      }
      %ge3A_184 = arith.constant 2 : i32
      %ge3A_185 = arith.cmpi sge, %add3A_165, %ge3A_184 : i32
      %lt3A_186 = arith.constant 625 : i32
      %lt3A_187 = arith.cmpi slt, %add3A_173, %lt3A_186 : i32
      %and3A_188 = arith.andi %ge3A_185, %lt3A_187 : i1
      %convert_element_type3A_189 = arith.extui %and3A_188 : i1 to i32
      %cond3A_190 = arith.constant 0 : i32
      %cond3A_191 = arith.cmpi ne, %convert_element_type3A_189, %cond3A_190 : i32
      scf.if %cond3A_191 {
        %scan3A_363 = arith.constant 0 : i32
        %scan3A_364 = arith.constant 0 : i32
        %scan3A_365 = arith.constant 80 : i32
        %scan3A_366 = arith.addi %scan3A_364, %scan3A_365 : i32
        %scan3A_367 = arith.constant 1 : i32
        %scan3A_368 = scf.for %scan3A_373 = %scan3A_364 to %scan3A_366 step %scan3A_367 iter_args(%scan3A_374 = %scan3A_363) -> (i32)  : i32 {
          %mul3A_375 = arith.constant 128 : i32
          %mul3A_376 = arith.muli %scan3A_373, %mul3A_375 : i32
          %dma_wait3A_377 = tpu.memref_slice %arg10[%mul3A_376] : memref<10240xf32, #tpu.memory_space<vmem>> -> memref<128xf32, #tpu.memory_space<vmem>>
          %dma_wait3A_378 = arith.constant 0 : i32
          %dma_wait3A_379 = tpu.memref_slice %arg13[%scan3A_373, %dma_wait3A_378] : memref<80x128xi32, #tpu.memory_space<vmem>> -> memref<1x128xi32, #tpu.memory_space<vmem>>
          %dma_wait3A_380 = tpu.memref_squeeze %dma_wait3A_379 : memref<1x128xi32, #tpu.memory_space<vmem>> -> memref<128xi32, #tpu.memory_space<vmem>>
          %dma_wait3A_381 = arith.constant 0 : i32
          %dma_wait3A_382 = tpu.memref_slice %arg7[%dma_wait3A_381] : memref<100096xf32, #tpu.memory_space<vmem_shared>> -> memref<100096xf32, #tpu.memory_space<vmem_shared>>
          tpu.wait_indirect_dma semaphore(%arg19 : memref<!tpu.dma_semaphore, #tpu.memory_space<semaphore_mem>>) src(%dma_wait3A_377 : memref<128xf32, #tpu.memory_space<vmem>>) dst(%dma_wait3A_382 : memref<100096xf32, #tpu.memory_space<vmem_shared>>)
          %scan3A_383 = arith.constant 0 : i32
          scf.yield %scan3A_383 : i32
        }
        %scan3A_369 = arith.constant 80 : i32
        %mul3A_370 = arith.constant 10240 : i32
        %mul3A_371 = arith.muli %add3A_173, %mul3A_370 : i32
        %dma_wait3A = tpu.memref_slice %arg5[%mul3A_371] : memref<6400000xf32, #tpu.memory_space<hbm>> -> memref<10240xf32, #tpu.memory_space<hbm>>
        %dma_wait3A_372 = tpu.memref_slice %arg5[%mul3A_371] : memref<6400000xf32, #tpu.memory_space<hbm>> -> memref<10240xf32, #tpu.memory_space<hbm>>
        tpu.wait_dma2 semaphore(%arg20 : memref<!tpu.dma_semaphore, #tpu.memory_space<semaphore_mem>>) src(%arg10 : memref<10240xf32, #tpu.memory_space<vmem>>) dst(%dma_wait3A_372 : memref<10240xf32, #tpu.memory_space<hbm>>)
      } else {
      }
      %lt3A_192 = arith.constant 625 : i32
      %lt3A_193 = arith.cmpi slt, %add3A_178, %lt3A_192 : i32
      %convert_element_type3A_194 = arith.extui %lt3A_193 : i1 to i32
      %cond3A_195 = arith.constant 0 : i32
      %cond3A_196 = arith.cmpi ne, %convert_element_type3A_194, %cond3A_195 : i32
      scf.if %cond3A_196 {
        %mul3A_363 = arith.constant 80 : i32
        %mul3A_364 = arith.muli %add3A_178, %mul3A_363 : i32
        %dma_start3A_365 = arith.constant 0 : i32
        %dma_start3A_366 = tpu.memref_slice %arg2[%mul3A_364, %dma_start3A_365] : memref<50000x128xi32, #tpu.memory_space<hbm>> -> memref<80x128xi32, #tpu.memory_space<hbm>>
        %dma_start3A_367 = arith.constant 0 : i32
        %dma_start3A_368 = tpu.memref_slice %arg2[%mul3A_364, %dma_start3A_367] : memref<50000x128xi32, #tpu.memory_space<hbm>> -> memref<80x128xi32, #tpu.memory_space<hbm>>
        tpu.enqueue_dma source(%dma_start3A_368 : memref<80x128xi32, #tpu.memory_space<hbm>>) target(%arg13 : memref<80x128xi32, #tpu.memory_space<vmem>>) target_semaphore(%arg14 : memref<!tpu.dma_semaphore, #tpu.memory_space<semaphore_mem>>)
        %mul3A_369 = arith.constant 10240 : i32
        %mul3A_370 = arith.muli %add3A_178, %mul3A_369 : i32
        %dma_start3A_371 = tpu.memref_slice %arg3[%mul3A_370] : memref<6400000xf32, #tpu.memory_space<hbm>> -> memref<10240xf32, #tpu.memory_space<hbm>>
        %dma_start3A_372 = tpu.memref_slice %arg3[%mul3A_370] : memref<6400000xf32, #tpu.memory_space<hbm>> -> memref<10240xf32, #tpu.memory_space<hbm>>
        tpu.enqueue_dma source(%dma_start3A_372 : memref<10240xf32, #tpu.memory_space<hbm>>) target(%arg15 : memref<10240xf32, #tpu.memory_space<vmem>>) target_semaphore(%arg14 : memref<!tpu.dma_semaphore, #tpu.memory_space<semaphore_mem>>)
        %mul3A_373 = arith.constant 10240 : i32
        %mul3A_374 = arith.muli %add3A_178, %mul3A_373 : i32
        %dma_start3A_375 = tpu.memref_slice %arg4[%mul3A_374] : memref<6400000xf32, #tpu.memory_space<hbm>> -> memref<10240xf32, #tpu.memory_space<hbm>>
        %dma_start3A_376 = tpu.memref_slice %arg4[%mul3A_374] : memref<6400000xf32, #tpu.memory_space<hbm>> -> memref<10240xf32, #tpu.memory_space<hbm>>
        tpu.enqueue_dma source(%dma_start3A_376 : memref<10240xf32, #tpu.memory_space<hbm>>) target(%arg17 : memref<10240xf32, #tpu.memory_space<vmem>>) target_semaphore(%arg14 : memref<!tpu.dma_semaphore, #tpu.memory_space<semaphore_mem>>)
      } else {
      }
      %lt3A_197 = arith.constant 625 : i32
      %lt3A_198 = arith.cmpi slt, %add3A_168, %lt3A_197 : i32
      %convert_element_type3A_199 = arith.extui %lt3A_198 : i1 to i32
      %cond3A_200 = arith.constant 0 : i32
      %cond3A_201 = arith.cmpi ne, %convert_element_type3A_199, %cond3A_200 : i32
      scf.if %cond3A_201 {
        %scan3A_363 = arith.constant 0 : i32
        %scan3A_364 = arith.constant 0 : i32
        %scan3A_365 = arith.constant 80 : i32
        %scan3A_366 = arith.addi %scan3A_364, %scan3A_365 : i32
        %scan3A_367 = arith.constant 1 : i32
        %scan3A_368 = scf.for %scan3A_374 = %scan3A_364 to %scan3A_366 step %scan3A_367 iter_args(%scan3A_375 = %scan3A_363) -> (i32)  : i32 {
          %mul3A_376 = arith.constant 128 : i32
          %mul3A_377 = arith.muli %scan3A_374, %mul3A_376 : i32
          %add3A_378 = arith.constant 0 : i32
          %add3A_379 = arith.addi %mul3A_377, %add3A_378 : i32
          %get3A = arith.index_cast %add3A_379 : i32 to index
          %get3A_380 = tpu.vector_load %arg16[%get3A] {strides = array<i32>} : memref<10240xf32, #tpu.memory_space<vmem>>, vector<16xf32>,
          %get3A_381 = vector.shape_cast %get3A_380 : vector<16xf32> to vector<16xf32>
          %get3A_382 = arith.index_cast %add3A_379 : i32 to index
          %get3A_383 = tpu.vector_load %arg18[%get3A_382] {strides = array<i32>} : memref<10240xf32, #tpu.memory_space<vmem>>, vector<16xf32>,
          %get3A_384 = vector.shape_cast %get3A_383 : vector<16xf32> to vector<16xf32>
          %mul3A_385 = arith.mulf %get3A_381, %get3A_384 : vector<16xf32>
          %swap3A_386 = arith.index_cast %add3A_379 : i32 to index
          %swap3A_387 = tpu.vector_load %arg9[%swap3A_386] {strides = array<i32>} : memref<10240xf32, #tpu.memory_space<vmem>>, vector<16xf32>,
          %swap3A_388 = vector.shape_cast %swap3A_387 : vector<16xf32> to vector<16xf32>
          %swap3A_389 = vector.shape_cast %mul3A_385 : vector<16xf32> to vector<16xf32>
          tpu.vector_store %arg9[%swap3A_386], %swap3A_389 {strides = array<i32>} : memref<10240xf32, #tpu.memory_space<vmem>>, vector<16xf32>,
          %mul3A_390 = arith.constant 128 : i32
          %mul3A_391 = arith.muli %scan3A_374, %mul3A_390 : i32
          %add3A_392 = arith.constant 16 : i32
          %add3A_393 = arith.addi %mul3A_391, %add3A_392 : i32
          %get3A_394 = arith.index_cast %add3A_393 : i32 to index
          %get3A_395 = tpu.vector_load %arg16[%get3A_394] {strides = array<i32>} : memref<10240xf32, #tpu.memory_space<vmem>>, vector<16xf32>,
          %get3A_396 = vector.shape_cast %get3A_395 : vector<16xf32> to vector<16xf32>
          %get3A_397 = arith.index_cast %add3A_393 : i32 to index
          %get3A_398 = tpu.vector_load %arg18[%get3A_397] {strides = array<i32>} : memref<10240xf32, #tpu.memory_space<vmem>>, vector<16xf32>,
          %get3A_399 = vector.shape_cast %get3A_398 : vector<16xf32> to vector<16xf32>
          %mul3A_400 = arith.mulf %get3A_396, %get3A_399 : vector<16xf32>
          %swap3A_401 = arith.index_cast %add3A_393 : i32 to index
          %swap3A_402 = tpu.vector_load %arg9[%swap3A_401] {strides = array<i32>} : memref<10240xf32, #tpu.memory_space<vmem>>, vector<16xf32>,
          %swap3A_403 = vector.shape_cast %swap3A_402 : vector<16xf32> to vector<16xf32>
          %swap3A_404 = vector.shape_cast %mul3A_400 : vector<16xf32> to vector<16xf32>
          tpu.vector_store %arg9[%swap3A_401], %swap3A_404 {strides = array<i32>} : memref<10240xf32, #tpu.memory_space<vmem>>, vector<16xf32>,
          %mul3A_405 = arith.constant 128 : i32
          %mul3A_406 = arith.muli %scan3A_374, %mul3A_405 : i32
          %add3A_407 = arith.constant 32 : i32
          %add3A_408 = arith.addi %mul3A_406, %add3A_407 : i32
          %get3A_409 = arith.index_cast %add3A_408 : i32 to index
          %get3A_410 = tpu.vector_load %arg16[%get3A_409] {strides = array<i32>} : memref<10240xf32, #tpu.memory_space<vmem>>, vector<16xf32>,
          %get3A_411 = vector.shape_cast %get3A_410 : vector<16xf32> to vector<16xf32>
          %get3A_412 = arith.index_cast %add3A_408 : i32 to index
          %get3A_413 = tpu.vector_load %arg18[%get3A_412] {strides = array<i32>} : memref<10240xf32, #tpu.memory_space<vmem>>, vector<16xf32>,
          %get3A_414 = vector.shape_cast %get3A_413 : vector<16xf32> to vector<16xf32>
          %mul3A_415 = arith.mulf %get3A_411, %get3A_414 : vector<16xf32>
          %swap3A_416 = arith.index_cast %add3A_408 : i32 to index
          %swap3A_417 = tpu.vector_load %arg9[%swap3A_416] {strides = array<i32>} : memref<10240xf32, #tpu.memory_space<vmem>>, vector<16xf32>,
          %swap3A_418 = vector.shape_cast %swap3A_417 : vector<16xf32> to vector<16xf32>
          %swap3A_419 = vector.shape_cast %mul3A_415 : vector<16xf32> to vector<16xf32>
          tpu.vector_store %arg9[%swap3A_416], %swap3A_419 {strides = array<i32>} : memref<10240xf32, #tpu.memory_space<vmem>>, vector<16xf32>,
          %mul3A_420 = arith.constant 128 : i32
          %mul3A_421 = arith.muli %scan3A_374, %mul3A_420 : i32
          %add3A_422 = arith.constant 48 : i32
          %add3A_423 = arith.addi %mul3A_421, %add3A_422 : i32
          %get3A_424 = arith.index_cast %add3A_423 : i32 to index
          %get3A_425 = tpu.vector_load %arg16[%get3A_424] {strides = array<i32>} : memref<10240xf32, #tpu.memory_space<vmem>>, vector<16xf32>,
          %get3A_426 = vector.shape_cast %get3A_425 : vector<16xf32> to vector<16xf32>
          %get3A_427 = arith.index_cast %add3A_423 : i32 to index
          %get3A_428 = tpu.vector_load %arg18[%get3A_427] {strides = array<i32>} : memref<10240xf32, #tpu.memory_space<vmem>>, vector<16xf32>,
          %get3A_429 = vector.shape_cast %get3A_428 : vector<16xf32> to vector<16xf32>
          %mul3A_430 = arith.mulf %get3A_426, %get3A_429 : vector<16xf32>
          %swap3A_431 = arith.index_cast %add3A_423 : i32 to index
          %swap3A_432 = tpu.vector_load %arg9[%swap3A_431] {strides = array<i32>} : memref<10240xf32, #tpu.memory_space<vmem>>, vector<16xf32>,
          %swap3A_433 = vector.shape_cast %swap3A_432 : vector<16xf32> to vector<16xf32>
          %swap3A_434 = vector.shape_cast %mul3A_430 : vector<16xf32> to vector<16xf32>
          tpu.vector_store %arg9[%swap3A_431], %swap3A_434 {strides = array<i32>} : memref<10240xf32, #tpu.memory_space<vmem>>, vector<16xf32>,
          %mul3A_435 = arith.constant 128 : i32
          %mul3A_436 = arith.muli %scan3A_374, %mul3A_435 : i32
          %add3A_437 = arith.constant 64 : i32
          %add3A_438 = arith.addi %mul3A_436, %add3A_437 : i32
          %get3A_439 = arith.index_cast %add3A_438 : i32 to index
          %get3A_440 = tpu.vector_load %arg16[%get3A_439] {strides = array<i32>} : memref<10240xf32, #tpu.memory_space<vmem>>, vector<16xf32>,
          %get3A_441 = vector.shape_cast %get3A_440 : vector<16xf32> to vector<16xf32>
          %get3A_442 = arith.index_cast %add3A_438 : i32 to index
          %get3A_443 = tpu.vector_load %arg18[%get3A_442] {strides = array<i32>} : memref<10240xf32, #tpu.memory_space<vmem>>, vector<16xf32>,
          %get3A_444 = vector.shape_cast %get3A_443 : vector<16xf32> to vector<16xf32>
          %mul3A_445 = arith.mulf %get3A_441, %get3A_444 : vector<16xf32>
          %swap3A_446 = arith.index_cast %add3A_438 : i32 to index
          %swap3A_447 = tpu.vector_load %arg9[%swap3A_446] {strides = array<i32>} : memref<10240xf32, #tpu.memory_space<vmem>>, vector<16xf32>,
          %swap3A_448 = vector.shape_cast %swap3A_447 : vector<16xf32> to vector<16xf32>
          %swap3A_449 = vector.shape_cast %mul3A_445 : vector<16xf32> to vector<16xf32>
          tpu.vector_store %arg9[%swap3A_446], %swap3A_449 {strides = array<i32>} : memref<10240xf32, #tpu.memory_space<vmem>>, vector<16xf32>,
          %mul3A_450 = arith.constant 128 : i32
          %mul3A_451 = arith.muli %scan3A_374, %mul3A_450 : i32
          %add3A_452 = arith.constant 80 : i32
          %add3A_453 = arith.addi %mul3A_451, %add3A_452 : i32
          %get3A_454 = arith.index_cast %add3A_453 : i32 to index
          %get3A_455 = tpu.vector_load %arg16[%get3A_454] {strides = array<i32>} : memref<10240xf32, #tpu.memory_space<vmem>>, vector<16xf32>,
          %get3A_456 = vector.shape_cast %get3A_455 : vector<16xf32> to vector<16xf32>
          %get3A_457 = arith.index_cast %add3A_453 : i32 to index
          %get3A_458 = tpu.vector_load %arg18[%get3A_457] {strides = array<i32>} : memref<10240xf32, #tpu.memory_space<vmem>>, vector<16xf32>,
          %get3A_459 = vector.shape_cast %get3A_458 : vector<16xf32> to vector<16xf32>
          %mul3A_460 = arith.mulf %get3A_456, %get3A_459 : vector<16xf32>
          %swap3A_461 = arith.index_cast %add3A_453 : i32 to index
          %swap3A_462 = tpu.vector_load %arg9[%swap3A_461] {strides = array<i32>} : memref<10240xf32, #tpu.memory_space<vmem>>, vector<16xf32>,
          %swap3A_463 = vector.shape_cast %swap3A_462 : vector<16xf32> to vector<16xf32>
          %swap3A_464 = vector.shape_cast %mul3A_460 : vector<16xf32> to vector<16xf32>
          tpu.vector_store %arg9[%swap3A_461], %swap3A_464 {strides = array<i32>} : memref<10240xf32, #tpu.memory_space<vmem>>, vector<16xf32>,
          %mul3A_465 = arith.constant 128 : i32
          %mul3A_466 = arith.muli %scan3A_374, %mul3A_465 : i32
          %add3A_467 = arith.constant 96 : i32
          %add3A_468 = arith.addi %mul3A_466, %add3A_467 : i32
          %get3A_469 = arith.index_cast %add3A_468 : i32 to index
          %get3A_470 = tpu.vector_load %arg16[%get3A_469] {strides = array<i32>} : memref<10240xf32, #tpu.memory_space<vmem>>, vector<16xf32>,
          %get3A_471 = vector.shape_cast %get3A_470 : vector<16xf32> to vector<16xf32>
          %get3A_472 = arith.index_cast %add3A_468 : i32 to index
          %get3A_473 = tpu.vector_load %arg18[%get3A_472] {strides = array<i32>} : memref<10240xf32, #tpu.memory_space<vmem>>, vector<16xf32>,
          %get3A_474 = vector.shape_cast %get3A_473 : vector<16xf32> to vector<16xf32>
          %mul3A_475 = arith.mulf %get3A_471, %get3A_474 : vector<16xf32>
          %swap3A_476 = arith.index_cast %add3A_468 : i32 to index
          %swap3A_477 = tpu.vector_load %arg9[%swap3A_476] {strides = array<i32>} : memref<10240xf32, #tpu.memory_space<vmem>>, vector<16xf32>,
          %swap3A_478 = vector.shape_cast %swap3A_477 : vector<16xf32> to vector<16xf32>
          %swap3A_479 = vector.shape_cast %mul3A_475 : vector<16xf32> to vector<16xf32>
          tpu.vector_store %arg9[%swap3A_476], %swap3A_479 {strides = array<i32>} : memref<10240xf32, #tpu.memory_space<vmem>>, vector<16xf32>,
          %mul3A_480 = arith.constant 128 : i32
          %mul3A_481 = arith.muli %scan3A_374, %mul3A_480 : i32
          %add3A_482 = arith.constant 112 : i32
          %add3A_483 = arith.addi %mul3A_481, %add3A_482 : i32
          %get3A_484 = arith.index_cast %add3A_483 : i32 to index
          %get3A_485 = tpu.vector_load %arg16[%get3A_484] {strides = array<i32>} : memref<10240xf32, #tpu.memory_space<vmem>>, vector<16xf32>,
          %get3A_486 = vector.shape_cast %get3A_485 : vector<16xf32> to vector<16xf32>
          %get3A_487 = arith.index_cast %add3A_483 : i32 to index
          %get3A_488 = tpu.vector_load %arg18[%get3A_487] {strides = array<i32>} : memref<10240xf32, #tpu.memory_space<vmem>>, vector<16xf32>,
          %get3A_489 = vector.shape_cast %get3A_488 : vector<16xf32> to vector<16xf32>
          %mul3A_490 = arith.mulf %get3A_486, %get3A_489 : vector<16xf32>
          %swap3A_491 = arith.index_cast %add3A_483 : i32 to index
          %swap3A_492 = tpu.vector_load %arg9[%swap3A_491] {strides = array<i32>} : memref<10240xf32, #tpu.memory_space<vmem>>, vector<16xf32>,
          %swap3A_493 = vector.shape_cast %swap3A_492 : vector<16xf32> to vector<16xf32>
          %swap3A_494 = vector.shape_cast %mul3A_490 : vector<16xf32> to vector<16xf32>
          tpu.vector_store %arg9[%swap3A_491], %swap3A_494 {strides = array<i32>} : memref<10240xf32, #tpu.memory_space<vmem>>, vector<16xf32>,
          %mul3A_495 = arith.constant 128 : i32
          %mul3A_496 = arith.muli %scan3A_374, %mul3A_495 : i32
          %dma_start3A_497 = tpu.memref_slice %arg9[%mul3A_496] : memref<10240xf32, #tpu.memory_space<vmem>> -> memref<128xf32, #tpu.memory_space<vmem>>
          %dma_start3A_498 = arith.constant 0 : i32
          %dma_start3A_499 = tpu.memref_slice %arg12[%scan3A_374, %dma_start3A_498] : memref<80x128xi32, #tpu.memory_space<vmem>> -> memref<1x128xi32, #tpu.memory_space<vmem>>
          %dma_start3A_500 = tpu.memref_squeeze %dma_start3A_499 : memref<1x128xi32, #tpu.memory_space<vmem>> -> memref<128xi32, #tpu.memory_space<vmem>>
          %dma_start3A_501 = arith.constant 0 : i32
          %dma_start3A_502 = tpu.memref_slice %arg7[%dma_start3A_501] : memref<100096xf32, #tpu.memory_space<vmem_shared>> -> memref<100096xf32, #tpu.memory_space<vmem_shared>>
          tpu.enqueue_indirect_dma source(%dma_start3A_497 : memref<128xf32, #tpu.memory_space<vmem>>) target(%dma_start3A_502 : memref<100096xf32, #tpu.memory_space<vmem_shared>>) offsets(%dma_start3A_500 : memref<128xi32, #tpu.memory_space<vmem>>) semaphore(%arg19 : memref<!tpu.dma_semaphore, #tpu.memory_space<semaphore_mem>>) {add = true}
          %scan3A_503 = arith.constant 0 : i32
          scf.yield %scan3A_503 : i32
        }
        %scan3A_369 = arith.constant 80 : i32
        %mul3A_370 = arith.constant 10240 : i32
        %mul3A_371 = arith.muli %add3A_168, %mul3A_370 : i32
        %dma_start3A_372 = tpu.memref_slice %arg5[%mul3A_371] : memref<6400000xf32, #tpu.memory_space<hbm>> -> memref<10240xf32, #tpu.memory_space<hbm>>
        %dma_start3A_373 = tpu.memref_slice %arg5[%mul3A_371] : memref<6400000xf32, #tpu.memory_space<hbm>> -> memref<10240xf32, #tpu.memory_space<hbm>>
        tpu.enqueue_dma source(%arg9 : memref<10240xf32, #tpu.memory_space<vmem>>) target(%dma_start3A_373 : memref<10240xf32, #tpu.memory_space<hbm>>) target_semaphore(%arg20 : memref<!tpu.dma_semaphore, #tpu.memory_space<semaphore_mem>>)
      } else {
      }
      %mul3A_202 = arith.constant 6 : i32
      %mul3A_203 = arith.muli %mul3A_202, %scan3A_123 : i32
      %add3A_204 = arith.constant 2 : i32
      %add3A_205 = arith.addi %mul3A_203, %add3A_204 : i32
      %mul3A_206 = arith.constant 32 : i32
      %mul3A_207 = arith.muli %add3A_205, %mul3A_206 : i32
      %add3A_208 = arith.addi %add3A, %mul3A_207 : i32
      %sub3A_209 = arith.constant 2 : i32
      %sub3A_210 = arith.subi %add3A_205, %sub3A_209 : i32
      %mul3A_211 = arith.constant 32 : i32
      %mul3A_212 = arith.muli %sub3A_210, %mul3A_211 : i32
      %add3A_213 = arith.addi %add3A, %mul3A_212 : i32
      %add3A_214 = arith.constant 1 : i32
      %add3A_215 = arith.addi %add3A_205, %add3A_214 : i32
      %mul3A_216 = arith.constant 32 : i32
      %mul3A_217 = arith.muli %add3A_215, %mul3A_216 : i32
      %add3A_218 = arith.addi %add3A, %mul3A_217 : i32
      %lt3A_219 = arith.constant 625 : i32
      %lt3A_220 = arith.cmpi slt, %add3A_208, %lt3A_219 : i32
      %convert_element_type3A_221 = arith.extui %lt3A_220 : i1 to i32
      %cond3A_222 = arith.constant 0 : i32
      %cond3A_223 = arith.cmpi ne, %convert_element_type3A_221, %cond3A_222 : i32
      scf.if %cond3A_223 {
        %mul3A_363 = arith.constant 80 : i32
        %mul3A_364 = arith.muli %add3A_208, %mul3A_363 : i32
        %dma_wait3A = arith.constant 0 : i32
        %dma_wait3A_365 = tpu.memref_slice %arg2[%mul3A_364, %dma_wait3A] : memref<50000x128xi32, #tpu.memory_space<hbm>> -> memref<80x128xi32, #tpu.memory_space<hbm>>
        %dma_wait3A_366 = arith.constant 0 : i32
        %dma_wait3A_367 = tpu.memref_slice %arg2[%mul3A_364, %dma_wait3A_366] : memref<50000x128xi32, #tpu.memory_space<hbm>> -> memref<80x128xi32, #tpu.memory_space<hbm>>
        tpu.wait_dma2 semaphore(%arg14 : memref<!tpu.dma_semaphore, #tpu.memory_space<semaphore_mem>>) src(%dma_wait3A_367 : memref<80x128xi32, #tpu.memory_space<hbm>>) dst(%arg13 : memref<80x128xi32, #tpu.memory_space<vmem>>)
        %mul3A_368 = arith.constant 10240 : i32
        %mul3A_369 = arith.muli %add3A_208, %mul3A_368 : i32
        %dma_wait3A_370 = tpu.memref_slice %arg3[%mul3A_369] : memref<6400000xf32, #tpu.memory_space<hbm>> -> memref<10240xf32, #tpu.memory_space<hbm>>
        %dma_wait3A_371 = tpu.memref_slice %arg3[%mul3A_369] : memref<6400000xf32, #tpu.memory_space<hbm>> -> memref<10240xf32, #tpu.memory_space<hbm>>
        tpu.wait_dma2 semaphore(%arg14 : memref<!tpu.dma_semaphore, #tpu.memory_space<semaphore_mem>>) src(%dma_wait3A_371 : memref<10240xf32, #tpu.memory_space<hbm>>) dst(%arg15 : memref<10240xf32, #tpu.memory_space<vmem>>)
        %mul3A_372 = arith.constant 10240 : i32
        %mul3A_373 = arith.muli %add3A_208, %mul3A_372 : i32
        %dma_wait3A_374 = tpu.memref_slice %arg4[%mul3A_373] : memref<6400000xf32, #tpu.memory_space<hbm>> -> memref<10240xf32, #tpu.memory_space<hbm>>
        %dma_wait3A_375 = tpu.memref_slice %arg4[%mul3A_373] : memref<6400000xf32, #tpu.memory_space<hbm>> -> memref<10240xf32, #tpu.memory_space<hbm>>
        tpu.wait_dma2 semaphore(%arg14 : memref<!tpu.dma_semaphore, #tpu.memory_space<semaphore_mem>>) src(%dma_wait3A_375 : memref<10240xf32, #tpu.memory_space<hbm>>) dst(%arg17 : memref<10240xf32, #tpu.memory_space<vmem>>)
      } else {
      }
      %ge3A_224 = arith.constant 2 : i32
      %ge3A_225 = arith.cmpi sge, %add3A_205, %ge3A_224 : i32
      %lt3A_226 = arith.constant 625 : i32
      %lt3A_227 = arith.cmpi slt, %add3A_213, %lt3A_226 : i32
      %and3A_228 = arith.andi %ge3A_225, %lt3A_227 : i1
      %convert_element_type3A_229 = arith.extui %and3A_228 : i1 to i32
      %cond3A_230 = arith.constant 0 : i32
      %cond3A_231 = arith.cmpi ne, %convert_element_type3A_229, %cond3A_230 : i32
      scf.if %cond3A_231 {
        %scan3A_363 = arith.constant 0 : i32
        %scan3A_364 = arith.constant 0 : i32
        %scan3A_365 = arith.constant 80 : i32
        %scan3A_366 = arith.addi %scan3A_364, %scan3A_365 : i32
        %scan3A_367 = arith.constant 1 : i32
        %scan3A_368 = scf.for %scan3A_373 = %scan3A_364 to %scan3A_366 step %scan3A_367 iter_args(%scan3A_374 = %scan3A_363) -> (i32)  : i32 {
          %mul3A_375 = arith.constant 128 : i32
          %mul3A_376 = arith.muli %scan3A_373, %mul3A_375 : i32
          %dma_wait3A_377 = tpu.memref_slice %arg8[%mul3A_376] : memref<10240xf32, #tpu.memory_space<vmem>> -> memref<128xf32, #tpu.memory_space<vmem>>
          %dma_wait3A_378 = arith.constant 0 : i32
          %dma_wait3A_379 = tpu.memref_slice %arg11[%scan3A_373, %dma_wait3A_378] : memref<80x128xi32, #tpu.memory_space<vmem>> -> memref<1x128xi32, #tpu.memory_space<vmem>>
          %dma_wait3A_380 = tpu.memref_squeeze %dma_wait3A_379 : memref<1x128xi32, #tpu.memory_space<vmem>> -> memref<128xi32, #tpu.memory_space<vmem>>
          %dma_wait3A_381 = arith.constant 0 : i32
          %dma_wait3A_382 = tpu.memref_slice %arg7[%dma_wait3A_381] : memref<100096xf32, #tpu.memory_space<vmem_shared>> -> memref<100096xf32, #tpu.memory_space<vmem_shared>>
          tpu.wait_indirect_dma semaphore(%arg19 : memref<!tpu.dma_semaphore, #tpu.memory_space<semaphore_mem>>) src(%dma_wait3A_377 : memref<128xf32, #tpu.memory_space<vmem>>) dst(%dma_wait3A_382 : memref<100096xf32, #tpu.memory_space<vmem_shared>>)
          %scan3A_383 = arith.constant 0 : i32
          scf.yield %scan3A_383 : i32
        }
        %scan3A_369 = arith.constant 80 : i32
        %mul3A_370 = arith.constant 10240 : i32
        %mul3A_371 = arith.muli %add3A_213, %mul3A_370 : i32
        %dma_wait3A = tpu.memref_slice %arg5[%mul3A_371] : memref<6400000xf32, #tpu.memory_space<hbm>> -> memref<10240xf32, #tpu.memory_space<hbm>>
        %dma_wait3A_372 = tpu.memref_slice %arg5[%mul3A_371] : memref<6400000xf32, #tpu.memory_space<hbm>> -> memref<10240xf32, #tpu.memory_space<hbm>>
        tpu.wait_dma2 semaphore(%arg20 : memref<!tpu.dma_semaphore, #tpu.memory_space<semaphore_mem>>) src(%arg8 : memref<10240xf32, #tpu.memory_space<vmem>>) dst(%dma_wait3A_372 : memref<10240xf32, #tpu.memory_space<hbm>>)
      } else {
      }
      %lt3A_232 = arith.constant 625 : i32
      %lt3A_233 = arith.cmpi slt, %add3A_218, %lt3A_232 : i32
      %convert_element_type3A_234 = arith.extui %lt3A_233 : i1 to i32
      %cond3A_235 = arith.constant 0 : i32
      %cond3A_236 = arith.cmpi ne, %convert_element_type3A_234, %cond3A_235 : i32
      scf.if %cond3A_236 {
        %mul3A_363 = arith.constant 80 : i32
        %mul3A_364 = arith.muli %add3A_218, %mul3A_363 : i32
        %dma_start3A_365 = arith.constant 0 : i32
        %dma_start3A_366 = tpu.memref_slice %arg2[%mul3A_364, %dma_start3A_365] : memref<50000x128xi32, #tpu.memory_space<hbm>> -> memref<80x128xi32, #tpu.memory_space<hbm>>
        %dma_start3A_367 = arith.constant 0 : i32
        %dma_start3A_368 = tpu.memref_slice %arg2[%mul3A_364, %dma_start3A_367] : memref<50000x128xi32, #tpu.memory_space<hbm>> -> memref<80x128xi32, #tpu.memory_space<hbm>>
        tpu.enqueue_dma source(%dma_start3A_368 : memref<80x128xi32, #tpu.memory_space<hbm>>) target(%arg11 : memref<80x128xi32, #tpu.memory_space<vmem>>) target_semaphore(%arg14 : memref<!tpu.dma_semaphore, #tpu.memory_space<semaphore_mem>>)
        %mul3A_369 = arith.constant 10240 : i32
        %mul3A_370 = arith.muli %add3A_218, %mul3A_369 : i32
        %dma_start3A_371 = tpu.memref_slice %arg3[%mul3A_370] : memref<6400000xf32, #tpu.memory_space<hbm>> -> memref<10240xf32, #tpu.memory_space<hbm>>
        %dma_start3A_372 = tpu.memref_slice %arg3[%mul3A_370] : memref<6400000xf32, #tpu.memory_space<hbm>> -> memref<10240xf32, #tpu.memory_space<hbm>>
        tpu.enqueue_dma source(%dma_start3A_372 : memref<10240xf32, #tpu.memory_space<hbm>>) target(%arg16 : memref<10240xf32, #tpu.memory_space<vmem>>) target_semaphore(%arg14 : memref<!tpu.dma_semaphore, #tpu.memory_space<semaphore_mem>>)
        %mul3A_373 = arith.constant 10240 : i32
        %mul3A_374 = arith.muli %add3A_218, %mul3A_373 : i32
        %dma_start3A_375 = tpu.memref_slice %arg4[%mul3A_374] : memref<6400000xf32, #tpu.memory_space<hbm>> -> memref<10240xf32, #tpu.memory_space<hbm>>
        %dma_start3A_376 = tpu.memref_slice %arg4[%mul3A_374] : memref<6400000xf32, #tpu.memory_space<hbm>> -> memref<10240xf32, #tpu.memory_space<hbm>>
        tpu.enqueue_dma source(%dma_start3A_376 : memref<10240xf32, #tpu.memory_space<hbm>>) target(%arg18 : memref<10240xf32, #tpu.memory_space<vmem>>) target_semaphore(%arg14 : memref<!tpu.dma_semaphore, #tpu.memory_space<semaphore_mem>>)
      } else {
      }
      %lt3A_237 = arith.constant 625 : i32
      %lt3A_238 = arith.cmpi slt, %add3A_208, %lt3A_237 : i32
      %convert_element_type3A_239 = arith.extui %lt3A_238 : i1 to i32
      %cond3A_240 = arith.constant 0 : i32
      %cond3A_241 = arith.cmpi ne, %convert_element_type3A_239, %cond3A_240 : i32
      scf.if %cond3A_241 {
        %scan3A_363 = arith.constant 0 : i32
        %scan3A_364 = arith.constant 0 : i32
        %scan3A_365 = arith.constant 80 : i32
        %scan3A_366 = arith.addi %scan3A_364, %scan3A_365 : i32
        %scan3A_367 = arith.constant 1 : i32
        %scan3A_368 = scf.for %scan3A_374 = %scan3A_364 to %scan3A_366 step %scan3A_367 iter_args(%scan3A_375 = %scan3A_363) -> (i32)  : i32 {
          %mul3A_376 = arith.constant 128 : i32
          %mul3A_377 = arith.muli %scan3A_374, %mul3A_376 : i32
          %add3A_378 = arith.constant 0 : i32
          %add3A_379 = arith.addi %mul3A_377, %add3A_378 : i32
          %get3A = arith.index_cast %add3A_379 : i32 to index
          %get3A_380 = tpu.vector_load %arg15[%get3A] {strides = array<i32>} : memref<10240xf32, #tpu.memory_space<vmem>>, vector<16xf32>,
          %get3A_381 = vector.shape_cast %get3A_380 : vector<16xf32> to vector<16xf32>
          %get3A_382 = arith.index_cast %add3A_379 : i32 to index
          %get3A_383 = tpu.vector_load %arg17[%get3A_382] {strides = array<i32>} : memref<10240xf32, #tpu.memory_space<vmem>>, vector<16xf32>,
          %get3A_384 = vector.shape_cast %get3A_383 : vector<16xf32> to vector<16xf32>
          %mul3A_385 = arith.mulf %get3A_381, %get3A_384 : vector<16xf32>
          %swap3A_386 = arith.index_cast %add3A_379 : i32 to index
          %swap3A_387 = tpu.vector_load %arg10[%swap3A_386] {strides = array<i32>} : memref<10240xf32, #tpu.memory_space<vmem>>, vector<16xf32>,
          %swap3A_388 = vector.shape_cast %swap3A_387 : vector<16xf32> to vector<16xf32>
          %swap3A_389 = vector.shape_cast %mul3A_385 : vector<16xf32> to vector<16xf32>
          tpu.vector_store %arg10[%swap3A_386], %swap3A_389 {strides = array<i32>} : memref<10240xf32, #tpu.memory_space<vmem>>, vector<16xf32>,
          %mul3A_390 = arith.constant 128 : i32
          %mul3A_391 = arith.muli %scan3A_374, %mul3A_390 : i32
          %add3A_392 = arith.constant 16 : i32
          %add3A_393 = arith.addi %mul3A_391, %add3A_392 : i32
          %get3A_394 = arith.index_cast %add3A_393 : i32 to index
          %get3A_395 = tpu.vector_load %arg15[%get3A_394] {strides = array<i32>} : memref<10240xf32, #tpu.memory_space<vmem>>, vector<16xf32>,
          %get3A_396 = vector.shape_cast %get3A_395 : vector<16xf32> to vector<16xf32>
          %get3A_397 = arith.index_cast %add3A_393 : i32 to index
          %get3A_398 = tpu.vector_load %arg17[%get3A_397] {strides = array<i32>} : memref<10240xf32, #tpu.memory_space<vmem>>, vector<16xf32>,
          %get3A_399 = vector.shape_cast %get3A_398 : vector<16xf32> to vector<16xf32>
          %mul3A_400 = arith.mulf %get3A_396, %get3A_399 : vector<16xf32>
          %swap3A_401 = arith.index_cast %add3A_393 : i32 to index
          %swap3A_402 = tpu.vector_load %arg10[%swap3A_401] {strides = array<i32>} : memref<10240xf32, #tpu.memory_space<vmem>>, vector<16xf32>,
          %swap3A_403 = vector.shape_cast %swap3A_402 : vector<16xf32> to vector<16xf32>
          %swap3A_404 = vector.shape_cast %mul3A_400 : vector<16xf32> to vector<16xf32>
          tpu.vector_store %arg10[%swap3A_401], %swap3A_404 {strides = array<i32>} : memref<10240xf32, #tpu.memory_space<vmem>>, vector<16xf32>,
          %mul3A_405 = arith.constant 128 : i32
          %mul3A_406 = arith.muli %scan3A_374, %mul3A_405 : i32
          %add3A_407 = arith.constant 32 : i32
          %add3A_408 = arith.addi %mul3A_406, %add3A_407 : i32
          %get3A_409 = arith.index_cast %add3A_408 : i32 to index
          %get3A_410 = tpu.vector_load %arg15[%get3A_409] {strides = array<i32>} : memref<10240xf32, #tpu.memory_space<vmem>>, vector<16xf32>,
          %get3A_411 = vector.shape_cast %get3A_410 : vector<16xf32> to vector<16xf32>
          %get3A_412 = arith.index_cast %add3A_408 : i32 to index
          %get3A_413 = tpu.vector_load %arg17[%get3A_412] {strides = array<i32>} : memref<10240xf32, #tpu.memory_space<vmem>>, vector<16xf32>,
          %get3A_414 = vector.shape_cast %get3A_413 : vector<16xf32> to vector<16xf32>
          %mul3A_415 = arith.mulf %get3A_411, %get3A_414 : vector<16xf32>
          %swap3A_416 = arith.index_cast %add3A_408 : i32 to index
          %swap3A_417 = tpu.vector_load %arg10[%swap3A_416] {strides = array<i32>} : memref<10240xf32, #tpu.memory_space<vmem>>, vector<16xf32>,
          %swap3A_418 = vector.shape_cast %swap3A_417 : vector<16xf32> to vector<16xf32>
          %swap3A_419 = vector.shape_cast %mul3A_415 : vector<16xf32> to vector<16xf32>
          tpu.vector_store %arg10[%swap3A_416], %swap3A_419 {strides = array<i32>} : memref<10240xf32, #tpu.memory_space<vmem>>, vector<16xf32>,
          %mul3A_420 = arith.constant 128 : i32
          %mul3A_421 = arith.muli %scan3A_374, %mul3A_420 : i32
          %add3A_422 = arith.constant 48 : i32
          %add3A_423 = arith.addi %mul3A_421, %add3A_422 : i32
          %get3A_424 = arith.index_cast %add3A_423 : i32 to index
          %get3A_425 = tpu.vector_load %arg15[%get3A_424] {strides = array<i32>} : memref<10240xf32, #tpu.memory_space<vmem>>, vector<16xf32>,
          %get3A_426 = vector.shape_cast %get3A_425 : vector<16xf32> to vector<16xf32>
          %get3A_427 = arith.index_cast %add3A_423 : i32 to index
          %get3A_428 = tpu.vector_load %arg17[%get3A_427] {strides = array<i32>} : memref<10240xf32, #tpu.memory_space<vmem>>, vector<16xf32>,
          %get3A_429 = vector.shape_cast %get3A_428 : vector<16xf32> to vector<16xf32>
          %mul3A_430 = arith.mulf %get3A_426, %get3A_429 : vector<16xf32>
          %swap3A_431 = arith.index_cast %add3A_423 : i32 to index
          %swap3A_432 = tpu.vector_load %arg10[%swap3A_431] {strides = array<i32>} : memref<10240xf32, #tpu.memory_space<vmem>>, vector<16xf32>,
          %swap3A_433 = vector.shape_cast %swap3A_432 : vector<16xf32> to vector<16xf32>
          %swap3A_434 = vector.shape_cast %mul3A_430 : vector<16xf32> to vector<16xf32>
          tpu.vector_store %arg10[%swap3A_431], %swap3A_434 {strides = array<i32>} : memref<10240xf32, #tpu.memory_space<vmem>>, vector<16xf32>,
          %mul3A_435 = arith.constant 128 : i32
          %mul3A_436 = arith.muli %scan3A_374, %mul3A_435 : i32
          %add3A_437 = arith.constant 64 : i32
          %add3A_438 = arith.addi %mul3A_436, %add3A_437 : i32
          %get3A_439 = arith.index_cast %add3A_438 : i32 to index
          %get3A_440 = tpu.vector_load %arg15[%get3A_439] {strides = array<i32>} : memref<10240xf32, #tpu.memory_space<vmem>>, vector<16xf32>,
          %get3A_441 = vector.shape_cast %get3A_440 : vector<16xf32> to vector<16xf32>
          %get3A_442 = arith.index_cast %add3A_438 : i32 to index
          %get3A_443 = tpu.vector_load %arg17[%get3A_442] {strides = array<i32>} : memref<10240xf32, #tpu.memory_space<vmem>>, vector<16xf32>,
          %get3A_444 = vector.shape_cast %get3A_443 : vector<16xf32> to vector<16xf32>
          %mul3A_445 = arith.mulf %get3A_441, %get3A_444 : vector<16xf32>
          %swap3A_446 = arith.index_cast %add3A_438 : i32 to index
          %swap3A_447 = tpu.vector_load %arg10[%swap3A_446] {strides = array<i32>} : memref<10240xf32, #tpu.memory_space<vmem>>, vector<16xf32>,
          %swap3A_448 = vector.shape_cast %swap3A_447 : vector<16xf32> to vector<16xf32>
          %swap3A_449 = vector.shape_cast %mul3A_445 : vector<16xf32> to vector<16xf32>
          tpu.vector_store %arg10[%swap3A_446], %swap3A_449 {strides = array<i32>} : memref<10240xf32, #tpu.memory_space<vmem>>, vector<16xf32>,
          %mul3A_450 = arith.constant 128 : i32
          %mul3A_451 = arith.muli %scan3A_374, %mul3A_450 : i32
          %add3A_452 = arith.constant 80 : i32
          %add3A_453 = arith.addi %mul3A_451, %add3A_452 : i32
          %get3A_454 = arith.index_cast %add3A_453 : i32 to index
          %get3A_455 = tpu.vector_load %arg15[%get3A_454] {strides = array<i32>} : memref<10240xf32, #tpu.memory_space<vmem>>, vector<16xf32>,
          %get3A_456 = vector.shape_cast %get3A_455 : vector<16xf32> to vector<16xf32>
          %get3A_457 = arith.index_cast %add3A_453 : i32 to index
          %get3A_458 = tpu.vector_load %arg17[%get3A_457] {strides = array<i32>} : memref<10240xf32, #tpu.memory_space<vmem>>, vector<16xf32>,
          %get3A_459 = vector.shape_cast %get3A_458 : vector<16xf32> to vector<16xf32>
          %mul3A_460 = arith.mulf %get3A_456, %get3A_459 : vector<16xf32>
          %swap3A_461 = arith.index_cast %add3A_453 : i32 to index
          %swap3A_462 = tpu.vector_load %arg10[%swap3A_461] {strides = array<i32>} : memref<10240xf32, #tpu.memory_space<vmem>>, vector<16xf32>,
          %swap3A_463 = vector.shape_cast %swap3A_462 : vector<16xf32> to vector<16xf32>
          %swap3A_464 = vector.shape_cast %mul3A_460 : vector<16xf32> to vector<16xf32>
          tpu.vector_store %arg10[%swap3A_461], %swap3A_464 {strides = array<i32>} : memref<10240xf32, #tpu.memory_space<vmem>>, vector<16xf32>,
          %mul3A_465 = arith.constant 128 : i32
          %mul3A_466 = arith.muli %scan3A_374, %mul3A_465 : i32
          %add3A_467 = arith.constant 96 : i32
          %add3A_468 = arith.addi %mul3A_466, %add3A_467 : i32
          %get3A_469 = arith.index_cast %add3A_468 : i32 to index
          %get3A_470 = tpu.vector_load %arg15[%get3A_469] {strides = array<i32>} : memref<10240xf32, #tpu.memory_space<vmem>>, vector<16xf32>,
          %get3A_471 = vector.shape_cast %get3A_470 : vector<16xf32> to vector<16xf32>
          %get3A_472 = arith.index_cast %add3A_468 : i32 to index
          %get3A_473 = tpu.vector_load %arg17[%get3A_472] {strides = array<i32>} : memref<10240xf32, #tpu.memory_space<vmem>>, vector<16xf32>,
          %get3A_474 = vector.shape_cast %get3A_473 : vector<16xf32> to vector<16xf32>
          %mul3A_475 = arith.mulf %get3A_471, %get3A_474 : vector<16xf32>
          %swap3A_476 = arith.index_cast %add3A_468 : i32 to index
          %swap3A_477 = tpu.vector_load %arg10[%swap3A_476] {strides = array<i32>} : memref<10240xf32, #tpu.memory_space<vmem>>, vector<16xf32>,
          %swap3A_478 = vector.shape_cast %swap3A_477 : vector<16xf32> to vector<16xf32>
          %swap3A_479 = vector.shape_cast %mul3A_475 : vector<16xf32> to vector<16xf32>
          tpu.vector_store %arg10[%swap3A_476], %swap3A_479 {strides = array<i32>} : memref<10240xf32, #tpu.memory_space<vmem>>, vector<16xf32>,
          %mul3A_480 = arith.constant 128 : i32
          %mul3A_481 = arith.muli %scan3A_374, %mul3A_480 : i32
          %add3A_482 = arith.constant 112 : i32
          %add3A_483 = arith.addi %mul3A_481, %add3A_482 : i32
          %get3A_484 = arith.index_cast %add3A_483 : i32 to index
          %get3A_485 = tpu.vector_load %arg15[%get3A_484] {strides = array<i32>} : memref<10240xf32, #tpu.memory_space<vmem>>, vector<16xf32>,
          %get3A_486 = vector.shape_cast %get3A_485 : vector<16xf32> to vector<16xf32>
          %get3A_487 = arith.index_cast %add3A_483 : i32 to index
          %get3A_488 = tpu.vector_load %arg17[%get3A_487] {strides = array<i32>} : memref<10240xf32, #tpu.memory_space<vmem>>, vector<16xf32>,
          %get3A_489 = vector.shape_cast %get3A_488 : vector<16xf32> to vector<16xf32>
          %mul3A_490 = arith.mulf %get3A_486, %get3A_489 : vector<16xf32>
          %swap3A_491 = arith.index_cast %add3A_483 : i32 to index
          %swap3A_492 = tpu.vector_load %arg10[%swap3A_491] {strides = array<i32>} : memref<10240xf32, #tpu.memory_space<vmem>>, vector<16xf32>,
          %swap3A_493 = vector.shape_cast %swap3A_492 : vector<16xf32> to vector<16xf32>
          %swap3A_494 = vector.shape_cast %mul3A_490 : vector<16xf32> to vector<16xf32>
          tpu.vector_store %arg10[%swap3A_491], %swap3A_494 {strides = array<i32>} : memref<10240xf32, #tpu.memory_space<vmem>>, vector<16xf32>,
          %mul3A_495 = arith.constant 128 : i32
          %mul3A_496 = arith.muli %scan3A_374, %mul3A_495 : i32
          %dma_start3A_497 = tpu.memref_slice %arg10[%mul3A_496] : memref<10240xf32, #tpu.memory_space<vmem>> -> memref<128xf32, #tpu.memory_space<vmem>>
          %dma_start3A_498 = arith.constant 0 : i32
          %dma_start3A_499 = tpu.memref_slice %arg13[%scan3A_374, %dma_start3A_498] : memref<80x128xi32, #tpu.memory_space<vmem>> -> memref<1x128xi32, #tpu.memory_space<vmem>>
          %dma_start3A_500 = tpu.memref_squeeze %dma_start3A_499 : memref<1x128xi32, #tpu.memory_space<vmem>> -> memref<128xi32, #tpu.memory_space<vmem>>
          %dma_start3A_501 = arith.constant 0 : i32
          %dma_start3A_502 = tpu.memref_slice %arg7[%dma_start3A_501] : memref<100096xf32, #tpu.memory_space<vmem_shared>> -> memref<100096xf32, #tpu.memory_space<vmem_shared>>
          tpu.enqueue_indirect_dma source(%dma_start3A_497 : memref<128xf32, #tpu.memory_space<vmem>>) target(%dma_start3A_502 : memref<100096xf32, #tpu.memory_space<vmem_shared>>) offsets(%dma_start3A_500 : memref<128xi32, #tpu.memory_space<vmem>>) semaphore(%arg19 : memref<!tpu.dma_semaphore, #tpu.memory_space<semaphore_mem>>) {add = true}
          %scan3A_503 = arith.constant 0 : i32
          scf.yield %scan3A_503 : i32
        }
        %scan3A_369 = arith.constant 80 : i32
        %mul3A_370 = arith.constant 10240 : i32
        %mul3A_371 = arith.muli %add3A_208, %mul3A_370 : i32
        %dma_start3A_372 = tpu.memref_slice %arg5[%mul3A_371] : memref<6400000xf32, #tpu.memory_space<hbm>> -> memref<10240xf32, #tpu.memory_space<hbm>>
        %dma_start3A_373 = tpu.memref_slice %arg5[%mul3A_371] : memref<6400000xf32, #tpu.memory_space<hbm>> -> memref<10240xf32, #tpu.memory_space<hbm>>
        tpu.enqueue_dma source(%arg10 : memref<10240xf32, #tpu.memory_space<vmem>>) target(%dma_start3A_373 : memref<10240xf32, #tpu.memory_space<hbm>>) target_semaphore(%arg20 : memref<!tpu.dma_semaphore, #tpu.memory_space<semaphore_mem>>)
      } else {
      }
      %mul3A_242 = arith.constant 6 : i32
      %mul3A_243 = arith.muli %mul3A_242, %scan3A_123 : i32
      %add3A_244 = arith.constant 3 : i32
      %add3A_245 = arith.addi %mul3A_243, %add3A_244 : i32
      %mul3A_246 = arith.constant 32 : i32
      %mul3A_247 = arith.muli %add3A_245, %mul3A_246 : i32
      %add3A_248 = arith.addi %add3A, %mul3A_247 : i32
      %sub3A_249 = arith.constant 2 : i32
      %sub3A_250 = arith.subi %add3A_245, %sub3A_249 : i32
      %mul3A_251 = arith.constant 32 : i32
      %mul3A_252 = arith.muli %sub3A_250, %mul3A_251 : i32
      %add3A_253 = arith.addi %add3A, %mul3A_252 : i32
      %add3A_254 = arith.constant 1 : i32
      %add3A_255 = arith.addi %add3A_245, %add3A_254 : i32
      %mul3A_256 = arith.constant 32 : i32
      %mul3A_257 = arith.muli %add3A_255, %mul3A_256 : i32
      %add3A_258 = arith.addi %add3A, %mul3A_257 : i32
      %lt3A_259 = arith.constant 625 : i32
      %lt3A_260 = arith.cmpi slt, %add3A_248, %lt3A_259 : i32
      %convert_element_type3A_261 = arith.extui %lt3A_260 : i1 to i32
      %cond3A_262 = arith.constant 0 : i32
      %cond3A_263 = arith.cmpi ne, %convert_element_type3A_261, %cond3A_262 : i32
      scf.if %cond3A_263 {
        %mul3A_363 = arith.constant 80 : i32
        %mul3A_364 = arith.muli %add3A_248, %mul3A_363 : i32
        %dma_wait3A = arith.constant 0 : i32
        %dma_wait3A_365 = tpu.memref_slice %arg2[%mul3A_364, %dma_wait3A] : memref<50000x128xi32, #tpu.memory_space<hbm>> -> memref<80x128xi32, #tpu.memory_space<hbm>>
        %dma_wait3A_366 = arith.constant 0 : i32
        %dma_wait3A_367 = tpu.memref_slice %arg2[%mul3A_364, %dma_wait3A_366] : memref<50000x128xi32, #tpu.memory_space<hbm>> -> memref<80x128xi32, #tpu.memory_space<hbm>>
        tpu.wait_dma2 semaphore(%arg14 : memref<!tpu.dma_semaphore, #tpu.memory_space<semaphore_mem>>) src(%dma_wait3A_367 : memref<80x128xi32, #tpu.memory_space<hbm>>) dst(%arg11 : memref<80x128xi32, #tpu.memory_space<vmem>>)
        %mul3A_368 = arith.constant 10240 : i32
        %mul3A_369 = arith.muli %add3A_248, %mul3A_368 : i32
        %dma_wait3A_370 = tpu.memref_slice %arg3[%mul3A_369] : memref<6400000xf32, #tpu.memory_space<hbm>> -> memref<10240xf32, #tpu.memory_space<hbm>>
        %dma_wait3A_371 = tpu.memref_slice %arg3[%mul3A_369] : memref<6400000xf32, #tpu.memory_space<hbm>> -> memref<10240xf32, #tpu.memory_space<hbm>>
        tpu.wait_dma2 semaphore(%arg14 : memref<!tpu.dma_semaphore, #tpu.memory_space<semaphore_mem>>) src(%dma_wait3A_371 : memref<10240xf32, #tpu.memory_space<hbm>>) dst(%arg16 : memref<10240xf32, #tpu.memory_space<vmem>>)
        %mul3A_372 = arith.constant 10240 : i32
        %mul3A_373 = arith.muli %add3A_248, %mul3A_372 : i32
        %dma_wait3A_374 = tpu.memref_slice %arg4[%mul3A_373] : memref<6400000xf32, #tpu.memory_space<hbm>> -> memref<10240xf32, #tpu.memory_space<hbm>>
        %dma_wait3A_375 = tpu.memref_slice %arg4[%mul3A_373] : memref<6400000xf32, #tpu.memory_space<hbm>> -> memref<10240xf32, #tpu.memory_space<hbm>>
        tpu.wait_dma2 semaphore(%arg14 : memref<!tpu.dma_semaphore, #tpu.memory_space<semaphore_mem>>) src(%dma_wait3A_375 : memref<10240xf32, #tpu.memory_space<hbm>>) dst(%arg18 : memref<10240xf32, #tpu.memory_space<vmem>>)
      } else {
      }
      %ge3A_264 = arith.constant 2 : i32
      %ge3A_265 = arith.cmpi sge, %add3A_245, %ge3A_264 : i32
      %lt3A_266 = arith.constant 625 : i32
      %lt3A_267 = arith.cmpi slt, %add3A_253, %lt3A_266 : i32
      %and3A_268 = arith.andi %ge3A_265, %lt3A_267 : i1
      %convert_element_type3A_269 = arith.extui %and3A_268 : i1 to i32
      %cond3A_270 = arith.constant 0 : i32
      %cond3A_271 = arith.cmpi ne, %convert_element_type3A_269, %cond3A_270 : i32
      scf.if %cond3A_271 {
        %scan3A_363 = arith.constant 0 : i32
        %scan3A_364 = arith.constant 0 : i32
        %scan3A_365 = arith.constant 80 : i32
        %scan3A_366 = arith.addi %scan3A_364, %scan3A_365 : i32
        %scan3A_367 = arith.constant 1 : i32
        %scan3A_368 = scf.for %scan3A_373 = %scan3A_364 to %scan3A_366 step %scan3A_367 iter_args(%scan3A_374 = %scan3A_363) -> (i32)  : i32 {
          %mul3A_375 = arith.constant 128 : i32
          %mul3A_376 = arith.muli %scan3A_373, %mul3A_375 : i32
          %dma_wait3A_377 = tpu.memref_slice %arg9[%mul3A_376] : memref<10240xf32, #tpu.memory_space<vmem>> -> memref<128xf32, #tpu.memory_space<vmem>>
          %dma_wait3A_378 = arith.constant 0 : i32
          %dma_wait3A_379 = tpu.memref_slice %arg12[%scan3A_373, %dma_wait3A_378] : memref<80x128xi32, #tpu.memory_space<vmem>> -> memref<1x128xi32, #tpu.memory_space<vmem>>
          %dma_wait3A_380 = tpu.memref_squeeze %dma_wait3A_379 : memref<1x128xi32, #tpu.memory_space<vmem>> -> memref<128xi32, #tpu.memory_space<vmem>>
          %dma_wait3A_381 = arith.constant 0 : i32
          %dma_wait3A_382 = tpu.memref_slice %arg7[%dma_wait3A_381] : memref<100096xf32, #tpu.memory_space<vmem_shared>> -> memref<100096xf32, #tpu.memory_space<vmem_shared>>
          tpu.wait_indirect_dma semaphore(%arg19 : memref<!tpu.dma_semaphore, #tpu.memory_space<semaphore_mem>>) src(%dma_wait3A_377 : memref<128xf32, #tpu.memory_space<vmem>>) dst(%dma_wait3A_382 : memref<100096xf32, #tpu.memory_space<vmem_shared>>)
          %scan3A_383 = arith.constant 0 : i32
          scf.yield %scan3A_383 : i32
        }
        %scan3A_369 = arith.constant 80 : i32
        %mul3A_370 = arith.constant 10240 : i32
        %mul3A_371 = arith.muli %add3A_253, %mul3A_370 : i32
        %dma_wait3A = tpu.memref_slice %arg5[%mul3A_371] : memref<6400000xf32, #tpu.memory_space<hbm>> -> memref<10240xf32, #tpu.memory_space<hbm>>
        %dma_wait3A_372 = tpu.memref_slice %arg5[%mul3A_371] : memref<6400000xf32, #tpu.memory_space<hbm>> -> memref<10240xf32, #tpu.memory_space<hbm>>
        tpu.wait_dma2 semaphore(%arg20 : memref<!tpu.dma_semaphore, #tpu.memory_space<semaphore_mem>>) src(%arg9 : memref<10240xf32, #tpu.memory_space<vmem>>) dst(%dma_wait3A_372 : memref<10240xf32, #tpu.memory_space<hbm>>)
      } else {
      }
      %lt3A_272 = arith.constant 625 : i32
      %lt3A_273 = arith.cmpi slt, %add3A_258, %lt3A_272 : i32
      %convert_element_type3A_274 = arith.extui %lt3A_273 : i1 to i32
      %cond3A_275 = arith.constant 0 : i32
      %cond3A_276 = arith.cmpi ne, %convert_element_type3A_274, %cond3A_275 : i32
      scf.if %cond3A_276 {
        %mul3A_363 = arith.constant 80 : i32
        %mul3A_364 = arith.muli %add3A_258, %mul3A_363 : i32
        %dma_start3A_365 = arith.constant 0 : i32
        %dma_start3A_366 = tpu.memref_slice %arg2[%mul3A_364, %dma_start3A_365] : memref<50000x128xi32, #tpu.memory_space<hbm>> -> memref<80x128xi32, #tpu.memory_space<hbm>>
        %dma_start3A_367 = arith.constant 0 : i32
        %dma_start3A_368 = tpu.memref_slice %arg2[%mul3A_364, %dma_start3A_367] : memref<50000x128xi32, #tpu.memory_space<hbm>> -> memref<80x128xi32, #tpu.memory_space<hbm>>
        tpu.enqueue_dma source(%dma_start3A_368 : memref<80x128xi32, #tpu.memory_space<hbm>>) target(%arg12 : memref<80x128xi32, #tpu.memory_space<vmem>>) target_semaphore(%arg14 : memref<!tpu.dma_semaphore, #tpu.memory_space<semaphore_mem>>)
        %mul3A_369 = arith.constant 10240 : i32
        %mul3A_370 = arith.muli %add3A_258, %mul3A_369 : i32
        %dma_start3A_371 = tpu.memref_slice %arg3[%mul3A_370] : memref<6400000xf32, #tpu.memory_space<hbm>> -> memref<10240xf32, #tpu.memory_space<hbm>>
        %dma_start3A_372 = tpu.memref_slice %arg3[%mul3A_370] : memref<6400000xf32, #tpu.memory_space<hbm>> -> memref<10240xf32, #tpu.memory_space<hbm>>
        tpu.enqueue_dma source(%dma_start3A_372 : memref<10240xf32, #tpu.memory_space<hbm>>) target(%arg15 : memref<10240xf32, #tpu.memory_space<vmem>>) target_semaphore(%arg14 : memref<!tpu.dma_semaphore, #tpu.memory_space<semaphore_mem>>)
        %mul3A_373 = arith.constant 10240 : i32
        %mul3A_374 = arith.muli %add3A_258, %mul3A_373 : i32
        %dma_start3A_375 = tpu.memref_slice %arg4[%mul3A_374] : memref<6400000xf32, #tpu.memory_space<hbm>> -> memref<10240xf32, #tpu.memory_space<hbm>>
        %dma_start3A_376 = tpu.memref_slice %arg4[%mul3A_374] : memref<6400000xf32, #tpu.memory_space<hbm>> -> memref<10240xf32, #tpu.memory_space<hbm>>
        tpu.enqueue_dma source(%dma_start3A_376 : memref<10240xf32, #tpu.memory_space<hbm>>) target(%arg17 : memref<10240xf32, #tpu.memory_space<vmem>>) target_semaphore(%arg14 : memref<!tpu.dma_semaphore, #tpu.memory_space<semaphore_mem>>)
      } else {
      }
      %lt3A_277 = arith.constant 625 : i32
      %lt3A_278 = arith.cmpi slt, %add3A_248, %lt3A_277 : i32
      %convert_element_type3A_279 = arith.extui %lt3A_278 : i1 to i32
      %cond3A_280 = arith.constant 0 : i32
      %cond3A_281 = arith.cmpi ne, %convert_element_type3A_279, %cond3A_280 : i32
      scf.if %cond3A_281 {
        %scan3A_363 = arith.constant 0 : i32
        %scan3A_364 = arith.constant 0 : i32
        %scan3A_365 = arith.constant 80 : i32
        %scan3A_366 = arith.addi %scan3A_364, %scan3A_365 : i32
        %scan3A_367 = arith.constant 1 : i32
        %scan3A_368 = scf.for %scan3A_374 = %scan3A_364 to %scan3A_366 step %scan3A_367 iter_args(%scan3A_375 = %scan3A_363) -> (i32)  : i32 {
          %mul3A_376 = arith.constant 128 : i32
          %mul3A_377 = arith.muli %scan3A_374, %mul3A_376 : i32
          %add3A_378 = arith.constant 0 : i32
          %add3A_379 = arith.addi %mul3A_377, %add3A_378 : i32
          %get3A = arith.index_cast %add3A_379 : i32 to index
          %get3A_380 = tpu.vector_load %arg16[%get3A] {strides = array<i32>} : memref<10240xf32, #tpu.memory_space<vmem>>, vector<16xf32>,
          %get3A_381 = vector.shape_cast %get3A_380 : vector<16xf32> to vector<16xf32>
          %get3A_382 = arith.index_cast %add3A_379 : i32 to index
          %get3A_383 = tpu.vector_load %arg18[%get3A_382] {strides = array<i32>} : memref<10240xf32, #tpu.memory_space<vmem>>, vector<16xf32>,
          %get3A_384 = vector.shape_cast %get3A_383 : vector<16xf32> to vector<16xf32>
          %mul3A_385 = arith.mulf %get3A_381, %get3A_384 : vector<16xf32>
          %swap3A_386 = arith.index_cast %add3A_379 : i32 to index
          %swap3A_387 = tpu.vector_load %arg8[%swap3A_386] {strides = array<i32>} : memref<10240xf32, #tpu.memory_space<vmem>>, vector<16xf32>,
          %swap3A_388 = vector.shape_cast %swap3A_387 : vector<16xf32> to vector<16xf32>
          %swap3A_389 = vector.shape_cast %mul3A_385 : vector<16xf32> to vector<16xf32>
          tpu.vector_store %arg8[%swap3A_386], %swap3A_389 {strides = array<i32>} : memref<10240xf32, #tpu.memory_space<vmem>>, vector<16xf32>,
          %mul3A_390 = arith.constant 128 : i32
          %mul3A_391 = arith.muli %scan3A_374, %mul3A_390 : i32
          %add3A_392 = arith.constant 16 : i32
          %add3A_393 = arith.addi %mul3A_391, %add3A_392 : i32
          %get3A_394 = arith.index_cast %add3A_393 : i32 to index
          %get3A_395 = tpu.vector_load %arg16[%get3A_394] {strides = array<i32>} : memref<10240xf32, #tpu.memory_space<vmem>>, vector<16xf32>,
          %get3A_396 = vector.shape_cast %get3A_395 : vector<16xf32> to vector<16xf32>
          %get3A_397 = arith.index_cast %add3A_393 : i32 to index
          %get3A_398 = tpu.vector_load %arg18[%get3A_397] {strides = array<i32>} : memref<10240xf32, #tpu.memory_space<vmem>>, vector<16xf32>,
          %get3A_399 = vector.shape_cast %get3A_398 : vector<16xf32> to vector<16xf32>
          %mul3A_400 = arith.mulf %get3A_396, %get3A_399 : vector<16xf32>
          %swap3A_401 = arith.index_cast %add3A_393 : i32 to index
          %swap3A_402 = tpu.vector_load %arg8[%swap3A_401] {strides = array<i32>} : memref<10240xf32, #tpu.memory_space<vmem>>, vector<16xf32>,
          %swap3A_403 = vector.shape_cast %swap3A_402 : vector<16xf32> to vector<16xf32>
          %swap3A_404 = vector.shape_cast %mul3A_400 : vector<16xf32> to vector<16xf32>
          tpu.vector_store %arg8[%swap3A_401], %swap3A_404 {strides = array<i32>} : memref<10240xf32, #tpu.memory_space<vmem>>, vector<16xf32>,
          %mul3A_405 = arith.constant 128 : i32
          %mul3A_406 = arith.muli %scan3A_374, %mul3A_405 : i32
          %add3A_407 = arith.constant 32 : i32
          %add3A_408 = arith.addi %mul3A_406, %add3A_407 : i32
          %get3A_409 = arith.index_cast %add3A_408 : i32 to index
          %get3A_410 = tpu.vector_load %arg16[%get3A_409] {strides = array<i32>} : memref<10240xf32, #tpu.memory_space<vmem>>, vector<16xf32>,
          %get3A_411 = vector.shape_cast %get3A_410 : vector<16xf32> to vector<16xf32>
          %get3A_412 = arith.index_cast %add3A_408 : i32 to index
          %get3A_413 = tpu.vector_load %arg18[%get3A_412] {strides = array<i32>} : memref<10240xf32, #tpu.memory_space<vmem>>, vector<16xf32>,
          %get3A_414 = vector.shape_cast %get3A_413 : vector<16xf32> to vector<16xf32>
          %mul3A_415 = arith.mulf %get3A_411, %get3A_414 : vector<16xf32>
          %swap3A_416 = arith.index_cast %add3A_408 : i32 to index
          %swap3A_417 = tpu.vector_load %arg8[%swap3A_416] {strides = array<i32>} : memref<10240xf32, #tpu.memory_space<vmem>>, vector<16xf32>,
          %swap3A_418 = vector.shape_cast %swap3A_417 : vector<16xf32> to vector<16xf32>
          %swap3A_419 = vector.shape_cast %mul3A_415 : vector<16xf32> to vector<16xf32>
          tpu.vector_store %arg8[%swap3A_416], %swap3A_419 {strides = array<i32>} : memref<10240xf32, #tpu.memory_space<vmem>>, vector<16xf32>,
          %mul3A_420 = arith.constant 128 : i32
          %mul3A_421 = arith.muli %scan3A_374, %mul3A_420 : i32
          %add3A_422 = arith.constant 48 : i32
          %add3A_423 = arith.addi %mul3A_421, %add3A_422 : i32
          %get3A_424 = arith.index_cast %add3A_423 : i32 to index
          %get3A_425 = tpu.vector_load %arg16[%get3A_424] {strides = array<i32>} : memref<10240xf32, #tpu.memory_space<vmem>>, vector<16xf32>,
          %get3A_426 = vector.shape_cast %get3A_425 : vector<16xf32> to vector<16xf32>
          %get3A_427 = arith.index_cast %add3A_423 : i32 to index
          %get3A_428 = tpu.vector_load %arg18[%get3A_427] {strides = array<i32>} : memref<10240xf32, #tpu.memory_space<vmem>>, vector<16xf32>,
          %get3A_429 = vector.shape_cast %get3A_428 : vector<16xf32> to vector<16xf32>
          %mul3A_430 = arith.mulf %get3A_426, %get3A_429 : vector<16xf32>
          %swap3A_431 = arith.index_cast %add3A_423 : i32 to index
          %swap3A_432 = tpu.vector_load %arg8[%swap3A_431] {strides = array<i32>} : memref<10240xf32, #tpu.memory_space<vmem>>, vector<16xf32>,
          %swap3A_433 = vector.shape_cast %swap3A_432 : vector<16xf32> to vector<16xf32>
          %swap3A_434 = vector.shape_cast %mul3A_430 : vector<16xf32> to vector<16xf32>
          tpu.vector_store %arg8[%swap3A_431], %swap3A_434 {strides = array<i32>} : memref<10240xf32, #tpu.memory_space<vmem>>, vector<16xf32>,
          %mul3A_435 = arith.constant 128 : i32
          %mul3A_436 = arith.muli %scan3A_374, %mul3A_435 : i32
          %add3A_437 = arith.constant 64 : i32
          %add3A_438 = arith.addi %mul3A_436, %add3A_437 : i32
          %get3A_439 = arith.index_cast %add3A_438 : i32 to index
          %get3A_440 = tpu.vector_load %arg16[%get3A_439] {strides = array<i32>} : memref<10240xf32, #tpu.memory_space<vmem>>, vector<16xf32>,
          %get3A_441 = vector.shape_cast %get3A_440 : vector<16xf32> to vector<16xf32>
          %get3A_442 = arith.index_cast %add3A_438 : i32 to index
          %get3A_443 = tpu.vector_load %arg18[%get3A_442] {strides = array<i32>} : memref<10240xf32, #tpu.memory_space<vmem>>, vector<16xf32>,
          %get3A_444 = vector.shape_cast %get3A_443 : vector<16xf32> to vector<16xf32>
          %mul3A_445 = arith.mulf %get3A_441, %get3A_444 : vector<16xf32>
          %swap3A_446 = arith.index_cast %add3A_438 : i32 to index
          %swap3A_447 = tpu.vector_load %arg8[%swap3A_446] {strides = array<i32>} : memref<10240xf32, #tpu.memory_space<vmem>>, vector<16xf32>,
          %swap3A_448 = vector.shape_cast %swap3A_447 : vector<16xf32> to vector<16xf32>
          %swap3A_449 = vector.shape_cast %mul3A_445 : vector<16xf32> to vector<16xf32>
          tpu.vector_store %arg8[%swap3A_446], %swap3A_449 {strides = array<i32>} : memref<10240xf32, #tpu.memory_space<vmem>>, vector<16xf32>,
          %mul3A_450 = arith.constant 128 : i32
          %mul3A_451 = arith.muli %scan3A_374, %mul3A_450 : i32
          %add3A_452 = arith.constant 80 : i32
          %add3A_453 = arith.addi %mul3A_451, %add3A_452 : i32
          %get3A_454 = arith.index_cast %add3A_453 : i32 to index
          %get3A_455 = tpu.vector_load %arg16[%get3A_454] {strides = array<i32>} : memref<10240xf32, #tpu.memory_space<vmem>>, vector<16xf32>,
          %get3A_456 = vector.shape_cast %get3A_455 : vector<16xf32> to vector<16xf32>
          %get3A_457 = arith.index_cast %add3A_453 : i32 to index
          %get3A_458 = tpu.vector_load %arg18[%get3A_457] {strides = array<i32>} : memref<10240xf32, #tpu.memory_space<vmem>>, vector<16xf32>,
          %get3A_459 = vector.shape_cast %get3A_458 : vector<16xf32> to vector<16xf32>
          %mul3A_460 = arith.mulf %get3A_456, %get3A_459 : vector<16xf32>
          %swap3A_461 = arith.index_cast %add3A_453 : i32 to index
          %swap3A_462 = tpu.vector_load %arg8[%swap3A_461] {strides = array<i32>} : memref<10240xf32, #tpu.memory_space<vmem>>, vector<16xf32>,
          %swap3A_463 = vector.shape_cast %swap3A_462 : vector<16xf32> to vector<16xf32>
          %swap3A_464 = vector.shape_cast %mul3A_460 : vector<16xf32> to vector<16xf32>
          tpu.vector_store %arg8[%swap3A_461], %swap3A_464 {strides = array<i32>} : memref<10240xf32, #tpu.memory_space<vmem>>, vector<16xf32>,
          %mul3A_465 = arith.constant 128 : i32
          %mul3A_466 = arith.muli %scan3A_374, %mul3A_465 : i32
          %add3A_467 = arith.constant 96 : i32
          %add3A_468 = arith.addi %mul3A_466, %add3A_467 : i32
          %get3A_469 = arith.index_cast %add3A_468 : i32 to index
          %get3A_470 = tpu.vector_load %arg16[%get3A_469] {strides = array<i32>} : memref<10240xf32, #tpu.memory_space<vmem>>, vector<16xf32>,
          %get3A_471 = vector.shape_cast %get3A_470 : vector<16xf32> to vector<16xf32>
          %get3A_472 = arith.index_cast %add3A_468 : i32 to index
          %get3A_473 = tpu.vector_load %arg18[%get3A_472] {strides = array<i32>} : memref<10240xf32, #tpu.memory_space<vmem>>, vector<16xf32>,
          %get3A_474 = vector.shape_cast %get3A_473 : vector<16xf32> to vector<16xf32>
          %mul3A_475 = arith.mulf %get3A_471, %get3A_474 : vector<16xf32>
          %swap3A_476 = arith.index_cast %add3A_468 : i32 to index
          %swap3A_477 = tpu.vector_load %arg8[%swap3A_476] {strides = array<i32>} : memref<10240xf32, #tpu.memory_space<vmem>>, vector<16xf32>,
          %swap3A_478 = vector.shape_cast %swap3A_477 : vector<16xf32> to vector<16xf32>
          %swap3A_479 = vector.shape_cast %mul3A_475 : vector<16xf32> to vector<16xf32>
          tpu.vector_store %arg8[%swap3A_476], %swap3A_479 {strides = array<i32>} : memref<10240xf32, #tpu.memory_space<vmem>>, vector<16xf32>,
          %mul3A_480 = arith.constant 128 : i32
          %mul3A_481 = arith.muli %scan3A_374, %mul3A_480 : i32
          %add3A_482 = arith.constant 112 : i32
          %add3A_483 = arith.addi %mul3A_481, %add3A_482 : i32
          %get3A_484 = arith.index_cast %add3A_483 : i32 to index
          %get3A_485 = tpu.vector_load %arg16[%get3A_484] {strides = array<i32>} : memref<10240xf32, #tpu.memory_space<vmem>>, vector<16xf32>,
          %get3A_486 = vector.shape_cast %get3A_485 : vector<16xf32> to vector<16xf32>
          %get3A_487 = arith.index_cast %add3A_483 : i32 to index
          %get3A_488 = tpu.vector_load %arg18[%get3A_487] {strides = array<i32>} : memref<10240xf32, #tpu.memory_space<vmem>>, vector<16xf32>,
          %get3A_489 = vector.shape_cast %get3A_488 : vector<16xf32> to vector<16xf32>
          %mul3A_490 = arith.mulf %get3A_486, %get3A_489 : vector<16xf32>
          %swap3A_491 = arith.index_cast %add3A_483 : i32 to index
          %swap3A_492 = tpu.vector_load %arg8[%swap3A_491] {strides = array<i32>} : memref<10240xf32, #tpu.memory_space<vmem>>, vector<16xf32>,
          %swap3A_493 = vector.shape_cast %swap3A_492 : vector<16xf32> to vector<16xf32>
          %swap3A_494 = vector.shape_cast %mul3A_490 : vector<16xf32> to vector<16xf32>
          tpu.vector_store %arg8[%swap3A_491], %swap3A_494 {strides = array<i32>} : memref<10240xf32, #tpu.memory_space<vmem>>, vector<16xf32>,
          %mul3A_495 = arith.constant 128 : i32
          %mul3A_496 = arith.muli %scan3A_374, %mul3A_495 : i32
          %dma_start3A_497 = tpu.memref_slice %arg8[%mul3A_496] : memref<10240xf32, #tpu.memory_space<vmem>> -> memref<128xf32, #tpu.memory_space<vmem>>
          %dma_start3A_498 = arith.constant 0 : i32
          %dma_start3A_499 = tpu.memref_slice %arg11[%scan3A_374, %dma_start3A_498] : memref<80x128xi32, #tpu.memory_space<vmem>> -> memref<1x128xi32, #tpu.memory_space<vmem>>
          %dma_start3A_500 = tpu.memref_squeeze %dma_start3A_499 : memref<1x128xi32, #tpu.memory_space<vmem>> -> memref<128xi32, #tpu.memory_space<vmem>>
          %dma_start3A_501 = arith.constant 0 : i32
          %dma_start3A_502 = tpu.memref_slice %arg7[%dma_start3A_501] : memref<100096xf32, #tpu.memory_space<vmem_shared>> -> memref<100096xf32, #tpu.memory_space<vmem_shared>>
          tpu.enqueue_indirect_dma source(%dma_start3A_497 : memref<128xf32, #tpu.memory_space<vmem>>) target(%dma_start3A_502 : memref<100096xf32, #tpu.memory_space<vmem_shared>>) offsets(%dma_start3A_500 : memref<128xi32, #tpu.memory_space<vmem>>) semaphore(%arg19 : memref<!tpu.dma_semaphore, #tpu.memory_space<semaphore_mem>>) {add = true}
          %scan3A_503 = arith.constant 0 : i32
          scf.yield %scan3A_503 : i32
        }
        %scan3A_369 = arith.constant 80 : i32
        %mul3A_370 = arith.constant 10240 : i32
        %mul3A_371 = arith.muli %add3A_248, %mul3A_370 : i32
        %dma_start3A_372 = tpu.memref_slice %arg5[%mul3A_371] : memref<6400000xf32, #tpu.memory_space<hbm>> -> memref<10240xf32, #tpu.memory_space<hbm>>
        %dma_start3A_373 = tpu.memref_slice %arg5[%mul3A_371] : memref<6400000xf32, #tpu.memory_space<hbm>> -> memref<10240xf32, #tpu.memory_space<hbm>>
        tpu.enqueue_dma source(%arg8 : memref<10240xf32, #tpu.memory_space<vmem>>) target(%dma_start3A_373 : memref<10240xf32, #tpu.memory_space<hbm>>) target_semaphore(%arg20 : memref<!tpu.dma_semaphore, #tpu.memory_space<semaphore_mem>>)
      } else {
      }
      %mul3A_282 = arith.constant 6 : i32
      %mul3A_283 = arith.muli %mul3A_282, %scan3A_123 : i32
      %add3A_284 = arith.constant 4 : i32
      %add3A_285 = arith.addi %mul3A_283, %add3A_284 : i32
      %mul3A_286 = arith.constant 32 : i32
      %mul3A_287 = arith.muli %add3A_285, %mul3A_286 : i32
      %add3A_288 = arith.addi %add3A, %mul3A_287 : i32
      %sub3A_289 = arith.constant 2 : i32
      %sub3A_290 = arith.subi %add3A_285, %sub3A_289 : i32
      %mul3A_291 = arith.constant 32 : i32
      %mul3A_292 = arith.muli %sub3A_290, %mul3A_291 : i32
      %add3A_293 = arith.addi %add3A, %mul3A_292 : i32
      %add3A_294 = arith.constant 1 : i32
      %add3A_295 = arith.addi %add3A_285, %add3A_294 : i32
      %mul3A_296 = arith.constant 32 : i32
      %mul3A_297 = arith.muli %add3A_295, %mul3A_296 : i32
      %add3A_298 = arith.addi %add3A, %mul3A_297 : i32
      %lt3A_299 = arith.constant 625 : i32
      %lt3A_300 = arith.cmpi slt, %add3A_288, %lt3A_299 : i32
      %convert_element_type3A_301 = arith.extui %lt3A_300 : i1 to i32
      %cond3A_302 = arith.constant 0 : i32
      %cond3A_303 = arith.cmpi ne, %convert_element_type3A_301, %cond3A_302 : i32
      scf.if %cond3A_303 {
        %mul3A_363 = arith.constant 80 : i32
        %mul3A_364 = arith.muli %add3A_288, %mul3A_363 : i32
        %dma_wait3A = arith.constant 0 : i32
        %dma_wait3A_365 = tpu.memref_slice %arg2[%mul3A_364, %dma_wait3A] : memref<50000x128xi32, #tpu.memory_space<hbm>> -> memref<80x128xi32, #tpu.memory_space<hbm>>
        %dma_wait3A_366 = arith.constant 0 : i32
        %dma_wait3A_367 = tpu.memref_slice %arg2[%mul3A_364, %dma_wait3A_366] : memref<50000x128xi32, #tpu.memory_space<hbm>> -> memref<80x128xi32, #tpu.memory_space<hbm>>
        tpu.wait_dma2 semaphore(%arg14 : memref<!tpu.dma_semaphore, #tpu.memory_space<semaphore_mem>>) src(%dma_wait3A_367 : memref<80x128xi32, #tpu.memory_space<hbm>>) dst(%arg12 : memref<80x128xi32, #tpu.memory_space<vmem>>)
        %mul3A_368 = arith.constant 10240 : i32
        %mul3A_369 = arith.muli %add3A_288, %mul3A_368 : i32
        %dma_wait3A_370 = tpu.memref_slice %arg3[%mul3A_369] : memref<6400000xf32, #tpu.memory_space<hbm>> -> memref<10240xf32, #tpu.memory_space<hbm>>
        %dma_wait3A_371 = tpu.memref_slice %arg3[%mul3A_369] : memref<6400000xf32, #tpu.memory_space<hbm>> -> memref<10240xf32, #tpu.memory_space<hbm>>
        tpu.wait_dma2 semaphore(%arg14 : memref<!tpu.dma_semaphore, #tpu.memory_space<semaphore_mem>>) src(%dma_wait3A_371 : memref<10240xf32, #tpu.memory_space<hbm>>) dst(%arg15 : memref<10240xf32, #tpu.memory_space<vmem>>)
        %mul3A_372 = arith.constant 10240 : i32
        %mul3A_373 = arith.muli %add3A_288, %mul3A_372 : i32
        %dma_wait3A_374 = tpu.memref_slice %arg4[%mul3A_373] : memref<6400000xf32, #tpu.memory_space<hbm>> -> memref<10240xf32, #tpu.memory_space<hbm>>
        %dma_wait3A_375 = tpu.memref_slice %arg4[%mul3A_373] : memref<6400000xf32, #tpu.memory_space<hbm>> -> memref<10240xf32, #tpu.memory_space<hbm>>
        tpu.wait_dma2 semaphore(%arg14 : memref<!tpu.dma_semaphore, #tpu.memory_space<semaphore_mem>>) src(%dma_wait3A_375 : memref<10240xf32, #tpu.memory_space<hbm>>) dst(%arg17 : memref<10240xf32, #tpu.memory_space<vmem>>)
      } else {
      }
      %ge3A_304 = arith.constant 2 : i32
      %ge3A_305 = arith.cmpi sge, %add3A_285, %ge3A_304 : i32
      %lt3A_306 = arith.constant 625 : i32
      %lt3A_307 = arith.cmpi slt, %add3A_293, %lt3A_306 : i32
      %and3A_308 = arith.andi %ge3A_305, %lt3A_307 : i1
      %convert_element_type3A_309 = arith.extui %and3A_308 : i1 to i32
      %cond3A_310 = arith.constant 0 : i32
      %cond3A_311 = arith.cmpi ne, %convert_element_type3A_309, %cond3A_310 : i32
      scf.if %cond3A_311 {
        %scan3A_363 = arith.constant 0 : i32
        %scan3A_364 = arith.constant 0 : i32
        %scan3A_365 = arith.constant 80 : i32
        %scan3A_366 = arith.addi %scan3A_364, %scan3A_365 : i32
        %scan3A_367 = arith.constant 1 : i32
        %scan3A_368 = scf.for %scan3A_373 = %scan3A_364 to %scan3A_366 step %scan3A_367 iter_args(%scan3A_374 = %scan3A_363) -> (i32)  : i32 {
          %mul3A_375 = arith.constant 128 : i32
          %mul3A_376 = arith.muli %scan3A_373, %mul3A_375 : i32
          %dma_wait3A_377 = tpu.memref_slice %arg10[%mul3A_376] : memref<10240xf32, #tpu.memory_space<vmem>> -> memref<128xf32, #tpu.memory_space<vmem>>
          %dma_wait3A_378 = arith.constant 0 : i32
          %dma_wait3A_379 = tpu.memref_slice %arg13[%scan3A_373, %dma_wait3A_378] : memref<80x128xi32, #tpu.memory_space<vmem>> -> memref<1x128xi32, #tpu.memory_space<vmem>>
          %dma_wait3A_380 = tpu.memref_squeeze %dma_wait3A_379 : memref<1x128xi32, #tpu.memory_space<vmem>> -> memref<128xi32, #tpu.memory_space<vmem>>
          %dma_wait3A_381 = arith.constant 0 : i32
          %dma_wait3A_382 = tpu.memref_slice %arg7[%dma_wait3A_381] : memref<100096xf32, #tpu.memory_space<vmem_shared>> -> memref<100096xf32, #tpu.memory_space<vmem_shared>>
          tpu.wait_indirect_dma semaphore(%arg19 : memref<!tpu.dma_semaphore, #tpu.memory_space<semaphore_mem>>) src(%dma_wait3A_377 : memref<128xf32, #tpu.memory_space<vmem>>) dst(%dma_wait3A_382 : memref<100096xf32, #tpu.memory_space<vmem_shared>>)
          %scan3A_383 = arith.constant 0 : i32
          scf.yield %scan3A_383 : i32
        }
        %scan3A_369 = arith.constant 80 : i32
        %mul3A_370 = arith.constant 10240 : i32
        %mul3A_371 = arith.muli %add3A_293, %mul3A_370 : i32
        %dma_wait3A = tpu.memref_slice %arg5[%mul3A_371] : memref<6400000xf32, #tpu.memory_space<hbm>> -> memref<10240xf32, #tpu.memory_space<hbm>>
        %dma_wait3A_372 = tpu.memref_slice %arg5[%mul3A_371] : memref<6400000xf32, #tpu.memory_space<hbm>> -> memref<10240xf32, #tpu.memory_space<hbm>>
        tpu.wait_dma2 semaphore(%arg20 : memref<!tpu.dma_semaphore, #tpu.memory_space<semaphore_mem>>) src(%arg10 : memref<10240xf32, #tpu.memory_space<vmem>>) dst(%dma_wait3A_372 : memref<10240xf32, #tpu.memory_space<hbm>>)
      } else {
      }
      %lt3A_312 = arith.constant 625 : i32
      %lt3A_313 = arith.cmpi slt, %add3A_298, %lt3A_312 : i32
      %convert_element_type3A_314 = arith.extui %lt3A_313 : i1 to i32
      %cond3A_315 = arith.constant 0 : i32
      %cond3A_316 = arith.cmpi ne, %convert_element_type3A_314, %cond3A_315 : i32
      scf.if %cond3A_316 {
        %mul3A_363 = arith.constant 80 : i32
        %mul3A_364 = arith.muli %add3A_298, %mul3A_363 : i32
        %dma_start3A_365 = arith.constant 0 : i32
        %dma_start3A_366 = tpu.memref_slice %arg2[%mul3A_364, %dma_start3A_365] : memref<50000x128xi32, #tpu.memory_space<hbm>> -> memref<80x128xi32, #tpu.memory_space<hbm>>
        %dma_start3A_367 = arith.constant 0 : i32
        %dma_start3A_368 = tpu.memref_slice %arg2[%mul3A_364, %dma_start3A_367] : memref<50000x128xi32, #tpu.memory_space<hbm>> -> memref<80x128xi32, #tpu.memory_space<hbm>>
        tpu.enqueue_dma source(%dma_start3A_368 : memref<80x128xi32, #tpu.memory_space<hbm>>) target(%arg13 : memref<80x128xi32, #tpu.memory_space<vmem>>) target_semaphore(%arg14 : memref<!tpu.dma_semaphore, #tpu.memory_space<semaphore_mem>>)
        %mul3A_369 = arith.constant 10240 : i32
        %mul3A_370 = arith.muli %add3A_298, %mul3A_369 : i32
        %dma_start3A_371 = tpu.memref_slice %arg3[%mul3A_370] : memref<6400000xf32, #tpu.memory_space<hbm>> -> memref<10240xf32, #tpu.memory_space<hbm>>
        %dma_start3A_372 = tpu.memref_slice %arg3[%mul3A_370] : memref<6400000xf32, #tpu.memory_space<hbm>> -> memref<10240xf32, #tpu.memory_space<hbm>>
        tpu.enqueue_dma source(%dma_start3A_372 : memref<10240xf32, #tpu.memory_space<hbm>>) target(%arg16 : memref<10240xf32, #tpu.memory_space<vmem>>) target_semaphore(%arg14 : memref<!tpu.dma_semaphore, #tpu.memory_space<semaphore_mem>>)
        %mul3A_373 = arith.constant 10240 : i32
        %mul3A_374 = arith.muli %add3A_298, %mul3A_373 : i32
        %dma_start3A_375 = tpu.memref_slice %arg4[%mul3A_374] : memref<6400000xf32, #tpu.memory_space<hbm>> -> memref<10240xf32, #tpu.memory_space<hbm>>
        %dma_start3A_376 = tpu.memref_slice %arg4[%mul3A_374] : memref<6400000xf32, #tpu.memory_space<hbm>> -> memref<10240xf32, #tpu.memory_space<hbm>>
        tpu.enqueue_dma source(%dma_start3A_376 : memref<10240xf32, #tpu.memory_space<hbm>>) target(%arg18 : memref<10240xf32, #tpu.memory_space<vmem>>) target_semaphore(%arg14 : memref<!tpu.dma_semaphore, #tpu.memory_space<semaphore_mem>>)
      } else {
      }
      %lt3A_317 = arith.constant 625 : i32
      %lt3A_318 = arith.cmpi slt, %add3A_288, %lt3A_317 : i32
      %convert_element_type3A_319 = arith.extui %lt3A_318 : i1 to i32
      %cond3A_320 = arith.constant 0 : i32
      %cond3A_321 = arith.cmpi ne, %convert_element_type3A_319, %cond3A_320 : i32
      scf.if %cond3A_321 {
        %scan3A_363 = arith.constant 0 : i32
        %scan3A_364 = arith.constant 0 : i32
        %scan3A_365 = arith.constant 80 : i32
        %scan3A_366 = arith.addi %scan3A_364, %scan3A_365 : i32
        %scan3A_367 = arith.constant 1 : i32
        %scan3A_368 = scf.for %scan3A_374 = %scan3A_364 to %scan3A_366 step %scan3A_367 iter_args(%scan3A_375 = %scan3A_363) -> (i32)  : i32 {
          %mul3A_376 = arith.constant 128 : i32
          %mul3A_377 = arith.muli %scan3A_374, %mul3A_376 : i32
          %add3A_378 = arith.constant 0 : i32
          %add3A_379 = arith.addi %mul3A_377, %add3A_378 : i32
          %get3A = arith.index_cast %add3A_379 : i32 to index
          %get3A_380 = tpu.vector_load %arg15[%get3A] {strides = array<i32>} : memref<10240xf32, #tpu.memory_space<vmem>>, vector<16xf32>,
          %get3A_381 = vector.shape_cast %get3A_380 : vector<16xf32> to vector<16xf32>
          %get3A_382 = arith.index_cast %add3A_379 : i32 to index
          %get3A_383 = tpu.vector_load %arg17[%get3A_382] {strides = array<i32>} : memref<10240xf32, #tpu.memory_space<vmem>>, vector<16xf32>,
          %get3A_384 = vector.shape_cast %get3A_383 : vector<16xf32> to vector<16xf32>
          %mul3A_385 = arith.mulf %get3A_381, %get3A_384 : vector<16xf32>
          %swap3A_386 = arith.index_cast %add3A_379 : i32 to index
          %swap3A_387 = tpu.vector_load %arg9[%swap3A_386] {strides = array<i32>} : memref<10240xf32, #tpu.memory_space<vmem>>, vector<16xf32>,
          %swap3A_388 = vector.shape_cast %swap3A_387 : vector<16xf32> to vector<16xf32>
          %swap3A_389 = vector.shape_cast %mul3A_385 : vector<16xf32> to vector<16xf32>
          tpu.vector_store %arg9[%swap3A_386], %swap3A_389 {strides = array<i32>} : memref<10240xf32, #tpu.memory_space<vmem>>, vector<16xf32>,
          %mul3A_390 = arith.constant 128 : i32
          %mul3A_391 = arith.muli %scan3A_374, %mul3A_390 : i32
          %add3A_392 = arith.constant 16 : i32
          %add3A_393 = arith.addi %mul3A_391, %add3A_392 : i32
          %get3A_394 = arith.index_cast %add3A_393 : i32 to index
          %get3A_395 = tpu.vector_load %arg15[%get3A_394] {strides = array<i32>} : memref<10240xf32, #tpu.memory_space<vmem>>, vector<16xf32>,
          %get3A_396 = vector.shape_cast %get3A_395 : vector<16xf32> to vector<16xf32>
          %get3A_397 = arith.index_cast %add3A_393 : i32 to index
          %get3A_398 = tpu.vector_load %arg17[%get3A_397] {strides = array<i32>} : memref<10240xf32, #tpu.memory_space<vmem>>, vector<16xf32>,
          %get3A_399 = vector.shape_cast %get3A_398 : vector<16xf32> to vector<16xf32>
          %mul3A_400 = arith.mulf %get3A_396, %get3A_399 : vector<16xf32>
          %swap3A_401 = arith.index_cast %add3A_393 : i32 to index
          %swap3A_402 = tpu.vector_load %arg9[%swap3A_401] {strides = array<i32>} : memref<10240xf32, #tpu.memory_space<vmem>>, vector<16xf32>,
          %swap3A_403 = vector.shape_cast %swap3A_402 : vector<16xf32> to vector<16xf32>
          %swap3A_404 = vector.shape_cast %mul3A_400 : vector<16xf32> to vector<16xf32>
          tpu.vector_store %arg9[%swap3A_401], %swap3A_404 {strides = array<i32>} : memref<10240xf32, #tpu.memory_space<vmem>>, vector<16xf32>,
          %mul3A_405 = arith.constant 128 : i32
          %mul3A_406 = arith.muli %scan3A_374, %mul3A_405 : i32
          %add3A_407 = arith.constant 32 : i32
          %add3A_408 = arith.addi %mul3A_406, %add3A_407 : i32
          %get3A_409 = arith.index_cast %add3A_408 : i32 to index
          %get3A_410 = tpu.vector_load %arg15[%get3A_409] {strides = array<i32>} : memref<10240xf32, #tpu.memory_space<vmem>>, vector<16xf32>,
          %get3A_411 = vector.shape_cast %get3A_410 : vector<16xf32> to vector<16xf32>
          %get3A_412 = arith.index_cast %add3A_408 : i32 to index
          %get3A_413 = tpu.vector_load %arg17[%get3A_412] {strides = array<i32>} : memref<10240xf32, #tpu.memory_space<vmem>>, vector<16xf32>,
          %get3A_414 = vector.shape_cast %get3A_413 : vector<16xf32> to vector<16xf32>
          %mul3A_415 = arith.mulf %get3A_411, %get3A_414 : vector<16xf32>
          %swap3A_416 = arith.index_cast %add3A_408 : i32 to index
          %swap3A_417 = tpu.vector_load %arg9[%swap3A_416] {strides = array<i32>} : memref<10240xf32, #tpu.memory_space<vmem>>, vector<16xf32>,
          %swap3A_418 = vector.shape_cast %swap3A_417 : vector<16xf32> to vector<16xf32>
          %swap3A_419 = vector.shape_cast %mul3A_415 : vector<16xf32> to vector<16xf32>
          tpu.vector_store %arg9[%swap3A_416], %swap3A_419 {strides = array<i32>} : memref<10240xf32, #tpu.memory_space<vmem>>, vector<16xf32>,
          %mul3A_420 = arith.constant 128 : i32
          %mul3A_421 = arith.muli %scan3A_374, %mul3A_420 : i32
          %add3A_422 = arith.constant 48 : i32
          %add3A_423 = arith.addi %mul3A_421, %add3A_422 : i32
          %get3A_424 = arith.index_cast %add3A_423 : i32 to index
          %get3A_425 = tpu.vector_load %arg15[%get3A_424] {strides = array<i32>} : memref<10240xf32, #tpu.memory_space<vmem>>, vector<16xf32>,
          %get3A_426 = vector.shape_cast %get3A_425 : vector<16xf32> to vector<16xf32>
          %get3A_427 = arith.index_cast %add3A_423 : i32 to index
          %get3A_428 = tpu.vector_load %arg17[%get3A_427] {strides = array<i32>} : memref<10240xf32, #tpu.memory_space<vmem>>, vector<16xf32>,
          %get3A_429 = vector.shape_cast %get3A_428 : vector<16xf32> to vector<16xf32>
          %mul3A_430 = arith.mulf %get3A_426, %get3A_429 : vector<16xf32>
          %swap3A_431 = arith.index_cast %add3A_423 : i32 to index
          %swap3A_432 = tpu.vector_load %arg9[%swap3A_431] {strides = array<i32>} : memref<10240xf32, #tpu.memory_space<vmem>>, vector<16xf32>,
          %swap3A_433 = vector.shape_cast %swap3A_432 : vector<16xf32> to vector<16xf32>
          %swap3A_434 = vector.shape_cast %mul3A_430 : vector<16xf32> to vector<16xf32>
          tpu.vector_store %arg9[%swap3A_431], %swap3A_434 {strides = array<i32>} : memref<10240xf32, #tpu.memory_space<vmem>>, vector<16xf32>,
          %mul3A_435 = arith.constant 128 : i32
          %mul3A_436 = arith.muli %scan3A_374, %mul3A_435 : i32
          %add3A_437 = arith.constant 64 : i32
          %add3A_438 = arith.addi %mul3A_436, %add3A_437 : i32
          %get3A_439 = arith.index_cast %add3A_438 : i32 to index
          %get3A_440 = tpu.vector_load %arg15[%get3A_439] {strides = array<i32>} : memref<10240xf32, #tpu.memory_space<vmem>>, vector<16xf32>,
          %get3A_441 = vector.shape_cast %get3A_440 : vector<16xf32> to vector<16xf32>
          %get3A_442 = arith.index_cast %add3A_438 : i32 to index
          %get3A_443 = tpu.vector_load %arg17[%get3A_442] {strides = array<i32>} : memref<10240xf32, #tpu.memory_space<vmem>>, vector<16xf32>,
          %get3A_444 = vector.shape_cast %get3A_443 : vector<16xf32> to vector<16xf32>
          %mul3A_445 = arith.mulf %get3A_441, %get3A_444 : vector<16xf32>
          %swap3A_446 = arith.index_cast %add3A_438 : i32 to index
          %swap3A_447 = tpu.vector_load %arg9[%swap3A_446] {strides = array<i32>} : memref<10240xf32, #tpu.memory_space<vmem>>, vector<16xf32>,
          %swap3A_448 = vector.shape_cast %swap3A_447 : vector<16xf32> to vector<16xf32>
          %swap3A_449 = vector.shape_cast %mul3A_445 : vector<16xf32> to vector<16xf32>
          tpu.vector_store %arg9[%swap3A_446], %swap3A_449 {strides = array<i32>} : memref<10240xf32, #tpu.memory_space<vmem>>, vector<16xf32>,
          %mul3A_450 = arith.constant 128 : i32
          %mul3A_451 = arith.muli %scan3A_374, %mul3A_450 : i32
          %add3A_452 = arith.constant 80 : i32
          %add3A_453 = arith.addi %mul3A_451, %add3A_452 : i32
          %get3A_454 = arith.index_cast %add3A_453 : i32 to index
          %get3A_455 = tpu.vector_load %arg15[%get3A_454] {strides = array<i32>} : memref<10240xf32, #tpu.memory_space<vmem>>, vector<16xf32>,
          %get3A_456 = vector.shape_cast %get3A_455 : vector<16xf32> to vector<16xf32>
          %get3A_457 = arith.index_cast %add3A_453 : i32 to index
          %get3A_458 = tpu.vector_load %arg17[%get3A_457] {strides = array<i32>} : memref<10240xf32, #tpu.memory_space<vmem>>, vector<16xf32>,
          %get3A_459 = vector.shape_cast %get3A_458 : vector<16xf32> to vector<16xf32>
          %mul3A_460 = arith.mulf %get3A_456, %get3A_459 : vector<16xf32>
          %swap3A_461 = arith.index_cast %add3A_453 : i32 to index
          %swap3A_462 = tpu.vector_load %arg9[%swap3A_461] {strides = array<i32>} : memref<10240xf32, #tpu.memory_space<vmem>>, vector<16xf32>,
          %swap3A_463 = vector.shape_cast %swap3A_462 : vector<16xf32> to vector<16xf32>
          %swap3A_464 = vector.shape_cast %mul3A_460 : vector<16xf32> to vector<16xf32>
          tpu.vector_store %arg9[%swap3A_461], %swap3A_464 {strides = array<i32>} : memref<10240xf32, #tpu.memory_space<vmem>>, vector<16xf32>,
          %mul3A_465 = arith.constant 128 : i32
          %mul3A_466 = arith.muli %scan3A_374, %mul3A_465 : i32
          %add3A_467 = arith.constant 96 : i32
          %add3A_468 = arith.addi %mul3A_466, %add3A_467 : i32
          %get3A_469 = arith.index_cast %add3A_468 : i32 to index
          %get3A_470 = tpu.vector_load %arg15[%get3A_469] {strides = array<i32>} : memref<10240xf32, #tpu.memory_space<vmem>>, vector<16xf32>,
          %get3A_471 = vector.shape_cast %get3A_470 : vector<16xf32> to vector<16xf32>
          %get3A_472 = arith.index_cast %add3A_468 : i32 to index
          %get3A_473 = tpu.vector_load %arg17[%get3A_472] {strides = array<i32>} : memref<10240xf32, #tpu.memory_space<vmem>>, vector<16xf32>,
          %get3A_474 = vector.shape_cast %get3A_473 : vector<16xf32> to vector<16xf32>
          %mul3A_475 = arith.mulf %get3A_471, %get3A_474 : vector<16xf32>
          %swap3A_476 = arith.index_cast %add3A_468 : i32 to index
          %swap3A_477 = tpu.vector_load %arg9[%swap3A_476] {strides = array<i32>} : memref<10240xf32, #tpu.memory_space<vmem>>, vector<16xf32>,
          %swap3A_478 = vector.shape_cast %swap3A_477 : vector<16xf32> to vector<16xf32>
          %swap3A_479 = vector.shape_cast %mul3A_475 : vector<16xf32> to vector<16xf32>
          tpu.vector_store %arg9[%swap3A_476], %swap3A_479 {strides = array<i32>} : memref<10240xf32, #tpu.memory_space<vmem>>, vector<16xf32>,
          %mul3A_480 = arith.constant 128 : i32
          %mul3A_481 = arith.muli %scan3A_374, %mul3A_480 : i32
          %add3A_482 = arith.constant 112 : i32
          %add3A_483 = arith.addi %mul3A_481, %add3A_482 : i32
          %get3A_484 = arith.index_cast %add3A_483 : i32 to index
          %get3A_485 = tpu.vector_load %arg15[%get3A_484] {strides = array<i32>} : memref<10240xf32, #tpu.memory_space<vmem>>, vector<16xf32>,
          %get3A_486 = vector.shape_cast %get3A_485 : vector<16xf32> to vector<16xf32>
          %get3A_487 = arith.index_cast %add3A_483 : i32 to index
          %get3A_488 = tpu.vector_load %arg17[%get3A_487] {strides = array<i32>} : memref<10240xf32, #tpu.memory_space<vmem>>, vector<16xf32>,
          %get3A_489 = vector.shape_cast %get3A_488 : vector<16xf32> to vector<16xf32>
          %mul3A_490 = arith.mulf %get3A_486, %get3A_489 : vector<16xf32>
          %swap3A_491 = arith.index_cast %add3A_483 : i32 to index
          %swap3A_492 = tpu.vector_load %arg9[%swap3A_491] {strides = array<i32>} : memref<10240xf32, #tpu.memory_space<vmem>>, vector<16xf32>,
          %swap3A_493 = vector.shape_cast %swap3A_492 : vector<16xf32> to vector<16xf32>
          %swap3A_494 = vector.shape_cast %mul3A_490 : vector<16xf32> to vector<16xf32>
          tpu.vector_store %arg9[%swap3A_491], %swap3A_494 {strides = array<i32>} : memref<10240xf32, #tpu.memory_space<vmem>>, vector<16xf32>,
          %mul3A_495 = arith.constant 128 : i32
          %mul3A_496 = arith.muli %scan3A_374, %mul3A_495 : i32
          %dma_start3A_497 = tpu.memref_slice %arg9[%mul3A_496] : memref<10240xf32, #tpu.memory_space<vmem>> -> memref<128xf32, #tpu.memory_space<vmem>>
          %dma_start3A_498 = arith.constant 0 : i32
          %dma_start3A_499 = tpu.memref_slice %arg12[%scan3A_374, %dma_start3A_498] : memref<80x128xi32, #tpu.memory_space<vmem>> -> memref<1x128xi32, #tpu.memory_space<vmem>>
          %dma_start3A_500 = tpu.memref_squeeze %dma_start3A_499 : memref<1x128xi32, #tpu.memory_space<vmem>> -> memref<128xi32, #tpu.memory_space<vmem>>
          %dma_start3A_501 = arith.constant 0 : i32
          %dma_start3A_502 = tpu.memref_slice %arg7[%dma_start3A_501] : memref<100096xf32, #tpu.memory_space<vmem_shared>> -> memref<100096xf32, #tpu.memory_space<vmem_shared>>
          tpu.enqueue_indirect_dma source(%dma_start3A_497 : memref<128xf32, #tpu.memory_space<vmem>>) target(%dma_start3A_502 : memref<100096xf32, #tpu.memory_space<vmem_shared>>) offsets(%dma_start3A_500 : memref<128xi32, #tpu.memory_space<vmem>>) semaphore(%arg19 : memref<!tpu.dma_semaphore, #tpu.memory_space<semaphore_mem>>) {add = true}
          %scan3A_503 = arith.constant 0 : i32
          scf.yield %scan3A_503 : i32
        }
        %scan3A_369 = arith.constant 80 : i32
        %mul3A_370 = arith.constant 10240 : i32
        %mul3A_371 = arith.muli %add3A_288, %mul3A_370 : i32
        %dma_start3A_372 = tpu.memref_slice %arg5[%mul3A_371] : memref<6400000xf32, #tpu.memory_space<hbm>> -> memref<10240xf32, #tpu.memory_space<hbm>>
        %dma_start3A_373 = tpu.memref_slice %arg5[%mul3A_371] : memref<6400000xf32, #tpu.memory_space<hbm>> -> memref<10240xf32, #tpu.memory_space<hbm>>
        tpu.enqueue_dma source(%arg9 : memref<10240xf32, #tpu.memory_space<vmem>>) target(%dma_start3A_373 : memref<10240xf32, #tpu.memory_space<hbm>>) target_semaphore(%arg20 : memref<!tpu.dma_semaphore, #tpu.memory_space<semaphore_mem>>)
      } else {
      }
      %mul3A_322 = arith.constant 6 : i32
      %mul3A_323 = arith.muli %mul3A_322, %scan3A_123 : i32
      %add3A_324 = arith.constant 5 : i32
      %add3A_325 = arith.addi %mul3A_323, %add3A_324 : i32
      %mul3A_326 = arith.constant 32 : i32
      %mul3A_327 = arith.muli %add3A_325, %mul3A_326 : i32
      %add3A_328 = arith.addi %add3A, %mul3A_327 : i32
      %sub3A_329 = arith.constant 2 : i32
      %sub3A_330 = arith.subi %add3A_325, %sub3A_329 : i32
      %mul3A_331 = arith.constant 32 : i32
      %mul3A_332 = arith.muli %sub3A_330, %mul3A_331 : i32
      %add3A_333 = arith.addi %add3A, %mul3A_332 : i32
      %add3A_334 = arith.constant 1 : i32
      %add3A_335 = arith.addi %add3A_325, %add3A_334 : i32
      %mul3A_336 = arith.constant 32 : i32
      %mul3A_337 = arith.muli %add3A_335, %mul3A_336 : i32
      %add3A_338 = arith.addi %add3A, %mul3A_337 : i32
      %lt3A_339 = arith.constant 625 : i32
      %lt3A_340 = arith.cmpi slt, %add3A_328, %lt3A_339 : i32
      %convert_element_type3A_341 = arith.extui %lt3A_340 : i1 to i32
      %cond3A_342 = arith.constant 0 : i32
      %cond3A_343 = arith.cmpi ne, %convert_element_type3A_341, %cond3A_342 : i32
      scf.if %cond3A_343 {
        %mul3A_363 = arith.constant 80 : i32
        %mul3A_364 = arith.muli %add3A_328, %mul3A_363 : i32
        %dma_wait3A = arith.constant 0 : i32
        %dma_wait3A_365 = tpu.memref_slice %arg2[%mul3A_364, %dma_wait3A] : memref<50000x128xi32, #tpu.memory_space<hbm>> -> memref<80x128xi32, #tpu.memory_space<hbm>>
        %dma_wait3A_366 = arith.constant 0 : i32
        %dma_wait3A_367 = tpu.memref_slice %arg2[%mul3A_364, %dma_wait3A_366] : memref<50000x128xi32, #tpu.memory_space<hbm>> -> memref<80x128xi32, #tpu.memory_space<hbm>>
        tpu.wait_dma2 semaphore(%arg14 : memref<!tpu.dma_semaphore, #tpu.memory_space<semaphore_mem>>) src(%dma_wait3A_367 : memref<80x128xi32, #tpu.memory_space<hbm>>) dst(%arg13 : memref<80x128xi32, #tpu.memory_space<vmem>>)
        %mul3A_368 = arith.constant 10240 : i32
        %mul3A_369 = arith.muli %add3A_328, %mul3A_368 : i32
        %dma_wait3A_370 = tpu.memref_slice %arg3[%mul3A_369] : memref<6400000xf32, #tpu.memory_space<hbm>> -> memref<10240xf32, #tpu.memory_space<hbm>>
        %dma_wait3A_371 = tpu.memref_slice %arg3[%mul3A_369] : memref<6400000xf32, #tpu.memory_space<hbm>> -> memref<10240xf32, #tpu.memory_space<hbm>>
        tpu.wait_dma2 semaphore(%arg14 : memref<!tpu.dma_semaphore, #tpu.memory_space<semaphore_mem>>) src(%dma_wait3A_371 : memref<10240xf32, #tpu.memory_space<hbm>>) dst(%arg16 : memref<10240xf32, #tpu.memory_space<vmem>>)
        %mul3A_372 = arith.constant 10240 : i32
        %mul3A_373 = arith.muli %add3A_328, %mul3A_372 : i32
        %dma_wait3A_374 = tpu.memref_slice %arg4[%mul3A_373] : memref<6400000xf32, #tpu.memory_space<hbm>> -> memref<10240xf32, #tpu.memory_space<hbm>>
        %dma_wait3A_375 = tpu.memref_slice %arg4[%mul3A_373] : memref<6400000xf32, #tpu.memory_space<hbm>> -> memref<10240xf32, #tpu.memory_space<hbm>>
        tpu.wait_dma2 semaphore(%arg14 : memref<!tpu.dma_semaphore, #tpu.memory_space<semaphore_mem>>) src(%dma_wait3A_375 : memref<10240xf32, #tpu.memory_space<hbm>>) dst(%arg18 : memref<10240xf32, #tpu.memory_space<vmem>>)
      } else {
      }
      %ge3A_344 = arith.constant 2 : i32
      %ge3A_345 = arith.cmpi sge, %add3A_325, %ge3A_344 : i32
      %lt3A_346 = arith.constant 625 : i32
      %lt3A_347 = arith.cmpi slt, %add3A_333, %lt3A_346 : i32
      %and3A_348 = arith.andi %ge3A_345, %lt3A_347 : i1
      %convert_element_type3A_349 = arith.extui %and3A_348 : i1 to i32
      %cond3A_350 = arith.constant 0 : i32
      %cond3A_351 = arith.cmpi ne, %convert_element_type3A_349, %cond3A_350 : i32
      scf.if %cond3A_351 {
        %scan3A_363 = arith.constant 0 : i32
        %scan3A_364 = arith.constant 0 : i32
        %scan3A_365 = arith.constant 80 : i32
        %scan3A_366 = arith.addi %scan3A_364, %scan3A_365 : i32
        %scan3A_367 = arith.constant 1 : i32
        %scan3A_368 = scf.for %scan3A_373 = %scan3A_364 to %scan3A_366 step %scan3A_367 iter_args(%scan3A_374 = %scan3A_363) -> (i32)  : i32 {
          %mul3A_375 = arith.constant 128 : i32
          %mul3A_376 = arith.muli %scan3A_373, %mul3A_375 : i32
          %dma_wait3A_377 = tpu.memref_slice %arg8[%mul3A_376] : memref<10240xf32, #tpu.memory_space<vmem>> -> memref<128xf32, #tpu.memory_space<vmem>>
          %dma_wait3A_378 = arith.constant 0 : i32
          %dma_wait3A_379 = tpu.memref_slice %arg11[%scan3A_373, %dma_wait3A_378] : memref<80x128xi32, #tpu.memory_space<vmem>> -> memref<1x128xi32, #tpu.memory_space<vmem>>
          %dma_wait3A_380 = tpu.memref_squeeze %dma_wait3A_379 : memref<1x128xi32, #tpu.memory_space<vmem>> -> memref<128xi32, #tpu.memory_space<vmem>>
          %dma_wait3A_381 = arith.constant 0 : i32
          %dma_wait3A_382 = tpu.memref_slice %arg7[%dma_wait3A_381] : memref<100096xf32, #tpu.memory_space<vmem_shared>> -> memref<100096xf32, #tpu.memory_space<vmem_shared>>
          tpu.wait_indirect_dma semaphore(%arg19 : memref<!tpu.dma_semaphore, #tpu.memory_space<semaphore_mem>>) src(%dma_wait3A_377 : memref<128xf32, #tpu.memory_space<vmem>>) dst(%dma_wait3A_382 : memref<100096xf32, #tpu.memory_space<vmem_shared>>)
          %scan3A_383 = arith.constant 0 : i32
          scf.yield %scan3A_383 : i32
        }
        %scan3A_369 = arith.constant 80 : i32
        %mul3A_370 = arith.constant 10240 : i32
        %mul3A_371 = arith.muli %add3A_333, %mul3A_370 : i32
        %dma_wait3A = tpu.memref_slice %arg5[%mul3A_371] : memref<6400000xf32, #tpu.memory_space<hbm>> -> memref<10240xf32, #tpu.memory_space<hbm>>
        %dma_wait3A_372 = tpu.memref_slice %arg5[%mul3A_371] : memref<6400000xf32, #tpu.memory_space<hbm>> -> memref<10240xf32, #tpu.memory_space<hbm>>
        tpu.wait_dma2 semaphore(%arg20 : memref<!tpu.dma_semaphore, #tpu.memory_space<semaphore_mem>>) src(%arg8 : memref<10240xf32, #tpu.memory_space<vmem>>) dst(%dma_wait3A_372 : memref<10240xf32, #tpu.memory_space<hbm>>)
      } else {
      }
      %lt3A_352 = arith.constant 625 : i32
      %lt3A_353 = arith.cmpi slt, %add3A_338, %lt3A_352 : i32
      %convert_element_type3A_354 = arith.extui %lt3A_353 : i1 to i32
      %cond3A_355 = arith.constant 0 : i32
      %cond3A_356 = arith.cmpi ne, %convert_element_type3A_354, %cond3A_355 : i32
      scf.if %cond3A_356 {
        %mul3A_363 = arith.constant 80 : i32
        %mul3A_364 = arith.muli %add3A_338, %mul3A_363 : i32
        %dma_start3A_365 = arith.constant 0 : i32
        %dma_start3A_366 = tpu.memref_slice %arg2[%mul3A_364, %dma_start3A_365] : memref<50000x128xi32, #tpu.memory_space<hbm>> -> memref<80x128xi32, #tpu.memory_space<hbm>>
        %dma_start3A_367 = arith.constant 0 : i32
        %dma_start3A_368 = tpu.memref_slice %arg2[%mul3A_364, %dma_start3A_367] : memref<50000x128xi32, #tpu.memory_space<hbm>> -> memref<80x128xi32, #tpu.memory_space<hbm>>
        tpu.enqueue_dma source(%dma_start3A_368 : memref<80x128xi32, #tpu.memory_space<hbm>>) target(%arg11 : memref<80x128xi32, #tpu.memory_space<vmem>>) target_semaphore(%arg14 : memref<!tpu.dma_semaphore, #tpu.memory_space<semaphore_mem>>)
        %mul3A_369 = arith.constant 10240 : i32
        %mul3A_370 = arith.muli %add3A_338, %mul3A_369 : i32
        %dma_start3A_371 = tpu.memref_slice %arg3[%mul3A_370] : memref<6400000xf32, #tpu.memory_space<hbm>> -> memref<10240xf32, #tpu.memory_space<hbm>>
        %dma_start3A_372 = tpu.memref_slice %arg3[%mul3A_370] : memref<6400000xf32, #tpu.memory_space<hbm>> -> memref<10240xf32, #tpu.memory_space<hbm>>
        tpu.enqueue_dma source(%dma_start3A_372 : memref<10240xf32, #tpu.memory_space<hbm>>) target(%arg15 : memref<10240xf32, #tpu.memory_space<vmem>>) target_semaphore(%arg14 : memref<!tpu.dma_semaphore, #tpu.memory_space<semaphore_mem>>)
        %mul3A_373 = arith.constant 10240 : i32
        %mul3A_374 = arith.muli %add3A_338, %mul3A_373 : i32
        %dma_start3A_375 = tpu.memref_slice %arg4[%mul3A_374] : memref<6400000xf32, #tpu.memory_space<hbm>> -> memref<10240xf32, #tpu.memory_space<hbm>>
        %dma_start3A_376 = tpu.memref_slice %arg4[%mul3A_374] : memref<6400000xf32, #tpu.memory_space<hbm>> -> memref<10240xf32, #tpu.memory_space<hbm>>
        tpu.enqueue_dma source(%dma_start3A_376 : memref<10240xf32, #tpu.memory_space<hbm>>) target(%arg17 : memref<10240xf32, #tpu.memory_space<vmem>>) target_semaphore(%arg14 : memref<!tpu.dma_semaphore, #tpu.memory_space<semaphore_mem>>)
      } else {
      }
      %lt3A_357 = arith.constant 625 : i32
      %lt3A_358 = arith.cmpi slt, %add3A_328, %lt3A_357 : i32
      %convert_element_type3A_359 = arith.extui %lt3A_358 : i1 to i32
      %cond3A_360 = arith.constant 0 : i32
      %cond3A_361 = arith.cmpi ne, %convert_element_type3A_359, %cond3A_360 : i32
      scf.if %cond3A_361 {
        %scan3A_363 = arith.constant 0 : i32
        %scan3A_364 = arith.constant 0 : i32
        %scan3A_365 = arith.constant 80 : i32
        %scan3A_366 = arith.addi %scan3A_364, %scan3A_365 : i32
        %scan3A_367 = arith.constant 1 : i32
        %scan3A_368 = scf.for %scan3A_374 = %scan3A_364 to %scan3A_366 step %scan3A_367 iter_args(%scan3A_375 = %scan3A_363) -> (i32)  : i32 {
          %mul3A_376 = arith.constant 128 : i32
          %mul3A_377 = arith.muli %scan3A_374, %mul3A_376 : i32
          %add3A_378 = arith.constant 0 : i32
          %add3A_379 = arith.addi %mul3A_377, %add3A_378 : i32
          %get3A = arith.index_cast %add3A_379 : i32 to index
          %get3A_380 = tpu.vector_load %arg16[%get3A] {strides = array<i32>} : memref<10240xf32, #tpu.memory_space<vmem>>, vector<16xf32>,
          %get3A_381 = vector.shape_cast %get3A_380 : vector<16xf32> to vector<16xf32>
          %get3A_382 = arith.index_cast %add3A_379 : i32 to index
          %get3A_383 = tpu.vector_load %arg18[%get3A_382] {strides = array<i32>} : memref<10240xf32, #tpu.memory_space<vmem>>, vector<16xf32>,
          %get3A_384 = vector.shape_cast %get3A_383 : vector<16xf32> to vector<16xf32>
          %mul3A_385 = arith.mulf %get3A_381, %get3A_384 : vector<16xf32>
          %swap3A_386 = arith.index_cast %add3A_379 : i32 to index
          %swap3A_387 = tpu.vector_load %arg10[%swap3A_386] {strides = array<i32>} : memref<10240xf32, #tpu.memory_space<vmem>>, vector<16xf32>,
          %swap3A_388 = vector.shape_cast %swap3A_387 : vector<16xf32> to vector<16xf32>
          %swap3A_389 = vector.shape_cast %mul3A_385 : vector<16xf32> to vector<16xf32>
          tpu.vector_store %arg10[%swap3A_386], %swap3A_389 {strides = array<i32>} : memref<10240xf32, #tpu.memory_space<vmem>>, vector<16xf32>,
          %mul3A_390 = arith.constant 128 : i32
          %mul3A_391 = arith.muli %scan3A_374, %mul3A_390 : i32
          %add3A_392 = arith.constant 16 : i32
          %add3A_393 = arith.addi %mul3A_391, %add3A_392 : i32
          %get3A_394 = arith.index_cast %add3A_393 : i32 to index
          %get3A_395 = tpu.vector_load %arg16[%get3A_394] {strides = array<i32>} : memref<10240xf32, #tpu.memory_space<vmem>>, vector<16xf32>,
          %get3A_396 = vector.shape_cast %get3A_395 : vector<16xf32> to vector<16xf32>
          %get3A_397 = arith.index_cast %add3A_393 : i32 to index
          %get3A_398 = tpu.vector_load %arg18[%get3A_397] {strides = array<i32>} : memref<10240xf32, #tpu.memory_space<vmem>>, vector<16xf32>,
          %get3A_399 = vector.shape_cast %get3A_398 : vector<16xf32> to vector<16xf32>
          %mul3A_400 = arith.mulf %get3A_396, %get3A_399 : vector<16xf32>
          %swap3A_401 = arith.index_cast %add3A_393 : i32 to index
          %swap3A_402 = tpu.vector_load %arg10[%swap3A_401] {strides = array<i32>} : memref<10240xf32, #tpu.memory_space<vmem>>, vector<16xf32>,
          %swap3A_403 = vector.shape_cast %swap3A_402 : vector<16xf32> to vector<16xf32>
          %swap3A_404 = vector.shape_cast %mul3A_400 : vector<16xf32> to vector<16xf32>
          tpu.vector_store %arg10[%swap3A_401], %swap3A_404 {strides = array<i32>} : memref<10240xf32, #tpu.memory_space<vmem>>, vector<16xf32>,
          %mul3A_405 = arith.constant 128 : i32
          %mul3A_406 = arith.muli %scan3A_374, %mul3A_405 : i32
          %add3A_407 = arith.constant 32 : i32
          %add3A_408 = arith.addi %mul3A_406, %add3A_407 : i32
          %get3A_409 = arith.index_cast %add3A_408 : i32 to index
          %get3A_410 = tpu.vector_load %arg16[%get3A_409] {strides = array<i32>} : memref<10240xf32, #tpu.memory_space<vmem>>, vector<16xf32>,
          %get3A_411 = vector.shape_cast %get3A_410 : vector<16xf32> to vector<16xf32>
          %get3A_412 = arith.index_cast %add3A_408 : i32 to index
          %get3A_413 = tpu.vector_load %arg18[%get3A_412] {strides = array<i32>} : memref<10240xf32, #tpu.memory_space<vmem>>, vector<16xf32>,
          %get3A_414 = vector.shape_cast %get3A_413 : vector<16xf32> to vector<16xf32>
          %mul3A_415 = arith.mulf %get3A_411, %get3A_414 : vector<16xf32>
          %swap3A_416 = arith.index_cast %add3A_408 : i32 to index
          %swap3A_417 = tpu.vector_load %arg10[%swap3A_416] {strides = array<i32>} : memref<10240xf32, #tpu.memory_space<vmem>>, vector<16xf32>,
          %swap3A_418 = vector.shape_cast %swap3A_417 : vector<16xf32> to vector<16xf32>
          %swap3A_419 = vector.shape_cast %mul3A_415 : vector<16xf32> to vector<16xf32>
          tpu.vector_store %arg10[%swap3A_416], %swap3A_419 {strides = array<i32>} : memref<10240xf32, #tpu.memory_space<vmem>>, vector<16xf32>,
          %mul3A_420 = arith.constant 128 : i32
          %mul3A_421 = arith.muli %scan3A_374, %mul3A_420 : i32
          %add3A_422 = arith.constant 48 : i32
          %add3A_423 = arith.addi %mul3A_421, %add3A_422 : i32
          %get3A_424 = arith.index_cast %add3A_423 : i32 to index
          %get3A_425 = tpu.vector_load %arg16[%get3A_424] {strides = array<i32>} : memref<10240xf32, #tpu.memory_space<vmem>>, vector<16xf32>,
          %get3A_426 = vector.shape_cast %get3A_425 : vector<16xf32> to vector<16xf32>
          %get3A_427 = arith.index_cast %add3A_423 : i32 to index
          %get3A_428 = tpu.vector_load %arg18[%get3A_427] {strides = array<i32>} : memref<10240xf32, #tpu.memory_space<vmem>>, vector<16xf32>,
          %get3A_429 = vector.shape_cast %get3A_428 : vector<16xf32> to vector<16xf32>
          %mul3A_430 = arith.mulf %get3A_426, %get3A_429 : vector<16xf32>
          %swap3A_431 = arith.index_cast %add3A_423 : i32 to index
          %swap3A_432 = tpu.vector_load %arg10[%swap3A_431] {strides = array<i32>} : memref<10240xf32, #tpu.memory_space<vmem>>, vector<16xf32>,
          %swap3A_433 = vector.shape_cast %swap3A_432 : vector<16xf32> to vector<16xf32>
          %swap3A_434 = vector.shape_cast %mul3A_430 : vector<16xf32> to vector<16xf32>
          tpu.vector_store %arg10[%swap3A_431], %swap3A_434 {strides = array<i32>} : memref<10240xf32, #tpu.memory_space<vmem>>, vector<16xf32>,
          %mul3A_435 = arith.constant 128 : i32
          %mul3A_436 = arith.muli %scan3A_374, %mul3A_435 : i32
          %add3A_437 = arith.constant 64 : i32
          %add3A_438 = arith.addi %mul3A_436, %add3A_437 : i32
          %get3A_439 = arith.index_cast %add3A_438 : i32 to index
          %get3A_440 = tpu.vector_load %arg16[%get3A_439] {strides = array<i32>} : memref<10240xf32, #tpu.memory_space<vmem>>, vector<16xf32>,
          %get3A_441 = vector.shape_cast %get3A_440 : vector<16xf32> to vector<16xf32>
          %get3A_442 = arith.index_cast %add3A_438 : i32 to index
          %get3A_443 = tpu.vector_load %arg18[%get3A_442] {strides = array<i32>} : memref<10240xf32, #tpu.memory_space<vmem>>, vector<16xf32>,
          %get3A_444 = vector.shape_cast %get3A_443 : vector<16xf32> to vector<16xf32>
          %mul3A_445 = arith.mulf %get3A_441, %get3A_444 : vector<16xf32>
          %swap3A_446 = arith.index_cast %add3A_438 : i32 to index
          %swap3A_447 = tpu.vector_load %arg10[%swap3A_446] {strides = array<i32>} : memref<10240xf32, #tpu.memory_space<vmem>>, vector<16xf32>,
          %swap3A_448 = vector.shape_cast %swap3A_447 : vector<16xf32> to vector<16xf32>
          %swap3A_449 = vector.shape_cast %mul3A_445 : vector<16xf32> to vector<16xf32>
          tpu.vector_store %arg10[%swap3A_446], %swap3A_449 {strides = array<i32>} : memref<10240xf32, #tpu.memory_space<vmem>>, vector<16xf32>,
          %mul3A_450 = arith.constant 128 : i32
          %mul3A_451 = arith.muli %scan3A_374, %mul3A_450 : i32
          %add3A_452 = arith.constant 80 : i32
          %add3A_453 = arith.addi %mul3A_451, %add3A_452 : i32
          %get3A_454 = arith.index_cast %add3A_453 : i32 to index
          %get3A_455 = tpu.vector_load %arg16[%get3A_454] {strides = array<i32>} : memref<10240xf32, #tpu.memory_space<vmem>>, vector<16xf32>,
          %get3A_456 = vector.shape_cast %get3A_455 : vector<16xf32> to vector<16xf32>
          %get3A_457 = arith.index_cast %add3A_453 : i32 to index
          %get3A_458 = tpu.vector_load %arg18[%get3A_457] {strides = array<i32>} : memref<10240xf32, #tpu.memory_space<vmem>>, vector<16xf32>,
          %get3A_459 = vector.shape_cast %get3A_458 : vector<16xf32> to vector<16xf32>
          %mul3A_460 = arith.mulf %get3A_456, %get3A_459 : vector<16xf32>
          %swap3A_461 = arith.index_cast %add3A_453 : i32 to index
          %swap3A_462 = tpu.vector_load %arg10[%swap3A_461] {strides = array<i32>} : memref<10240xf32, #tpu.memory_space<vmem>>, vector<16xf32>,
          %swap3A_463 = vector.shape_cast %swap3A_462 : vector<16xf32> to vector<16xf32>
          %swap3A_464 = vector.shape_cast %mul3A_460 : vector<16xf32> to vector<16xf32>
          tpu.vector_store %arg10[%swap3A_461], %swap3A_464 {strides = array<i32>} : memref<10240xf32, #tpu.memory_space<vmem>>, vector<16xf32>,
          %mul3A_465 = arith.constant 128 : i32
          %mul3A_466 = arith.muli %scan3A_374, %mul3A_465 : i32
          %add3A_467 = arith.constant 96 : i32
          %add3A_468 = arith.addi %mul3A_466, %add3A_467 : i32
          %get3A_469 = arith.index_cast %add3A_468 : i32 to index
          %get3A_470 = tpu.vector_load %arg16[%get3A_469] {strides = array<i32>} : memref<10240xf32, #tpu.memory_space<vmem>>, vector<16xf32>,
          %get3A_471 = vector.shape_cast %get3A_470 : vector<16xf32> to vector<16xf32>
          %get3A_472 = arith.index_cast %add3A_468 : i32 to index
          %get3A_473 = tpu.vector_load %arg18[%get3A_472] {strides = array<i32>} : memref<10240xf32, #tpu.memory_space<vmem>>, vector<16xf32>,
          %get3A_474 = vector.shape_cast %get3A_473 : vector<16xf32> to vector<16xf32>
          %mul3A_475 = arith.mulf %get3A_471, %get3A_474 : vector<16xf32>
          %swap3A_476 = arith.index_cast %add3A_468 : i32 to index
          %swap3A_477 = tpu.vector_load %arg10[%swap3A_476] {strides = array<i32>} : memref<10240xf32, #tpu.memory_space<vmem>>, vector<16xf32>,
          %swap3A_478 = vector.shape_cast %swap3A_477 : vector<16xf32> to vector<16xf32>
          %swap3A_479 = vector.shape_cast %mul3A_475 : vector<16xf32> to vector<16xf32>
          tpu.vector_store %arg10[%swap3A_476], %swap3A_479 {strides = array<i32>} : memref<10240xf32, #tpu.memory_space<vmem>>, vector<16xf32>,
          %mul3A_480 = arith.constant 128 : i32
          %mul3A_481 = arith.muli %scan3A_374, %mul3A_480 : i32
          %add3A_482 = arith.constant 112 : i32
          %add3A_483 = arith.addi %mul3A_481, %add3A_482 : i32
          %get3A_484 = arith.index_cast %add3A_483 : i32 to index
          %get3A_485 = tpu.vector_load %arg16[%get3A_484] {strides = array<i32>} : memref<10240xf32, #tpu.memory_space<vmem>>, vector<16xf32>,
          %get3A_486 = vector.shape_cast %get3A_485 : vector<16xf32> to vector<16xf32>
          %get3A_487 = arith.index_cast %add3A_483 : i32 to index
          %get3A_488 = tpu.vector_load %arg18[%get3A_487] {strides = array<i32>} : memref<10240xf32, #tpu.memory_space<vmem>>, vector<16xf32>,
          %get3A_489 = vector.shape_cast %get3A_488 : vector<16xf32> to vector<16xf32>
          %mul3A_490 = arith.mulf %get3A_486, %get3A_489 : vector<16xf32>
          %swap3A_491 = arith.index_cast %add3A_483 : i32 to index
          %swap3A_492 = tpu.vector_load %arg10[%swap3A_491] {strides = array<i32>} : memref<10240xf32, #tpu.memory_space<vmem>>, vector<16xf32>,
          %swap3A_493 = vector.shape_cast %swap3A_492 : vector<16xf32> to vector<16xf32>
          %swap3A_494 = vector.shape_cast %mul3A_490 : vector<16xf32> to vector<16xf32>
          tpu.vector_store %arg10[%swap3A_491], %swap3A_494 {strides = array<i32>} : memref<10240xf32, #tpu.memory_space<vmem>>, vector<16xf32>,
          %mul3A_495 = arith.constant 128 : i32
          %mul3A_496 = arith.muli %scan3A_374, %mul3A_495 : i32
          %dma_start3A_497 = tpu.memref_slice %arg10[%mul3A_496] : memref<10240xf32, #tpu.memory_space<vmem>> -> memref<128xf32, #tpu.memory_space<vmem>>
          %dma_start3A_498 = arith.constant 0 : i32
          %dma_start3A_499 = tpu.memref_slice %arg13[%scan3A_374, %dma_start3A_498] : memref<80x128xi32, #tpu.memory_space<vmem>> -> memref<1x128xi32, #tpu.memory_space<vmem>>
          %dma_start3A_500 = tpu.memref_squeeze %dma_start3A_499 : memref<1x128xi32, #tpu.memory_space<vmem>> -> memref<128xi32, #tpu.memory_space<vmem>>
          %dma_start3A_501 = arith.constant 0 : i32
          %dma_start3A_502 = tpu.memref_slice %arg7[%dma_start3A_501] : memref<100096xf32, #tpu.memory_space<vmem_shared>> -> memref<100096xf32, #tpu.memory_space<vmem_shared>>
          tpu.enqueue_indirect_dma source(%dma_start3A_497 : memref<128xf32, #tpu.memory_space<vmem>>) target(%dma_start3A_502 : memref<100096xf32, #tpu.memory_space<vmem_shared>>) offsets(%dma_start3A_500 : memref<128xi32, #tpu.memory_space<vmem>>) semaphore(%arg19 : memref<!tpu.dma_semaphore, #tpu.memory_space<semaphore_mem>>) {add = true}
          %scan3A_503 = arith.constant 0 : i32
          scf.yield %scan3A_503 : i32
        }
        %scan3A_369 = arith.constant 80 : i32
        %mul3A_370 = arith.constant 10240 : i32
        %mul3A_371 = arith.muli %add3A_328, %mul3A_370 : i32
        %dma_start3A_372 = tpu.memref_slice %arg5[%mul3A_371] : memref<6400000xf32, #tpu.memory_space<hbm>> -> memref<10240xf32, #tpu.memory_space<hbm>>
        %dma_start3A_373 = tpu.memref_slice %arg5[%mul3A_371] : memref<6400000xf32, #tpu.memory_space<hbm>> -> memref<10240xf32, #tpu.memory_space<hbm>>
        tpu.enqueue_dma source(%arg10 : memref<10240xf32, #tpu.memory_space<vmem>>) target(%dma_start3A_373 : memref<10240xf32, #tpu.memory_space<hbm>>) target_semaphore(%arg20 : memref<!tpu.dma_semaphore, #tpu.memory_space<semaphore_mem>>)
      } else {
      }
      %scan3A_362 = arith.constant 0 : i32
      scf.yield %scan3A_362 : i32
    }
    %scan3A_103 = arith.constant 4 : i32
    %add3A_104 = arith.constant 704 : i32
    %add3A_105 = arith.addi %add3A, %add3A_104 : i32
    %lt3A = arith.constant 625 : i32
    %lt3A_106 = arith.cmpi slt, %add3A_105, %lt3A : i32
    %convert_element_type3A = arith.extui %lt3A_106 : i1 to i32
    %cond3A = arith.constant 0 : i32
    %cond3A_107 = arith.cmpi ne, %convert_element_type3A, %cond3A : i32
    scf.if %cond3A_107 {
      %scan3A_123 = arith.constant 0 : i32
      %scan3A_124 = arith.constant 0 : i32
      %scan3A_125 = arith.constant 80 : i32
      %scan3A_126 = arith.addi %scan3A_124, %scan3A_125 : i32
      %scan3A_127 = arith.constant 1 : i32
      %scan3A_128 = scf.for %scan3A_133 = %scan3A_124 to %scan3A_126 step %scan3A_127 iter_args(%scan3A_134 = %scan3A_123) -> (i32)  : i32 {
        %mul3A_135 = arith.constant 128 : i32
        %mul3A_136 = arith.muli %scan3A_133, %mul3A_135 : i32
        %dma_wait3A_137 = tpu.memref_slice %arg9[%mul3A_136] : memref<10240xf32, #tpu.memory_space<vmem>> -> memref<128xf32, #tpu.memory_space<vmem>>
        %dma_wait3A_138 = arith.constant 0 : i32
        %dma_wait3A_139 = tpu.memref_slice %arg12[%scan3A_133, %dma_wait3A_138] : memref<80x128xi32, #tpu.memory_space<vmem>> -> memref<1x128xi32, #tpu.memory_space<vmem>>
        %dma_wait3A_140 = tpu.memref_squeeze %dma_wait3A_139 : memref<1x128xi32, #tpu.memory_space<vmem>> -> memref<128xi32, #tpu.memory_space<vmem>>
        %dma_wait3A_141 = arith.constant 0 : i32
        %dma_wait3A_142 = tpu.memref_slice %arg7[%dma_wait3A_141] : memref<100096xf32, #tpu.memory_space<vmem_shared>> -> memref<100096xf32, #tpu.memory_space<vmem_shared>>
        tpu.wait_indirect_dma semaphore(%arg19 : memref<!tpu.dma_semaphore, #tpu.memory_space<semaphore_mem>>) src(%dma_wait3A_137 : memref<128xf32, #tpu.memory_space<vmem>>) dst(%dma_wait3A_142 : memref<100096xf32, #tpu.memory_space<vmem_shared>>)
        %scan3A_143 = arith.constant 0 : i32
        scf.yield %scan3A_143 : i32
      }
      %scan3A_129 = arith.constant 80 : i32
      %mul3A_130 = arith.constant 10240 : i32
      %mul3A_131 = arith.muli %add3A_105, %mul3A_130 : i32
      %dma_wait3A = tpu.memref_slice %arg5[%mul3A_131] : memref<6400000xf32, #tpu.memory_space<hbm>> -> memref<10240xf32, #tpu.memory_space<hbm>>
      %dma_wait3A_132 = tpu.memref_slice %arg5[%mul3A_131] : memref<6400000xf32, #tpu.memory_space<hbm>> -> memref<10240xf32, #tpu.memory_space<hbm>>
      tpu.wait_dma2 semaphore(%arg20 : memref<!tpu.dma_semaphore, #tpu.memory_space<semaphore_mem>>) src(%arg9 : memref<10240xf32, #tpu.memory_space<vmem>>) dst(%dma_wait3A_132 : memref<10240xf32, #tpu.memory_space<hbm>>)
    } else {
    }
    %add3A_108 = arith.constant 736 : i32
    %add3A_109 = arith.addi %add3A, %add3A_108 : i32
    %lt3A_110 = arith.constant 625 : i32
    %lt3A_111 = arith.cmpi slt, %add3A_109, %lt3A_110 : i32
    %convert_element_type3A_112 = arith.extui %lt3A_111 : i1 to i32
    %cond3A_113 = arith.constant 0 : i32
    %cond3A_114 = arith.cmpi ne, %convert_element_type3A_112, %cond3A_113 : i32
    scf.if %cond3A_114 {
      %scan3A_123 = arith.constant 0 : i32
      %scan3A_124 = arith.constant 0 : i32
      %scan3A_125 = arith.constant 80 : i32
      %scan3A_126 = arith.addi %scan3A_124, %scan3A_125 : i32
      %scan3A_127 = arith.constant 1 : i32
      %scan3A_128 = scf.for %scan3A_133 = %scan3A_124 to %scan3A_126 step %scan3A_127 iter_args(%scan3A_134 = %scan3A_123) -> (i32)  : i32 {
        %mul3A_135 = arith.constant 128 : i32
        %mul3A_136 = arith.muli %scan3A_133, %mul3A_135 : i32
        %dma_wait3A_137 = tpu.memref_slice %arg10[%mul3A_136] : memref<10240xf32, #tpu.memory_space<vmem>> -> memref<128xf32, #tpu.memory_space<vmem>>
        %dma_wait3A_138 = arith.constant 0 : i32
        %dma_wait3A_139 = tpu.memref_slice %arg13[%scan3A_133, %dma_wait3A_138] : memref<80x128xi32, #tpu.memory_space<vmem>> -> memref<1x128xi32, #tpu.memory_space<vmem>>
        %dma_wait3A_140 = tpu.memref_squeeze %dma_wait3A_139 : memref<1x128xi32, #tpu.memory_space<vmem>> -> memref<128xi32, #tpu.memory_space<vmem>>
        %dma_wait3A_141 = arith.constant 0 : i32
        %dma_wait3A_142 = tpu.memref_slice %arg7[%dma_wait3A_141] : memref<100096xf32, #tpu.memory_space<vmem_shared>> -> memref<100096xf32, #tpu.memory_space<vmem_shared>>
        tpu.wait_indirect_dma semaphore(%arg19 : memref<!tpu.dma_semaphore, #tpu.memory_space<semaphore_mem>>) src(%dma_wait3A_137 : memref<128xf32, #tpu.memory_space<vmem>>) dst(%dma_wait3A_142 : memref<100096xf32, #tpu.memory_space<vmem_shared>>)
        %scan3A_143 = arith.constant 0 : i32
        scf.yield %scan3A_143 : i32
      }
      %scan3A_129 = arith.constant 80 : i32
      %mul3A_130 = arith.constant 10240 : i32
      %mul3A_131 = arith.muli %add3A_109, %mul3A_130 : i32
      %dma_wait3A = tpu.memref_slice %arg5[%mul3A_131] : memref<6400000xf32, #tpu.memory_space<hbm>> -> memref<10240xf32, #tpu.memory_space<hbm>>
      %dma_wait3A_132 = tpu.memref_slice %arg5[%mul3A_131] : memref<6400000xf32, #tpu.memory_space<hbm>> -> memref<10240xf32, #tpu.memory_space<hbm>>
      tpu.wait_dma2 semaphore(%arg20 : memref<!tpu.dma_semaphore, #tpu.memory_space<semaphore_mem>>) src(%arg10 : memref<10240xf32, #tpu.memory_space<vmem>>) dst(%dma_wait3A_132 : memref<10240xf32, #tpu.memory_space<hbm>>)
    } else {
    }
    %barrier3A_115 = arith.constant 0 : index
    tpu.barrier barrier_id(%barrier3A_115)
    %mul3A_116 = arith.constant 6256 : i32
    %mul3A_117 = arith.muli %arg1, %mul3A_116 : i32
    "tpu.region"() ({
      %run_scoped3A = tpu.sem_alloc : memref<!tpu.dma_semaphore, #tpu.memory_space<semaphore_mem>>
      %dma_start3A_123 = arith.constant 0 : i32
      %dma_start3A_124 = tpu.memref_slice %arg8[%dma_start3A_123] : memref<10240xf32, #tpu.memory_space<vmem>> -> memref<6256xf32, #tpu.memory_space<vmem>>
      %dma_start3A_125 = tpu.memref_slice %arg7[%mul3A_117] : memref<100096xf32, #tpu.memory_space<vmem_shared>> -> memref<6256xf32, #tpu.memory_space<vmem_shared>>
      %dma_start3A_126 = arith.constant 0 : i32
      %dma_start3A_127 = tpu.memref_slice %arg8[%dma_start3A_126] : memref<10240xf32, #tpu.memory_space<vmem>> -> memref<6256xf32, #tpu.memory_space<vmem>>
      %dma_start3A_128 = tpu.memref_slice %arg7[%mul3A_117] : memref<100096xf32, #tpu.memory_space<vmem_shared>> -> memref<6256xf32, #tpu.memory_space<vmem_shared>>
      tpu.enqueue_dma source(%dma_start3A_128 : memref<6256xf32, #tpu.memory_space<vmem_shared>>) target(%dma_start3A_127 : memref<6256xf32, #tpu.memory_space<vmem>>) target_semaphore(%run_scoped3A : memref<!tpu.dma_semaphore, #tpu.memory_space<semaphore_mem>>)
      %dma_wait3A = arith.constant 0 : i32
      %dma_wait3A_129 = tpu.memref_slice %arg8[%dma_wait3A] : memref<10240xf32, #tpu.memory_space<vmem>> -> memref<6256xf32, #tpu.memory_space<vmem>>
      %dma_wait3A_130 = tpu.memref_slice %arg7[%mul3A_117] : memref<100096xf32, #tpu.memory_space<vmem_shared>> -> memref<6256xf32, #tpu.memory_space<vmem_shared>>
      %dma_wait3A_131 = arith.constant 0 : i32
      %dma_wait3A_132 = tpu.memref_slice %arg8[%dma_wait3A_131] : memref<10240xf32, #tpu.memory_space<vmem>> -> memref<6256xf32, #tpu.memory_space<vmem>>
      %dma_wait3A_133 = tpu.memref_slice %arg7[%mul3A_117] : memref<100096xf32, #tpu.memory_space<vmem_shared>> -> memref<6256xf32, #tpu.memory_space<vmem_shared>>
      tpu.wait_dma2 semaphore(%run_scoped3A : memref<!tpu.dma_semaphore, #tpu.memory_space<semaphore_mem>>) src(%dma_wait3A_133 : memref<6256xf32, #tpu.memory_space<vmem_shared>>) dst(%dma_wait3A_132 : memref<6256xf32, #tpu.memory_space<vmem>>)
      tpu.yield
    }) : () -> ()
    %mul3A_118 = arith.constant 100096 : i32
    %mul3A_119 = arith.muli %arg0, %mul3A_118 : i32
    %mul3A_120 = arith.constant 6256 : i32
    %mul3A_121 = arith.muli %arg1, %mul3A_120 : i32
    %add3A_122 = arith.addi %mul3A_119, %mul3A_121 : i32
    "tpu.region"() ({
      %run_scoped3A = tpu.sem_alloc : memref<!tpu.dma_semaphore, #tpu.memory_space<semaphore_mem>>
      %dma_start3A_123 = arith.constant 0 : i32
      %dma_start3A_124 = tpu.memref_slice %arg8[%dma_start3A_123] : memref<10240xf32, #tpu.memory_space<vmem>> -> memref<6256xf32, #tpu.memory_space<vmem>>
      %dma_start3A_125 = tpu.memref_slice %arg6[%add3A_122] : memref<200192xf32, #tpu.memory_space<hbm>> -> memref<6256xf32, #tpu.memory_space<hbm>>
      %dma_start3A_126 = tpu.memref_slice %arg6[%add3A_122] : memref<200192xf32, #tpu.memory_space<hbm>> -> memref<6256xf32, #tpu.memory_space<hbm>>
      %dma_start3A_127 = arith.constant 0 : i32
      %dma_start3A_128 = tpu.memref_slice %arg8[%dma_start3A_127] : memref<10240xf32, #tpu.memory_space<vmem>> -> memref<6256xf32, #tpu.memory_space<vmem>>
      tpu.enqueue_dma source(%dma_start3A_128 : memref<6256xf32, #tpu.memory_space<vmem>>) target(%dma_start3A_126 : memref<6256xf32, #tpu.memory_space<hbm>>) target_semaphore(%run_scoped3A : memref<!tpu.dma_semaphore, #tpu.memory_space<semaphore_mem>>)
      %dma_wait3A = arith.constant 0 : i32
      %dma_wait3A_129 = tpu.memref_slice %arg8[%dma_wait3A] : memref<10240xf32, #tpu.memory_space<vmem>> -> memref<6256xf32, #tpu.memory_space<vmem>>
      %dma_wait3A_130 = tpu.memref_slice %arg6[%add3A_122] : memref<200192xf32, #tpu.memory_space<hbm>> -> memref<6256xf32, #tpu.memory_space<hbm>>
      %dma_wait3A_131 = tpu.memref_slice %arg6[%add3A_122] : memref<200192xf32, #tpu.memory_space<hbm>> -> memref<6256xf32, #tpu.memory_space<hbm>>
      %dma_wait3A_132 = arith.constant 0 : i32
      %dma_wait3A_133 = tpu.memref_slice %arg8[%dma_wait3A_132] : memref<10240xf32, #tpu.memory_space<vmem>> -> memref<6256xf32, #tpu.memory_space<vmem>>
      tpu.wait_dma2 semaphore(%run_scoped3A : memref<!tpu.dma_semaphore, #tpu.memory_space<semaphore_mem>>) src(%dma_wait3A_133 : memref<6256xf32, #tpu.memory_space<vmem>>) dst(%dma_wait3A_131 : memref<6256xf32, #tpu.memory_space<hbm>>)
      tpu.yield
    }) : () -> ()
    return
  }
}

module attributes {stable_mosaic.version = 14 : i64} {
  func.func @_combine_kernel(%arg0: memref<2x782x128xf32, #tpu.memory_space<vmem>>, %arg1: memref<782x128xf32, #tpu.memory_space<vmem>>) attributes {dimension_semantics = [], scalar_prefetch = 0 : i64, scratch_operands = 0 : i64, tpu.core_type = #tpu.core_type<tc>} {
    %get3A = arith.constant 0 : index
    %get3A_0 = arith.constant 0 : index
    %get3A_1 = arith.constant 0 : index
    %get3A_2 = vector.load %arg0[%get3A, %get3A_0, %get3A_1] : memref<2x782x128xf32, #tpu.memory_space<vmem>>, vector<1x782x128xf32>
    %get3A_3 = vector.shape_cast %get3A_2 : vector<1x782x128xf32> to vector<782x128xf32>
    %get3A_4 = arith.constant 1 : index
    %get3A_5 = arith.constant 0 : index
    %get3A_6 = arith.constant 0 : index
    %get3A_7 = vector.load %arg0[%get3A_4, %get3A_5, %get3A_6] : memref<2x782x128xf32, #tpu.memory_space<vmem>>, vector<1x782x128xf32>
    %get3A_8 = vector.shape_cast %get3A_7 : vector<1x782x128xf32> to vector<782x128xf32>
    %add3A = arith.addf %get3A_3, %get3A_8 : vector<782x128xf32>
    %mul3A = arith.constant 1.250000e-01 : f32
    %mul3A_9 = vector.broadcast %mul3A : f32 to vector<782x128xf32>
    %mul3A_10 = arith.mulf %add3A, %mul3A_9 : vector<782x128xf32>
    %swap3A = arith.constant 0 : index
    %swap3A_11 = arith.constant 0 : index
    %swap3A_12 = vector.load %arg1[%swap3A, %swap3A_11] : memref<782x128xf32, #tpu.memory_space<vmem>>, vector<782x128xf32>
    tpu.vector_store %arg1[%swap3A, %swap3A_11], %mul3A_10 {strides = array<i32>} : memref<782x128xf32, #tpu.memory_space<vmem>>, vector<782x128xf32>,
    return
  }
}

</mosaic_0001>

<sc_bundles>
// kernel: kernel.4.cloned.1.call-start
scs
__scs_entry_jumppad:
0x0: {  	(pc) =	sbr.rel $0x88, $3  }
0x1: {  	(tag) =	ssettag $0x0;
	lr =	simm.s32 $0x1  }
0x2: {  	[smem:$0x3F9E] =	sst lr;
	_ =	strace $0xD0000000  }
0x3: {  	_ = 	snop  }
0x4: {  	_ = 	snop  }
0x5: {  	_ = 	snop  }
0x6: {  	_ = 	snop  }
0x7: {  	_ = 	snop  }
__scs_overlays_trampoline_lowered:
0x8: {  	[smem:$0x3FAD] =	sst s0  }
0x9: {  	[smem:$0x3FAE] =	sst s1  }
0xa: {  	[smem:$0x3FAF] =	sst s2  }
0xb: {  	[smem:$0x3FB0] =	sst s3  }
0xc: {  	[smem:$0x3FB1] =	sst s4  }
0xd: {  	[smem:$0x3FB2] =	sst s5  }
0xe: {  	[smem:$0x3FB3] =	sst s6  }
0xf: {  	[smem:$0x3FB4] =	sst s7  }
0x10: {  	[smem:$0x3FB5] =	sst s8  }
0x11: {  	[smem:$0x3FB6] =	sst s9;
	s0 =	simm.s32 @!p0 $0x0  }
0x12: {  	s1 =	sld [smem:$0x3F9C];
	s0 =	simm.s32 @p0 $0x1  }
0x13: {  	[smem:$0x3FB7] =	sst s0;
	s0 =	simm.s32 @!p1 $0x0  }
0x14: {  	s2 =	sld [smem:$0x3F9B];
	s0 =	simm.s32 @p1 $0x1  }
0x15: {  	[smem:$0x3FB8] =	sst s0;
	s0 =	simm.s32 @!p2 $0x0  }
0x16: {  	s3 =	sld [smem:$0x3FDB];
	s0 =	simm.s32 @p2 $0x1  }
0x17: {  	s4 =	simm.s32 $0x1BF5;
	[smem:$0x3FBA] =	sst s0  }
0x18: {  	s0 =	sld [smem:$0x3F9D];
	_ =	swait.ge [sflag:s4], $0x0  }
0x19: {  	s7 =	sld [smem:$0x3F9E]  }
0x1a: {  	s8 =	sadd.s32 $0xFFFFE003, lr  }
0x1b: {  	s9 =	sadd.s32 $0xFFFFFEF7, lr;
	s5 =	simm.s32 $0xFFFFFFFF;
	p2 =	slt.u32 s8, $0xFFFFF086  }
0x1c: {  	p1 =	slt.u32 s9, $0xF7A;
	s5 =	simm.s32 @!p2 $0x0  }
0x1d: {  	s5 =	simm.s32 @p1 $0x1;
	p0 =	seq.s32 s7, s2  }
0x1e: {  	s7 =	smul.u32 @!p0 $0xF7A, s2;
	p2 =	seq.s32 @!p0 s5, $0x0  }
0x1f: {  	s9 =	smul.u32 $0xF7A, s1;
	s8 =	simm.s32 @!p0 $0x1BF5;
	p2 =	por !p2, p0  }
0x20: {  	[sflag:s8] =	ssyncset.s32 @!p0 $0xFFFFF086;
	s6 =	sadd.s32 @!p0 s3, s7;
	s7 =	simm.s32 @!p0 $0x108  }
0x21: {  	s3 =	sadd.s32 s3, s9;
	s6 =	sadd.s32 @!p0 $0x88, s6;
	s7 =	simm.s32 @p2 $0x1082  }
0x22: {  	[simem:s7], [sflag:s8] =	dma.local @!p0 [hbm:s6], $0xF7A  }
0x23: {  	s9 =	sor.u32 $0xD0000000, s2;
	s6 =	simm.s32 $0x108;
	_ =	swait.ge @!p0 [sflag:s8], $0x0  }
0x24: {  	s3 =	sadd.s32 $0x88, s3;
	s6 =	simm.s32 @!p1 $0x1082;
	[sflag:s4] =	ssyncset.s32 $0xFFFFF086  }
0x25: {  	[simem:s6], [sflag:s4] =	dma.local [hbm:s3], $0xF7A  }
0x26: {  	[smem:$0x3F9E] =	sst s1;
	(tag) =	ssettag s2;
	_ =	strace s9  }
0x27: {  	s1 =	sld [smem:$0x3FAE]  }
0x28: {  	s2 =	sld [smem:$0x3FAF]  }
0x29: {  	s4 =	sld [smem:$0x3FB1]  }
0x2a: {  	p0 =	seq.s32 s5, $0x0;
	s5 =	sld [smem:$0x3FB2]  }
0x2b: {  	s6 =	sld [smem:$0x3FB3]  }
0x2c: {  	s7 =	sld [smem:$0x3FB4]  }
0x2d: {  	s3 =	simm.s32 $0x108;
	s8 =	sld [smem:$0x3FB5]  }
0x2e: {  	s3 =	simm.s32 @!p0 $0x1082;
	s9 =	sld [smem:$0x3FB6]  }
0x2f: {  	lr =	sadd.s32 s0, s3;
	s0 =	sld [smem:$0x3FAD]  }
0x30: {  	s3 =	sld [smem:$0x3FB0]  }
0x31: {  	[smem:$0x3FB9] =	sst s10  }
0x32: {  	s10 =	sld [smem:$0x3FB7];
	_ =	sdelay $0x3  }
0x33: {  	p0 =	seq.s32 s10, $0x1;
	s10 =	sld [smem:$0x3FB9];
	_ =	sdelay $0x3  }
0x34: {  	[smem:$0x3FB9] =	sst s10  }
0x35: {  	s10 =	sld [smem:$0x3FB8];
	_ =	sdelay $0x3  }
0x36: {  	p1 =	seq.s32 s10, $0x1;
	s10 =	sld [smem:$0x3FB9];
	_ =	sdelay $0x3  }
0x37: {  	[smem:$0x3FB9] =	sst s10  }
0x38: {  	s10 =	sld [smem:$0x3FBA]  }
0x39: {  	_ = 	snop;
	(pc) =	sbr.ind lr, $3  }
0x3a: {  	_ = 	snop  }
0x3b: {  	_ = 	snop  }
0x3c: {  	p2 =	seq.s32 s10, $0x1;
	s10 =	sld [smem:$0x3FB9]  }
0x3d: {  	_ =	shalt  }
0x3e: {  	_ =	shalt  }
0x3f: {  	_ =	shalt  }
0x40: {  	_ =	shalt  }
0x41: {  	_ =	shalt  }
0x42: {  	_ =	shalt  }
0x43: {  	_ =	shalt  }
0x44: {  	_ =	shalt  }
0x45: {  	_ =	shalt  }
0x46: {  	_ =	shalt  }
0x47: {  	_ =	shalt  }
0x48: {  	_ =	shalt  }
0x49: {  	_ =	shalt  }
0x4a: {  	_ =	shalt  }
0x4b: {  	_ =	shalt  }
0x4c: {  	_ =	shalt  }
0x4d: {  	_ =	shalt  }
0x4e: {  	_ =	shalt  }
0x4f: {  	_ =	shalt  }
0x50: {  	_ =	shalt  }
0x51: {  	_ =	shalt  }
0x52: {  	_ =	shalt  }
0x53: {  	_ =	shalt  }
0x54: {  	_ =	shalt  }
0x55: {  	_ =	shalt  }
0x56: {  	_ =	shalt  }
0x57: {  	_ =	shalt  }
0x58: {  	_ =	shalt  }
0x59: {  	_ =	shalt  }
0x5a: {  	_ =	shalt  }
0x5b: {  	_ =	shalt  }
0x5c: {  	_ =	shalt  }
0x5d: {  	_ =	shalt  }
0x5e: {  	_ =	shalt  }
0x5f: {  	_ =	shalt  }
0x60: {  	_ =	shalt  }
0x61: {  	_ =	shalt  }
0x62: {  	_ =	shalt  }
0x63: {  	_ =	shalt  }
0x64: {  	_ =	shalt  }
0x65: {  	_ =	shalt  }
0x66: {  	_ =	shalt  }
0x67: {  	_ =	shalt  }
0x68: {  	_ =	shalt  }
0x69: {  	_ =	shalt  }
0x6a: {  	_ =	shalt  }
0x6b: {  	_ =	shalt  }
0x6c: {  	_ =	shalt  }
0x6d: {  	_ =	shalt  }
0x6e: {  	_ =	shalt  }
0x6f: {  	_ =	shalt  }
0x70: {  	_ =	shalt  }
0x71: {  	_ =	shalt  }
0x72: {  	_ =	shalt  }
0x73: {  	_ =	shalt  }
0x74: {  	_ =	shalt  }
0x75: {  	_ =	shalt  }
0x76: {  	_ =	shalt  }
0x77: {  	_ =	shalt  }
0x78: {  	_ =	shalt  }
0x79: {  	_ =	shalt  }
0x7a: {  	_ =	shalt  }
0x7b: {  	_ =	shalt  }
0x7c: {  	_ =	shalt  }
0x7d: {  	_ =	shalt  }
0x7e: {  	_ =	shalt  }
0x7f: {  	_ =	shalt  }
0x80: {  	_ =	shalt  }
0x81: {  	_ =	shalt  }
0x82: {  	_ =	shalt  }
0x83: {  	_ =	shalt  }
0x84: {  	_ =	shalt  }
0x85: {  	_ =	shalt  }
0x86: {  	_ =	shalt  }
0x87: {  	_ =	shalt  }
.Lfunc_end0:
.L_simem_size_0:
called_computation_lowered:
.L_overlay_start_0:
0x88: {  	s2 =	sld [smem:$0x3FD9]  }
0x89: {  	s3 =	sld [smem:$0x3FFE];
	_ =	sdelay $0x1  }
0x8a: {  	s1 =	srdreg.scid  }
0x8b: {  	s0 =	sand.u32 $0x1, s1  }
0x8c: {  	s14 =	sshll.u32 s0, $0xA;
	s2 =	sadd.s32 s3, s2  }
0x8d: {  	s2 =	sadd.s32 s2, s14  }
0x8e: {  	[smem:$0x3FC5] =	sst s2  }
0x8f: {  	_ = 	snop  }
0x90: {  	s2 =	sld [smem:$0x3FD0];
	_ =	sdelay $0x1  }
0x91: {  	s15 =	sld [smem:$0x3FC8]  }
0x92: {  	s5 =	simm.s32 $0xA;
	s6 =	simm.s32 $0x10;
	s4 =	sld [smem:$0x3FC7]  }
0x93: {  	[smem:s6], [sflag:s5] =	dma.local [hbm:s2], $0x1  }
0x94: {  	_ =	swait.eq [sflag:s5], $0x1  }
0x95: {  	[sflag:s5] =	ssyncset.done $0x0  }
0x96: {  	[sflag:s5] =	ssyncadd.s32 $0xFFFFFFFF  }
0x97: {  	s16 =	sld [smem:$0x10];
	(tm) =	ssettm $0x1  }
0x98: {  	s17 =	sld [smem:$0x3FFB];
	_ =	sdelay $0x3  }
0x99: {  	_ =	strace s17  }
0x9a: {  	s5 =	sld [smem:$0x3FFC];
	_ =	sdelay $0x3  }
0x9b: {  	_ =	strace s5  }
0x9c: {  	s5 =	sld [smem:$0x3FFD];
	_ =	sdelay $0x3  }
0x9d: {  	_ =	strace s5  }
0x9e: {  	_ =	strace $0x8FFFFFFF  }
0x9f: {  	s18 =	sld [smem:$0x3FDB];
	_ =	sdelay $0x1  }
0xa0: {  	s19 =	simm.s32 $_scs_section_size  }
0xa1: {  	s7 =	simm.s32 $_size__tile_overlayer_lowered;
	s8 =	simm.s32 $_tile_overlayer_lowered  }
0xa2: {  	s22 =	simm.s32 $0x1BFF;
	s21 =	sshll.u32 s8, $0x1;
	s5 =	sadd.s32 s19, s18  }
0xa3: {  	s9 =	simm.s32 $0x0;
	s20 =	sshll.u32 s7, $0x1;
	s7 =	sadd.s32 s21, s5  }
0xa4: {  	[timem:s9], [sflag:s22] =	dma.local [hbm:s7], s20  }
0xa5: {  	_ =	swait.ge [sflag:s22], s20  }
0xa6: {  	s6 =	ssub.s32 $0x0, s20;
	[sflag:s22] =	ssyncset.done $0x0  }
0xa7: {  	[sflag:s22] =	ssyncadd.s32 s6;
	_ =	sdelay $0x1  }
0xa8: {  	s23 =	simm.s32 $0x1B8B  }
0xa9: {  	_ =	swait.ge [sflag:s23], $0x1  }
0xaa: {  	[sflag:s23] =	ssyncset.done $0x0  }
0xab: {  	s25 =	simm.s32 $0x1B8E;
	s24 =	sld [smem:$0x3FFE];
	[sflag:s23] =	ssyncadd.s32 $0xFFFFFFFF  }
0xac: {  	s26 =	simm.s32 $execute0_lowered;
	[smem:$0x3FD2] =	sst s25  }
0xad: {  	s7 =	sshll.u32 s26, $0x1;
	_ =	strace $0x80000046;
	[dreg:$0x1] =	wrdreg $0xFFFFFFFF  }
0xae: {  	s28 =	simm.s32 $_size_execute0_lowered;
	s5 =	sadd.s32 s5, s7;
	[dreg:$0x0] =	wrdreg $0x0  }
0xaf: {  	s7 =	sshll.u32 s28, $0x1;
	[dreg:$0x2] =	wrdreg s5  }
0xb0: {  	[dreg:$0x3] =	wrdreg s7  }
0xb1: {  	[dreg:$0x4] =	wrdreg $0xC0  }
0xb2: {  	_ =	task [dreg:s9], $0x5FFFF  }
0xb3: {  	[dreg:$0x1] =	wrdreg $0xFFFFFFFF  }
0xb4: {  	[dreg:$0x0] =	wrdreg $0x60  }
0xb5: {  	[dreg:$0x2] =	wrdreg s24  }
0xb6: {  	[dreg:$0x3] =	wrdreg s15  }
0xb7: {  	[dreg:$0x4] =	wrdreg s4  }
0xb8: {  	[dreg:$0x5] =	wrdreg s16  }
0xb9: {  	[dreg:$0x6] =	wrdreg $0x0  }
0xba: {  	[dreg:$0x7] =	wrdreg $0x9  }
0xbb: {  	_ =	task.clear_ibuf [dreg:s9], $0x8FFFF;
	_ =	strace $0x90000046  }
0xbc: {  	s29 =	simm.s32 $0x9;
	_ =	strace $0x80000048  }
0xbd: {  	_ =	swait.ge [sflag:s29], $0x1  }
0xbe: {  	[sflag:s29] =	ssyncadd.s32 $0xFFFFFFFF  }
0xbf: {  	_ =	strace $0x90000048  }
0xc0: {  	_ =	sfence  }
0xc1: {  	s30 =	sld [smem:$0x0];
	_ =	sdelay $0x2  }
0xc2: {  	s31 =	sshll.u32 s1, $0xD;
	s1 =	sshrl.u32 s1, $0x2  }
0xc3: {  	s3 =	sand.u32 $0x4000, s31;
	s1 =	sadd.s32 s1, s30  }
0xc4: {  	s0 =	sor.u32 s3, s0;
	s1 =	sshll.u32 s1, $0x11  }
0xc5: {  	s0 =	sor.u32 s1, s0  }
0xc6: {  	s0 =	sadd.s32 $0x8F2B, s0  }
0xc7: {  	[sflag:s0] =	ssyncadd.remote.s32 $0x1  }
0xc8: {  	_ =	sfence.sel $0xFFFF  }
0xc9: {  	[dreg:$0x0] =	wrdreg $0xFFFFFFFF;
	(pc) =	sbr.abs _section_cstart, $3  }
0xca: {  	[dreg:$0x1] =	wrdreg $0xFFFFFFFF  }
0xcb: {  	_ =	task.clear_ibuf [dreg:s9], $0x2FFFF;
	_ =	strace $0x9FFFFFFF  }
0xcc: {  	(tm) =	ssettm $0x7FFFFFFF  }
0xcd: {  	_ =	shalt  }
tec
execute0_lowered:
.L_overlay_start_1:
0x0: {  	(tag) =	ssettag $0x1  }
0x1: {  	s0 =	rddreg [dreg:$0x0]  }
0x2: {  	s1 =	rddreg [dreg:$0x1]  }
0x3: {  	s2 =	rddreg [dreg:$0x2]  }
0x4: {  	s4 =	rddreg [dreg:$0x3];
	s3 =	srdreg.scid  }
0x5: {  	s8 =	stileid.u32;
	s5 =	rddreg [dreg:$0x4]  }
0x6: {  	s6 =	simm.s32 $0x0;
	s28 =	simm.s32 $0x4070;
	s29 =	simm.s32 $0x2  }
0x7: {  	s30 =	simm.s32 $0x3;
	s3 =	sand.u32 $0x1, s3;
	s9 =	smul.u32 $0x1870, s8  }
0x8: {  	s31 =	simm.s32 $0x6870;
	[smem:$0x7FF] =	sst s6;
	s7 =	smul.u32 $0x18700, s3  }
0x9: {  	s8 =	sshll.u32 s8, $0x1;
	_ =	strace $0x80000047;
	s12 =	sadd.s32 s9, s5  }
0xa: {  	s10 =	sadd.s32 s9, s7;
	s7 =	sor.u32 s3, s8;
	s3 =	ssub.s32 $0x2, s3  }
0xb: {  	s8 =	sadd.s32 $0x800, s0;
	s10 =	sshrl.u32 s10, $0x3;
	s11 =	smul.u32 $0x500, s7  }
0xc: {  	s22 =	sshrl.u32 s3, $0x1;
	s13 =	sor.u32 $0x40, s7;
	s14 =	sor.u32 $0x60, s7  }
0xd: {  	s15 =	sor.u32 $0x80, s7;
	s16 =	sor.u32 $0xA0, s7;
	s23 =	sadd.s32 s8, s11  }
0xe: {  	s0 =	sadd.s32 s10, s0;
	s24 =	sadd.s32 s1, s11;
	[dreg:$0x6] =	wrdreg s23  }
.Ltmp0:
0xf: {  	s25 =	sadd.s32 s2, s11;
	[dreg:$0x7] =	wrdreg s24;
	(pc) =	sbr.rel .LBB2_1-.Ltmp0, $4  }
0x10: {  	s3 =	ssub.s32 s3, s22;
	s0 =	sadd.s32 $0xC3E00, s0;
	[dreg:$0x8] =	wrdreg s25  }
0x11: {  	s17 =	sor.u32 $0xC0, s7;
	s26 =	smax.u32 s3, $0x1;
	[dreg:$0x9] =	wrdreg s0  }
0x12: {  	s3 =	simm.s32 $0x0;
	[dreg:$0xa] =	wrdreg s26;
	s23 =	simm.s32 $0x1870  }
0x13: {  	v0 =	vimm.f32 $0.0e+00;
	s24 =	simm.s32 $0x4;
	s25 =	simm.s32 $0x1;
	s26 =	simm.s32 $0x80  }
.LBB2_49:
0x14: {  	[bflag:$0x0] =	sbarrier.arrive $0xFFFF  }
0x15: {  	[tilespmem:s23], [sflag:$0x4] =	stream.linear.gather [spmem:s12], $0x1870, $0x38;
	[tilespmem:$0x1A870] =	vst v63  }
0x16: {  	_ =	swait.ge [sflag:s24], $0x1870  }
0x17: {  	[sflag:s24] =	ssyncset.done $0x0  }
0x18: {  	s0 =	rddreg [dreg:$0x9];
	[sflag:s24] =	ssyncadd.s32 $0xFFFFE790  }
0x19: {  	[hbm4b:s0+s6] =	stream.linear.scatter [tilespmem:s23], [sflag:$0x4], $0x1870, $0x38;
	[tilespmem:$0x1A870] =	vst v63  }
0x1a: {  	_ =	swait.ge [sflag:s24], $0x1870  }
0x1b: {  	s3 =	sadd.s32 $0x1, s3;
	s22 =	rddreg [dreg:$0xa]  }
0x1c: {  	p0 =	sne.s32 s3, s22  }
.Ltmp1:
0x1d: {  	_ = 	snop;
	(pc) =	sbr.rel @!p0 .LBB2_50-.Ltmp1, $3  }
0x1e: {  	_ =	sdelay $0x1  }
0x1f: {  	[sflag:s24] =	ssyncset.done $0x0  }
0x20: {  	[sflag:s24] =	ssyncadd.s32 $0xFFFFE790  }
.LBB2_1:
0x21: {  	s0 =	rddreg [dreg:$0x6];
	s9 =	simm.s32 $0x9070  }
0x22: {  	[tilespmem:s9], [sflag:$0x1] =	stream.linear.gather [hbm4b:s0+s6], $0x2800, $0x38;
	[tilespmem:$0x1A870] =	vst v63  }
0x23: {  	s19 =	rddreg [dreg:$0x7];
	s20 =	simm.s32 $0x10870  }
0x24: {  	[tilespmem:s20], [sflag:$0x1] =	stream.linear.gather [hbm4b:s19+s6], $0x2800, $0x38;
	[tilespmem:$0x1A870] =	vst v63  }
0x25: {  	s21 =	rddreg [dreg:$0x8];
	s22 =	simm.s32 $0x15870;
	s0 =	simm.s32 $0x18B0  }
0x26: {  	[tilespmem:s22], [sflag:$0x1] =	stream.linear.gather [hbm4b:s21+s6], $0x2800, $0x38;
	[tilespmem:$0x1A870] =	vst v63  }
0x27: {  	[tilespmem:s0+$0xFFFFFFC0] =	vst v0  }
0x28: {  	[tilespmem:s0+$0x30] =	vst v0  }
0x29: {  	[tilespmem:s0+$0x20] =	vst v0  }
0x2a: {  	[tilespmem:s0+$0x10] =	vst v0  }
0x2b: {  	[tilespmem:s0+$0x0] =	vst v0  }
0x2c: {  	[tilespmem:s0+$0xFFFFFFF0] =	vst v0  }
0x2d: {  	s9 =	simm.s32 $0x0;
	[tilespmem:s0+$0xFFFFFFE0] =	vst v0  }
.LBB2_2:
0x2e: {  	s9 =	sadd.s32 $0x8, s9;
	[tilespmem:s0+$0xFFFFFFD0] =	vst v0;
	s0 =	sadd.s32 $0x80, s0  }
0x2f: {  	[tilespmem:s0+$0xFFFFFFC0] =	vst v0;
	p0 =	slt.u32 s9, $0x178  }
0x30: {  	[tilespmem:s0+$0x30] =	vst v0  }
.Ltmp2:
0x31: {  	[tilespmem:s0+$0x20] =	vst v0;
	(pc) =	sbr.rel @p0 .LBB2_2-.Ltmp2, $4  }
0x32: {  	[tilespmem:s0+$0x10] =	vst v0  }
0x33: {  	[tilespmem:s0+$0x0] =	vst v0  }
0x34: {  	[tilespmem:s0+$0xFFFFFFF0] =	vst v0  }
0x35: {  	[tilespmem:s0+$0xFFFFFFE0] =	vst v0  }
0x36: {  	[tilespmem:s0+$0xFFFFFFD0] =	vst v0  }
0x37: {  	[tilespmem:$0x3070] =	vst v0  }
0x38: {  	[tilespmem:$0x3080] =	vst v0  }
0x39: {  	[tilespmem:$0x3090] =	vst v0  }
0x3a: {  	[tilespmem:$0x30A0] =	vst v0  }
0x3b: {  	[tilespmem:$0x30B0] =	vst v0  }
0x3c: {  	[tilespmem:$0x30C0] =	vst v0  }
0x3d: {  	[tilespmem:$0x30D0] =	vst v0  }
0x3e: {  	[spmem:s12] =	stream.linear.scatter [tilespmem:s23], [sflag:$0x4], $0x1870, $0x38;
	[tilespmem:$0x1A870] =	vst v63  }
.Ltmp3:
0x3f: {  	_ =	swait.ge [sflag:s24], $0x1870;
	(pc) =	sbr.rel .LBB2_4-.Ltmp3, $4  }
0x40: {  	[sflag:s24] =	ssyncset.done $0x0  }
0x41: {  	[sflag:s24] =	ssyncadd.s32 $0xFFFFE790  }
0x42: {  	[bflag:$0x0] =	sbarrier.arrive $0xFFFF  }
0x43: {  	s0 =	simm.s32 $0x0  }
.LBB2_48:
0x44: {  	s0 =	sadd.s32 $0x1, s0  }
0x45: {  	p0 =	sne.s32 s0, $0x4  }
.Ltmp4:
0x46: {  	_ = 	snop;
	(pc) =	sbr.rel @!p0 .LBB2_49-.Ltmp4, $1  }
0x47: {  	_ =	sdelay $0x3  }
.LBB2_4:
0x48: {  	_ =	swait.ge [sflag:s25], $0x2800  }
0x49: {  	[sflag:s25] =	ssyncset.done $0x0  }
0x4a: {  	[sflag:s25] =	ssyncadd.s32 $0xFFFFD800  }
0x4b: {  	p0 =	seq.s32 s0, $0x0;
	_ =	swait.ge [sflag:s25], $0x2800  }
.Ltmp5:
0x4c: {  	[sflag:s25] =	ssyncset.done $0x0;
	(pc) =	sbr.rel @p0 .LBB2_8-.Ltmp5, $4  }
0x4d: {  	[sflag:s25] =	ssyncadd.s32 $0xFFFFD800  }
0x4e: {  	_ =	swait.ge [sflag:s25], $0x2800  }
0x4f: {  	[sflag:s25] =	ssyncset.done $0x0  }
0x50: {  	s9 =	simm.s32 $0x50;
	[sflag:s25] =	ssyncadd.s32 $0xFFFFD800  }
0x51: {  	_ =	swait.ge [sflag:s29], $0x80  }
0x52: {  	s9 =	sadd.s32 $0xFFFFFFFF, s9;
	[sflag:s29] =	ssyncset.done $0x0  }
.LBB2_6:
0x53: {  	p1 =	sne.s32 s9, $0x1;
	s9 =	sadd.s32 $0xFFFFFFFF, s9;
	[sflag:s29] =	ssyncadd.s32 $0xFFFFFF80  }
.Ltmp6:
0x54: {  	(pc) =	sbr.rel @p1 .LBB2_6-.Ltmp6, $3  }
0x55: {  	_ =	sdelay $0x1  }
0x56: {  	_ =	swait.ge [sflag:s29], $0x80  }
0x57: {  	[sflag:s29] =	ssyncset.done $0x0  }
0x58: {  	[sflag:s29] =	ssyncadd.s32 $0xFFFFFF80  }
0x59: {  	_ =	swait.ge [sflag:s30], $0x2800  }
0x5a: {  	[sflag:s30] =	ssyncset.done $0x0  }
0x5b: {  	[sflag:s30] =	ssyncadd.s32 $0xFFFFD800  }
.LBB2_8:
0x5c: {  	s20 =	smul.u32 $0xC0, s0;
	_ =	sdelay $0x1  }
0x5d: {  	s22 =	sor.u32 s7, s20  }
0x5e: {  	s21 =	sor.u32 $0x20, s22  }
0x5f: {  	p2 =	sgt.u32 s21, $0x270  }
0x60: {  	s9 =	smul.u32 @!p2 $0x500, s21;
	_ =	sdelay $0x1  }
0x61: {  	s11 =	simm.s32 @!p2 $0x0;
	s18 =	simm.s32 @!p2 $0xB870;
	s10 =	sadd.s32 @!p2 s8, s9  }
0x62: {  	[tilespmem:s18], [sflag:$0x1] =	stream.linear.gather @!p2 [hbm4b:s10+s11], $0x2800, $0x38;
	[tilespmem:$0x1A870] =	vst v63  }
0x63: {  	s10 =	sadd.s32 @!p2 s1, s9;
	s18 =	simm.s32 @!p2 $0x13070  }
0x64: {  	[tilespmem:s18], [sflag:$0x1] =	stream.linear.gather @!p2 [hbm4b:s10+s11], $0x2800, $0x38;
	[tilespmem:$0x1A870] =	vst v63  }
0x65: {  	s9 =	sadd.s32 @!p2 s2, s9;
	s10 =	simm.s32 @!p2 $0x18070  }
0x66: {  	[tilespmem:s10], [sflag:$0x1] =	stream.linear.gather @!p2 [hbm4b:s9+s11], $0x2800, $0x38;
	[tilespmem:$0x1A870] =	vst v63  }
0x67: {  	s9 =	simm.s32 $0x0  }
0x68: {  	v11 =	vld [tilespmem:s9+$0x15870]  }
0x69: {  	v12 =	vld [tilespmem:s9+$0x10870]  }
0x6a: {  	v14 =	vld [tilespmem:s9+$0x10880]  }
0x6b: {  	v15 =	vld [tilespmem:s9+$0x15880]  }
0x6c: {  	v2 =	vld [tilespmem:s9+$0x10890]  }
0x6d: {  	v7 =	vld [tilespmem:s9+$0x15890]  }
0x6e: {  	v1 =	vld [tilespmem:s9+$0x108A0]  }
0x6f: {  	v5 =	vld [tilespmem:s9+$0x158A0]  }
0x70: {  	v3 =	vld [tilespmem:s9+$0x108B0]  }
0x71: {  	v8 =	vld [tilespmem:s9+$0x158B0]  }
0x72: {  	v4 =	vld [tilespmem:s9+$0x108C0]  }
0x73: {  	v9 =	vld [tilespmem:s9+$0x158C0]  }
0x74: {  	v6 =	vld [tilespmem:s9+$0x108D0]  }
0x75: {  	v10 =	vld [tilespmem:s9+$0x158D0];
	v13 =	vmul.f32 v11, v12  }
0x76: {  	s10 =	simm.s32 $0x200;
	v12 =	vmul.f32 v15, v14;
	v11 =	vld [tilespmem:s9+$0x108E0]  }
.LBB2_9:
0x77: {  	p1 =	sne.s32 s10, $0x9E00;
	[tilespmem:s9+$0x1870] =	vst v13;
	v2 =	vmul.f32 v7, v2;
	v7 =	vld [tilespmem:s9+$0x158E0]  }
0x78: {  	v1 =	vmul.f32 v5, v1;
	[tilespmem:s9+$0x1880] =	vst v12  }
0x79: {  	[tilespmem:s9+$0x1890] =	vst v2;
	v2 =	vmul.f32 v8, v3  }
0x7a: {  	[tilespmem:s9+$0x18A0] =	vst v1;
	v1 =	vmul.f32 v9, v4  }
0x7b: {  	[tilespmem:s9+$0x18B0] =	vst v2;
	v2 =	vmul.f32 v10, v6  }
0x7c: {  	[tilespmem:s9+$0x18C0] =	vst v1;
	v1 =	vmul.f32 v7, v11  }
0x7d: {  	s11 =	sshra.s32 s10, $0x2;
	s18 =	sadd.s32 $0x1870, s9;
	s19 =	sadd.s32 $0x9070, s9;
	[tilespmem:s9+$0x18D0] =	vst v2  }
0x7e: {  	[tilespmem:s9+$0x18E0] =	vst v1;
	[spmem:s5] =	stream.indirect.scatter.add.f32 [tilespmem:s18], [sflag:$0x2], $0x1, s19, s26, $0xb8  }
0x7f: {  	s9 =	smov.u32 s11;
	v10 =	vld [tilespmem:s11+$0x15870]  }
0x80: {  	v11 =	vld [tilespmem:s9+$0x10870]  }
0x81: {  	v12 =	vld [tilespmem:s9+$0x10880]  }
0x82: {  	v14 =	vld [tilespmem:s9+$0x15880]  }
0x83: {  	v2 =	vld [tilespmem:s9+$0x10890]  }
0x84: {  	v7 =	vld [tilespmem:s9+$0x15890]  }
0x85: {  	v1 =	vld [tilespmem:s9+$0x108A0]  }
0x86: {  	v5 =	vld [tilespmem:s9+$0x158A0]  }
0x87: {  	v3 =	vld [tilespmem:s9+$0x108B0]  }
0x88: {  	v8 =	vld [tilespmem:s9+$0x158B0]  }
.Ltmp7:
0x89: {  	v4 =	vld [tilespmem:s9+$0x108C0];
	(pc) =	sbr.rel @p1 .LBB2_9-.Ltmp7, $4  }
0x8a: {  	v9 =	vld [tilespmem:s9+$0x158C0]  }
0x8b: {  	v6 =	vld [tilespmem:s9+$0x108D0]  }
0x8c: {  	v13 =	vmul.f32 v10, v11;
	v10 =	vld [tilespmem:s9+$0x158D0]  }
0x8d: {  	s10 =	sadd.s32 $0x200, s10;
	v12 =	vmul.f32 v14, v12;
	v11 =	vld [tilespmem:s9+$0x108E0]  }
0x8e: {  	[tilespmem:s9+$0x1870] =	vst v13;
	v2 =	vmul.f32 v7, v2;
	v63 =	vld [tilespmem:s9+$0x158E0]  }
0x8f: {  	v1 =	vmul.f32 v5, v1;
	[tilespmem:s9+$0x1880] =	vst v12  }
0x90: {  	[tilespmem:s9+$0x1890] =	vst v2;
	v2 =	vmul.f32 v8, v3  }
0x91: {  	[tilespmem:s9+$0x18A0] =	vst v1;
	v1 =	vmul.f32 v9, v4  }
0x92: {  	[tilespmem:s9+$0x18B0] =	vst v2;
	v2 =	vmul.f32 v10, v6  }
0x93: {  	[tilespmem:s9+$0x18C0] =	vst v1;
	v1 =	vmul.f32 v63, v11  }
0x94: {  	[tilespmem:s9+$0x18D0] =	vst v2  }
0x95: {  	s10 =	sadd.s32 $0x1870, s9;
	s11 =	sadd.s32 $0x9070, s9;
	s22 =	smul.u32 $0x500, s22;
	[tilespmem:s9+$0x18E0] =	vst v1  }
0x96: {  	[spmem:s5] =	stream.indirect.scatter.add.f32 [tilespmem:s10], [sflag:$0x2], $0x1, s11, s26, $0xb8;
	[tilespmem:$0x1A870] =	vst v63  }
0x97: {  	s9 =	sadd.s32 s4, s22  }
0x98: {  	[hbm4b:s9+s6] =	stream.linear.scatter [tilespmem:s23], [sflag:$0x3], $0x2800, $0x38;
	[tilespmem:$0x1A870] =	vst v63  }
0x99: {  	s9 =	simm.s32 @!p2 $0x1  }
0x9a: {  	_ =	swait.ge @!p2 [sflag:s9], $0x2800  }
0x9b: {  	[sflag:s9] =	ssyncset.done @!p2 $0x0  }
0x9c: {  	[sflag:s9] =	ssyncadd.s32 @!p2 $0xFFFFD800  }
0x9d: {  	_ =	swait.ge @!p2 [sflag:s9], $0x2800  }
.Ltmp8:
0x9e: {  	[sflag:s9] =	ssyncset.done @!p2 $0x0;
	(pc) =	sbr.rel @p0 .LBB2_14-.Ltmp8, $4  }
0x9f: {  	[sflag:s9] =	ssyncadd.s32 @!p2 $0xFFFFD800  }
0xa0: {  	_ =	swait.ge @!p2 [sflag:s9], $0x2800  }
0xa1: {  	[sflag:s9] =	ssyncset.done @!p2 $0x0  }
0xa2: {  	[sflag:s9] =	ssyncadd.s32 @!p2 $0xFFFFD800;
	s9 =	simm.s32 $0x50  }
0xa3: {  	_ =	swait.ge [sflag:s29], $0x80  }
0xa4: {  	s9 =	sadd.s32 $0xFFFFFFFF, s9;
	[sflag:s29] =	ssyncset.done $0x0  }
.LBB2_12:
0xa5: {  	p0 =	sne.s32 s9, $0x1;
	s9 =	sadd.s32 $0xFFFFFFFF, s9;
	[sflag:s29] =	ssyncadd.s32 $0xFFFFFF80  }
.Ltmp9:
0xa6: {  	(pc) =	sbr.rel @p0 .LBB2_12-.Ltmp9, $3  }
0xa7: {  	_ =	sdelay $0x1  }
0xa8: {  	_ =	swait.ge [sflag:s29], $0x80  }
0xa9: {  	[sflag:s29] =	ssyncset.done $0x0  }
0xaa: {  	[sflag:s29] =	ssyncadd.s32 $0xFFFFFF80  }
0xab: {  	_ =	swait.ge [sflag:s30], $0x2800  }
0xac: {  	[sflag:s30] =	ssyncset.done $0x0  }
0xad: {  	[sflag:s30] =	ssyncadd.s32 $0xFFFFD800  }
.LBB2_14:
0xae: {  	s22 =	sadd.s32 s13, s20  }
0xaf: {  	p1 =	sgt.u32 s22, $0x270  }
0xb0: {  	s9 =	smul.u32 @!p1 $0x500, s22;
	_ =	sdelay $0x1  }
0xb1: {  	s11 =	simm.s32 @!p1 $0x0;
	s18 =	simm.s32 @!p1 $0xE070;
	s10 =	sadd.s32 @!p1 s8, s9  }
0xb2: {  	[tilespmem:s18], [sflag:$0x1] =	stream.linear.gather @!p1 [hbm4b:s10+s11], $0x2800, $0x38;
	[tilespmem:$0x1A870] =	vst v63  }
.Ltmp10:
0xb3: {  	_ = 	snop;
	(pc) =	sbr.rel @p2 .LBB2_18-.Ltmp10, $4  }
0xb4: {  	s10 =	sadd.s32 @!p1 s1, s9;
	s18 =	simm.s32 @!p1 $0x10870  }
0xb5: {  	[tilespmem:s18], [sflag:$0x1] =	stream.linear.gather @!p1 [hbm4b:s10+s11], $0x2800, $0x38;
	[tilespmem:$0x1A870] =	vst v63  }
0xb6: {  	s9 =	sadd.s32 @!p1 s2, s9;
	s10 =	simm.s32 @!p1 $0x15870  }
0xb7: {  	[tilespmem:s10], [sflag:$0x1] =	stream.linear.gather @!p1 [hbm4b:s9+s11], $0x2800, $0x38;
	[tilespmem:$0x1A870] =	vst v63  }
0xb8: {  	s9 =	simm.s32 $0x0  }
0xb9: {  	v11 =	vld [tilespmem:s9+$0x18070]  }
0xba: {  	v12 =	vld [tilespmem:s9+$0x13070]  }
0xbb: {  	v14 =	vld [tilespmem:s9+$0x13080]  }
0xbc: {  	v15 =	vld [tilespmem:s9+$0x18080]  }
0xbd: {  	v2 =	vld [tilespmem:s9+$0x13090]  }
0xbe: {  	v7 =	vld [tilespmem:s9+$0x18090]  }
0xbf: {  	v1 =	vld [tilespmem:s9+$0x130A0]  }
0xc0: {  	v5 =	vld [tilespmem:s9+$0x180A0]  }
0xc1: {  	v3 =	vld [tilespmem:s9+$0x130B0]  }
0xc2: {  	v8 =	vld [tilespmem:s9+$0x180B0]  }
0xc3: {  	v4 =	vld [tilespmem:s9+$0x130C0]  }
0xc4: {  	v9 =	vld [tilespmem:s9+$0x180C0]  }
0xc5: {  	v6 =	vld [tilespmem:s9+$0x130D0]  }
0xc6: {  	v10 =	vld [tilespmem:s9+$0x180D0];
	v13 =	vmul.f32 v11, v12  }
0xc7: {  	s10 =	simm.s32 $0x200;
	v12 =	vmul.f32 v15, v14;
	v11 =	vld [tilespmem:s9+$0x130E0]  }
.LBB2_16:
0xc8: {  	p0 =	sne.s32 s10, $0x9E00;
	[tilespmem:s9+$0x4070] =	vst v13;
	v2 =	vmul.f32 v7, v2;
	v7 =	vld [tilespmem:s9+$0x180E0]  }
0xc9: {  	v1 =	vmul.f32 v5, v1;
	[tilespmem:s9+$0x4080] =	vst v12  }
0xca: {  	[tilespmem:s9+$0x4090] =	vst v2;
	v2 =	vmul.f32 v8, v3  }
0xcb: {  	[tilespmem:s9+$0x40A0] =	vst v1;
	v1 =	vmul.f32 v9, v4  }
0xcc: {  	[tilespmem:s9+$0x40B0] =	vst v2;
	v2 =	vmul.f32 v10, v6  }
0xcd: {  	[tilespmem:s9+$0x40C0] =	vst v1;
	v1 =	vmul.f32 v7, v11  }
0xce: {  	s11 =	sshra.s32 s10, $0x2;
	s18 =	sadd.s32 $0x4070, s9;
	s19 =	sadd.s32 $0xB870, s9;
	[tilespmem:s9+$0x40D0] =	vst v2  }
0xcf: {  	[tilespmem:s9+$0x40E0] =	vst v1;
	[spmem:s5] =	stream.indirect.scatter.add.f32 [tilespmem:s18], [sflag:$0x2], $0x1, s19, s26, $0xb8  }
0xd0: {  	s9 =	smov.u32 s11;
	v10 =	vld [tilespmem:s11+$0x18070]  }
0xd1: {  	v11 =	vld [tilespmem:s9+$0x13070]  }
0xd2: {  	v12 =	vld [tilespmem:s9+$0x13080]  }
0xd3: {  	v14 =	vld [tilespmem:s9+$0x18080]  }
0xd4: {  	v2 =	vld [tilespmem:s9+$0x13090]  }
0xd5: {  	v7 =	vld [tilespmem:s9+$0x18090]  }
0xd6: {  	v1 =	vld [tilespmem:s9+$0x130A0]  }
0xd7: {  	v5 =	vld [tilespmem:s9+$0x180A0]  }
0xd8: {  	v3 =	vld [tilespmem:s9+$0x130B0]  }
0xd9: {  	v8 =	vld [tilespmem:s9+$0x180B0]  }
.Ltmp11:
0xda: {  	v4 =	vld [tilespmem:s9+$0x130C0];
	(pc) =	sbr.rel @p0 .LBB2_16-.Ltmp11, $4  }
0xdb: {  	v9 =	vld [tilespmem:s9+$0x180C0]  }
0xdc: {  	v6 =	vld [tilespmem:s9+$0x130D0]  }
0xdd: {  	v13 =	vmul.f32 v10, v11;
	v10 =	vld [tilespmem:s9+$0x180D0]  }
0xde: {  	s10 =	sadd.s32 $0x200, s10;
	v12 =	vmul.f32 v14, v12;
	v11 =	vld [tilespmem:s9+$0x130E0]  }
0xdf: {  	[tilespmem:s9+$0x4070] =	vst v13;
	v2 =	vmul.f32 v7, v2;
	v63 =	vld [tilespmem:s9+$0x180E0]  }
0xe0: {  	v1 =	vmul.f32 v5, v1;
	[tilespmem:s9+$0x4080] =	vst v12  }
0xe1: {  	[tilespmem:s9+$0x4090] =	vst v2;
	v2 =	vmul.f32 v8, v3  }
0xe2: {  	[tilespmem:s9+$0x40A0] =	vst v1;
	v1 =	vmul.f32 v9, v4  }
0xe3: {  	[tilespmem:s9+$0x40B0] =	vst v2;
	v2 =	vmul.f32 v10, v6  }
0xe4: {  	[tilespmem:s9+$0x40C0] =	vst v1;
	v1 =	vmul.f32 v63, v11  }
0xe5: {  	[tilespmem:s9+$0x40D0] =	vst v2  }
0xe6: {  	s10 =	sadd.s32 $0x4070, s9;
	s11 =	sadd.s32 $0xB870, s9;
	s21 =	smul.u32 $0x500, s21;
	[tilespmem:s9+$0x40E0] =	vst v1  }
0xe7: {  	[spmem:s5] =	stream.indirect.scatter.add.f32 [tilespmem:s10], [sflag:$0x2], $0x1, s11, s26, $0xb8;
	[tilespmem:$0x1A870] =	vst v63  }
0xe8: {  	s9 =	sadd.s32 s4, s21  }
0xe9: {  	[hbm4b:s9+s6] =	stream.linear.scatter [tilespmem:s28], [sflag:$0x3], $0x2800, $0x38;
	[tilespmem:$0x1A870] =	vst v63  }
.LBB2_18:
0xea: {  	s9 =	simm.s32 @!p1 $0x1  }
0xeb: {  	_ =	swait.ge @!p1 [sflag:s9], $0x2800  }
0xec: {  	[sflag:s9] =	ssyncset.done @!p1 $0x0  }
0xed: {  	[sflag:s9] =	ssyncadd.s32 @!p1 $0xFFFFD800  }
0xee: {  	_ =	swait.ge @!p1 [sflag:s9], $0x2800  }
0xef: {  	[sflag:s9] =	ssyncset.done @!p1 $0x0  }
0xf0: {  	[sflag:s9] =	ssyncadd.s32 @!p1 $0xFFFFD800  }
0xf1: {  	_ =	swait.ge @!p1 [sflag:s9], $0x2800  }
0xf2: {  	[sflag:s9] =	ssyncset.done @!p1 $0x0  }
0xf3: {  	[sflag:s9] =	ssyncadd.s32 @!p1 $0xFFFFD800  }
0xf4: {  	_ =	swait.ge [sflag:s29], $0x80  }
0xf5: {  	s21 =	sadd.s32 s14, s20;
	s9 =	simm.s32 $0x4F;
	[sflag:s29] =	ssyncset.done $0x0  }
.LBB2_19:
0xf6: {  	p0 =	sne.s32 s9, $0x1;
	s9 =	sadd.s32 $0xFFFFFFFF, s9;
	[sflag:s29] =	ssyncadd.s32 $0xFFFFFF80  }
.Ltmp12:
0xf7: {  	(pc) =	sbr.rel @p0 .LBB2_19-.Ltmp12, $3  }
0xf8: {  	_ =	sdelay $0x1  }
0xf9: {  	_ =	swait.ge [sflag:s29], $0x80  }
0xfa: {  	[sflag:s29] =	ssyncset.done $0x0  }
0xfb: {  	[sflag:s29] =	ssyncadd.s32 $0xFFFFFF80;
	p0 =	sgt.u32 s21, $0x270  }
0xfc: {  	_ =	swait.ge [sflag:s30], $0x2800;
	s9 =	smul.u32 @!p0 $0x500, s21  }
0xfd: {  	s11 =	simm.s32 @!p0 $0x0;
	[sflag:s30] =	ssyncset.done $0x0  }
0xfe: {  	s18 =	simm.s32 @!p0 $0x9070;
	[sflag:s30] =	ssyncadd.s32 $0xFFFFD800;
	s10 =	sadd.s32 @!p0 s8, s9  }
0xff: {  	[tilespmem:s18], [sflag:$0x1] =	stream.linear.gather @!p0 [hbm4b:s10+s11], $0x2800, $0x38;
	[tilespmem:$0x1A870] =	vst v63  }
.Ltmp13:
0x100: {  	_ = 	snop;
	(pc) =	sbr.rel @p1 .LBB2_24-.Ltmp13, $4  }
0x101: {  	s10 =	sadd.s32 @!p0 s1, s9;
	s18 =	simm.s32 @!p0 $0x13070  }
0x102: {  	[tilespmem:s18], [sflag:$0x1] =	stream.linear.gather @!p0 [hbm4b:s10+s11], $0x2800, $0x38;
	[tilespmem:$0x1A870] =	vst v63  }
0x103: {  	s9 =	sadd.s32 @!p0 s2, s9;
	s10 =	simm.s32 @!p0 $0x18070  }
0x104: {  	[tilespmem:s10], [sflag:$0x1] =	stream.linear.gather @!p0 [hbm4b:s9+s11], $0x2800, $0x38;
	[tilespmem:$0x1A870] =	vst v63  }
0x105: {  	s9 =	simm.s32 $0x0  }
0x106: {  	v11 =	vld [tilespmem:s9+$0x15870]  }
0x107: {  	v12 =	vld [tilespmem:s9+$0x10870]  }
0x108: {  	v14 =	vld [tilespmem:s9+$0x10880]  }
0x109: {  	v15 =	vld [tilespmem:s9+$0x15880]  }
0x10a: {  	v2 =	vld [tilespmem:s9+$0x10890]  }
0x10b: {  	v7 =	vld [tilespmem:s9+$0x15890]  }
0x10c: {  	v1 =	vld [tilespmem:s9+$0x108A0]  }
0x10d: {  	v5 =	vld [tilespmem:s9+$0x158A0]  }
0x10e: {  	v3 =	vld [tilespmem:s9+$0x108B0]  }
0x10f: {  	v8 =	vld [tilespmem:s9+$0x158B0]  }
0x110: {  	v4 =	vld [tilespmem:s9+$0x108C0]  }
0x111: {  	v9 =	vld [tilespmem:s9+$0x158C0]  }
0x112: {  	v6 =	vld [tilespmem:s9+$0x108D0]  }
0x113: {  	v10 =	vld [tilespmem:s9+$0x158D0];
	v13 =	vmul.f32 v11, v12  }
0x114: {  	s10 =	simm.s32 $0x200;
	v12 =	vmul.f32 v15, v14;
	v11 =	vld [tilespmem:s9+$0x108E0]  }
.LBB2_22:
0x115: {  	p3 =	sne.s32 s10, $0x9E00;
	[tilespmem:s9+$0x6870] =	vst v13;
	v2 =	vmul.f32 v7, v2;
	v7 =	vld [tilespmem:s9+$0x158E0]  }
0x116: {  	v1 =	vmul.f32 v5, v1;
	[tilespmem:s9+$0x6880] =	vst v12  }
0x117: {  	[tilespmem:s9+$0x6890] =	vst v2;
	v2 =	vmul.f32 v8, v3  }
0x118: {  	[tilespmem:s9+$0x68A0] =	vst v1;
	v1 =	vmul.f32 v9, v4  }
0x119: {  	[tilespmem:s9+$0x68B0] =	vst v2;
	v2 =	vmul.f32 v10, v6  }
0x11a: {  	[tilespmem:s9+$0x68C0] =	vst v1;
	v1 =	vmul.f32 v7, v11  }
0x11b: {  	s11 =	sshra.s32 s10, $0x2;
	s18 =	sadd.s32 $0x6870, s9;
	s19 =	sadd.s32 $0xE070, s9;
	[tilespmem:s9+$0x68D0] =	vst v2  }
0x11c: {  	[tilespmem:s9+$0x68E0] =	vst v1;
	[spmem:s5] =	stream.indirect.scatter.add.f32 [tilespmem:s18], [sflag:$0x2], $0x1, s19, s26, $0xb8  }
0x11d: {  	s9 =	smov.u32 s11;
	v10 =	vld [tilespmem:s11+$0x15870]  }
0x11e: {  	v11 =	vld [tilespmem:s9+$0x10870]  }
0x11f: {  	v12 =	vld [tilespmem:s9+$0x10880]  }
0x120: {  	v14 =	vld [tilespmem:s9+$0x15880]  }
0x121: {  	v2 =	vld [tilespmem:s9+$0x10890]  }
0x122: {  	v7 =	vld [tilespmem:s9+$0x15890]  }
0x123: {  	v1 =	vld [tilespmem:s9+$0x108A0]  }
0x124: {  	v5 =	vld [tilespmem:s9+$0x158A0]  }
0x125: {  	v3 =	vld [tilespmem:s9+$0x108B0]  }
0x126: {  	v8 =	vld [tilespmem:s9+$0x158B0]  }
.Ltmp14:
0x127: {  	v4 =	vld [tilespmem:s9+$0x108C0];
	(pc) =	sbr.rel @p3 .LBB2_22-.Ltmp14, $4  }
0x128: {  	v9 =	vld [tilespmem:s9+$0x158C0]  }
0x129: {  	v6 =	vld [tilespmem:s9+$0x108D0]  }
0x12a: {  	v13 =	vmul.f32 v10, v11;
	v10 =	vld [tilespmem:s9+$0x158D0]  }
0x12b: {  	s10 =	sadd.s32 $0x200, s10;
	v12 =	vmul.f32 v14, v12;
	v11 =	vld [tilespmem:s9+$0x108E0]  }
0x12c: {  	[tilespmem:s9+$0x6870] =	vst v13;
	v2 =	vmul.f32 v7, v2;
	v63 =	vld [tilespmem:s9+$0x158E0]  }
0x12d: {  	v1 =	vmul.f32 v5, v1;
	[tilespmem:s9+$0x6880] =	vst v12  }
0x12e: {  	[tilespmem:s9+$0x6890] =	vst v2;
	v2 =	vmul.f32 v8, v3  }
0x12f: {  	[tilespmem:s9+$0x68A0] =	vst v1;
	v1 =	vmul.f32 v9, v4  }
0x130: {  	[tilespmem:s9+$0x68B0] =	vst v2;
	v2 =	vmul.f32 v10, v6  }
0x131: {  	[tilespmem:s9+$0x68C0] =	vst v1;
	v1 =	vmul.f32 v63, v11  }
0x132: {  	[tilespmem:s9+$0x68D0] =	vst v2  }
0x133: {  	s10 =	sadd.s32 $0x6870, s9;
	s11 =	sadd.s32 $0xE070, s9;
	s22 =	smul.u32 $0x500, s22;
	[tilespmem:s9+$0x68E0] =	vst v1  }
0x134: {  	[spmem:s5] =	stream.indirect.scatter.add.f32 [tilespmem:s10], [sflag:$0x2], $0x1, s11, s26, $0xb8;
	[tilespmem:$0x1A870] =	vst v63  }
0x135: {  	s9 =	sadd.s32 s4, s22  }
0x136: {  	[hbm4b:s9+s6] =	stream.linear.scatter [tilespmem:s31], [sflag:$0x3], $0x2800, $0x38;
	[tilespmem:$0x1A870] =	vst v63  }
.LBB2_24:
0x137: {  	s9 =	simm.s32 @!p0 $0x1  }
0x138: {  	_ =	swait.ge @!p0 [sflag:s9], $0x2800  }
0x139: {  	[sflag:s9] =	ssyncset.done @!p0 $0x0  }
0x13a: {  	[sflag:s9] =	ssyncadd.s32 @!p0 $0xFFFFD800  }
0x13b: {  	_ =	swait.ge @!p0 [sflag:s9], $0x2800  }
.Ltmp15:
0x13c: {  	[sflag:s9] =	ssyncset.done @!p0 $0x0;
	(pc) =	sbr.rel @p2 .LBB2_28-.Ltmp15, $4  }
0x13d: {  	[sflag:s9] =	ssyncadd.s32 @!p0 $0xFFFFD800  }
0x13e: {  	_ =	swait.ge @!p0 [sflag:s9], $0x2800  }
0x13f: {  	[sflag:s9] =	ssyncset.done @!p0 $0x0  }
0x140: {  	[sflag:s9] =	ssyncadd.s32 @!p0 $0xFFFFD800;
	s9 =	simm.s32 $0x50  }
0x141: {  	_ =	swait.ge [sflag:s29], $0x80  }
0x142: {  	s9 =	sadd.s32 $0xFFFFFFFF, s9;
	[sflag:s29] =	ssyncset.done $0x0  }
.LBB2_26:
0x143: {  	p2 =	sne.s32 s9, $0x1;
	s9 =	sadd.s32 $0xFFFFFFFF, s9;
	[sflag:s29] =	ssyncadd.s32 $0xFFFFFF80  }
.Ltmp16:
0x144: {  	(pc) =	sbr.rel @p2 .LBB2_26-.Ltmp16, $3  }
0x145: {  	_ =	sdelay $0x1  }
0x146: {  	_ =	swait.ge [sflag:s29], $0x80  }
0x147: {  	[sflag:s29] =	ssyncset.done $0x0  }
0x148: {  	[sflag:s29] =	ssyncadd.s32 $0xFFFFFF80  }
0x149: {  	_ =	swait.ge [sflag:s30], $0x2800  }
0x14a: {  	[sflag:s30] =	ssyncset.done $0x0  }
0x14b: {  	[sflag:s30] =	ssyncadd.s32 $0xFFFFD800  }
.LBB2_28:
0x14c: {  	s22 =	sadd.s32 s15, s20  }
0x14d: {  	p2 =	sgt.u32 s22, $0x270  }
0x14e: {  	s9 =	smul.u32 @!p2 $0x500, s22;
	_ =	sdelay $0x1  }
0x14f: {  	s11 =	simm.s32 @!p2 $0x0;
	s18 =	simm.s32 @!p2 $0xB870;
	s10 =	sadd.s32 @!p2 s8, s9  }
0x150: {  	[tilespmem:s18], [sflag:$0x1] =	stream.linear.gather @!p2 [hbm4b:s10+s11], $0x2800, $0x38;
	[tilespmem:$0x1A870] =	vst v63  }
.Ltmp17:
0x151: {  	_ = 	snop;
	(pc) =	sbr.rel @p0 .LBB2_32-.Ltmp17, $4  }
0x152: {  	s10 =	sadd.s32 @!p2 s1, s9;
	s18 =	simm.s32 @!p2 $0x10870  }
0x153: {  	[tilespmem:s18], [sflag:$0x1] =	stream.linear.gather @!p2 [hbm4b:s10+s11], $0x2800, $0x38;
	[tilespmem:$0x1A870] =	vst v63  }
0x154: {  	s9 =	sadd.s32 @!p2 s2, s9;
	s10 =	simm.s32 @!p2 $0x15870  }
0x155: {  	[tilespmem:s10], [sflag:$0x1] =	stream.linear.gather @!p2 [hbm4b:s9+s11], $0x2800, $0x38;
	[tilespmem:$0x1A870] =	vst v63  }
0x156: {  	s9 =	simm.s32 $0x0  }
0x157: {  	v11 =	vld [tilespmem:s9+$0x18070]  }
0x158: {  	v12 =	vld [tilespmem:s9+$0x13070]  }
0x159: {  	v14 =	vld [tilespmem:s9+$0x13080]  }
0x15a: {  	v15 =	vld [tilespmem:s9+$0x18080]  }
0x15b: {  	v2 =	vld [tilespmem:s9+$0x13090]  }
0x15c: {  	v7 =	vld [tilespmem:s9+$0x18090]  }
0x15d: {  	v1 =	vld [tilespmem:s9+$0x130A0]  }
0x15e: {  	v5 =	vld [tilespmem:s9+$0x180A0]  }
0x15f: {  	v3 =	vld [tilespmem:s9+$0x130B0]  }
0x160: {  	v8 =	vld [tilespmem:s9+$0x180B0]  }
0x161: {  	v4 =	vld [tilespmem:s9+$0x130C0]  }
0x162: {  	v9 =	vld [tilespmem:s9+$0x180C0]  }
0x163: {  	v6 =	vld [tilespmem:s9+$0x130D0]  }
0x164: {  	v10 =	vld [tilespmem:s9+$0x180D0];
	v13 =	vmul.f32 v11, v12  }
0x165: {  	s10 =	simm.s32 $0x200;
	v12 =	vmul.f32 v15, v14;
	v11 =	vld [tilespmem:s9+$0x130E0]  }
.LBB2_30:
0x166: {  	p3 =	sne.s32 s10, $0x9E00;
	[tilespmem:s9+$0x1870] =	vst v13;
	v2 =	vmul.f32 v7, v2;
	v7 =	vld [tilespmem:s9+$0x180E0]  }
0x167: {  	v1 =	vmul.f32 v5, v1;
	[tilespmem:s9+$0x1880] =	vst v12  }
0x168: {  	[tilespmem:s9+$0x1890] =	vst v2;
	v2 =	vmul.f32 v8, v3  }
0x169: {  	[tilespmem:s9+$0x18A0] =	vst v1;
	v1 =	vmul.f32 v9, v4  }
0x16a: {  	[tilespmem:s9+$0x18B0] =	vst v2;
	v2 =	vmul.f32 v10, v6  }
0x16b: {  	[tilespmem:s9+$0x18C0] =	vst v1;
	v1 =	vmul.f32 v7, v11  }
0x16c: {  	s11 =	sshra.s32 s10, $0x2;
	s18 =	sadd.s32 $0x1870, s9;
	s19 =	sadd.s32 $0x9070, s9;
	[tilespmem:s9+$0x18D0] =	vst v2  }
0x16d: {  	[tilespmem:s9+$0x18E0] =	vst v1;
	[spmem:s5] =	stream.indirect.scatter.add.f32 [tilespmem:s18], [sflag:$0x2], $0x1, s19, s26, $0xb8  }
0x16e: {  	s9 =	smov.u32 s11;
	v10 =	vld [tilespmem:s11+$0x18070]  }
0x16f: {  	v11 =	vld [tilespmem:s9+$0x13070]  }
0x170: {  	v12 =	vld [tilespmem:s9+$0x13080]  }
0x171: {  	v14 =	vld [tilespmem:s9+$0x18080]  }
0x172: {  	v2 =	vld [tilespmem:s9+$0x13090]  }
0x173: {  	v7 =	vld [tilespmem:s9+$0x18090]  }
0x174: {  	v1 =	vld [tilespmem:s9+$0x130A0]  }
0x175: {  	v5 =	vld [tilespmem:s9+$0x180A0]  }
0x176: {  	v3 =	vld [tilespmem:s9+$0x130B0]  }
0x177: {  	v8 =	vld [tilespmem:s9+$0x180B0]  }
.Ltmp18:
0x178: {  	v4 =	vld [tilespmem:s9+$0x130C0];
	(pc) =	sbr.rel @p3 .LBB2_30-.Ltmp18, $4  }
0x179: {  	v9 =	vld [tilespmem:s9+$0x180C0]  }
0x17a: {  	v6 =	vld [tilespmem:s9+$0x130D0]  }
0x17b: {  	v13 =	vmul.f32 v10, v11;
	v10 =	vld [tilespmem:s9+$0x180D0]  }
0x17c: {  	s10 =	sadd.s32 $0x200, s10;
	v12 =	vmul.f32 v14, v12;
	v11 =	vld [tilespmem:s9+$0x130E0]  }
0x17d: {  	[tilespmem:s9+$0x1870] =	vst v13;
	v2 =	vmul.f32 v7, v2;
	v63 =	vld [tilespmem:s9+$0x180E0]  }
0x17e: {  	v1 =	vmul.f32 v5, v1;
	[tilespmem:s9+$0x1880] =	vst v12  }
0x17f: {  	[tilespmem:s9+$0x1890] =	vst v2;
	v2 =	vmul.f32 v8, v3  }
0x180: {  	[tilespmem:s9+$0x18A0] =	vst v1;
	v1 =	vmul.f32 v9, v4  }
0x181: {  	[tilespmem:s9+$0x18B0] =	vst v2;
	v2 =	vmul.f32 v10, v6  }
0x182: {  	[tilespmem:s9+$0x18C0] =	vst v1;
	v1 =	vmul.f32 v63, v11  }
0x183: {  	[tilespmem:s9+$0x18D0] =	vst v2  }
0x184: {  	s10 =	sadd.s32 $0x1870, s9;
	s11 =	sadd.s32 $0x9070, s9;
	s21 =	smul.u32 $0x500, s21;
	[tilespmem:s9+$0x18E0] =	vst v1  }
0x185: {  	[spmem:s5] =	stream.indirect.scatter.add.f32 [tilespmem:s10], [sflag:$0x2], $0x1, s11, s26, $0xb8;
	[tilespmem:$0x1A870] =	vst v63  }
0x186: {  	s9 =	sadd.s32 s4, s21  }
0x187: {  	[hbm4b:s9+s6] =	stream.linear.scatter [tilespmem:s23], [sflag:$0x3], $0x2800, $0x38;
	[tilespmem:$0x1A870] =	vst v63  }
.LBB2_32:
0x188: {  	s9 =	simm.s32 @!p2 $0x1  }
0x189: {  	_ =	swait.ge @!p2 [sflag:s9], $0x2800  }
0x18a: {  	[sflag:s9] =	ssyncset.done @!p2 $0x0  }
0x18b: {  	[sflag:s9] =	ssyncadd.s32 @!p2 $0xFFFFD800  }
0x18c: {  	_ =	swait.ge @!p2 [sflag:s9], $0x2800  }
.Ltmp19:
0x18d: {  	[sflag:s9] =	ssyncset.done @!p2 $0x0;
	(pc) =	sbr.rel @p1 .LBB2_36-.Ltmp19, $4  }
0x18e: {  	[sflag:s9] =	ssyncadd.s32 @!p2 $0xFFFFD800  }
0x18f: {  	_ =	swait.ge @!p2 [sflag:s9], $0x2800  }
0x190: {  	[sflag:s9] =	ssyncset.done @!p2 $0x0  }
0x191: {  	[sflag:s9] =	ssyncadd.s32 @!p2 $0xFFFFD800;
	s9 =	simm.s32 $0x50  }
0x192: {  	_ =	swait.ge [sflag:s29], $0x80  }
0x193: {  	s9 =	sadd.s32 $0xFFFFFFFF, s9;
	[sflag:s29] =	ssyncset.done $0x0  }
.LBB2_34:
0x194: {  	p1 =	sne.s32 s9, $0x1;
	s9 =	sadd.s32 $0xFFFFFFFF, s9;
	[sflag:s29] =	ssyncadd.s32 $0xFFFFFF80  }
.Ltmp20:
0x195: {  	(pc) =	sbr.rel @p1 .LBB2_34-.Ltmp20, $3  }
0x196: {  	_ =	sdelay $0x1  }
0x197: {  	_ =	swait.ge [sflag:s29], $0x80  }
0x198: {  	[sflag:s29] =	ssyncset.done $0x0  }
0x199: {  	[sflag:s29] =	ssyncadd.s32 $0xFFFFFF80  }
0x19a: {  	_ =	swait.ge [sflag:s30], $0x2800  }
0x19b: {  	[sflag:s30] =	ssyncset.done $0x0  }
0x19c: {  	[sflag:s30] =	ssyncadd.s32 $0xFFFFD800  }
.LBB2_36:
0x19d: {  	s21 =	sadd.s32 s16, s20  }
0x19e: {  	p1 =	sgt.u32 s21, $0x270  }
0x19f: {  	s9 =	smul.u32 @!p1 $0x500, s21;
	_ =	sdelay $0x1  }
0x1a0: {  	s11 =	simm.s32 @!p1 $0x0;
	s18 =	simm.s32 @!p1 $0xE070;
	s10 =	sadd.s32 @!p1 s8, s9  }
0x1a1: {  	[tilespmem:s18], [sflag:$0x1] =	stream.linear.gather @!p1 [hbm4b:s10+s11], $0x2800, $0x38;
	[tilespmem:$0x1A870] =	vst v63  }
.Ltmp21:
0x1a2: {  	_ = 	snop;
	(pc) =	sbr.rel @p2 .LBB2_40-.Ltmp21, $4  }
0x1a3: {  	s10 =	sadd.s32 @!p1 s1, s9;
	s18 =	simm.s32 @!p1 $0x13070  }
0x1a4: {  	[tilespmem:s18], [sflag:$0x1] =	stream.linear.gather @!p1 [hbm4b:s10+s11], $0x2800, $0x38;
	[tilespmem:$0x1A870] =	vst v63  }
0x1a5: {  	s9 =	sadd.s32 @!p1 s2, s9;
	s10 =	simm.s32 @!p1 $0x18070  }
0x1a6: {  	[tilespmem:s10], [sflag:$0x1] =	stream.linear.gather @!p1 [hbm4b:s9+s11], $0x2800, $0x38;
	[tilespmem:$0x1A870] =	vst v63  }
0x1a7: {  	s9 =	simm.s32 $0x0  }
0x1a8: {  	v11 =	vld [tilespmem:s9+$0x15870]  }
0x1a9: {  	v12 =	vld [tilespmem:s9+$0x10870]  }
0x1aa: {  	v14 =	vld [tilespmem:s9+$0x10880]  }
0x1ab: {  	v15 =	vld [tilespmem:s9+$0x15880]  }
0x1ac: {  	v2 =	vld [tilespmem:s9+$0x10890]  }
0x1ad: {  	v7 =	vld [tilespmem:s9+$0x15890]  }
0x1ae: {  	v1 =	vld [tilespmem:s9+$0x108A0]  }
0x1af: {  	v5 =	vld [tilespmem:s9+$0x158A0]  }
0x1b0: {  	v3 =	vld [tilespmem:s9+$0x108B0]  }
0x1b1: {  	v8 =	vld [tilespmem:s9+$0x158B0]  }
0x1b2: {  	v4 =	vld [tilespmem:s9+$0x108C0]  }
0x1b3: {  	v9 =	vld [tilespmem:s9+$0x158C0]  }
0x1b4: {  	v6 =	vld [tilespmem:s9+$0x108D0]  }
0x1b5: {  	v10 =	vld [tilespmem:s9+$0x158D0];
	v13 =	vmul.f32 v11, v12  }
0x1b6: {  	s10 =	simm.s32 $0x200;
	v12 =	vmul.f32 v15, v14;
	v11 =	vld [tilespmem:s9+$0x108E0]  }
.LBB2_38:
0x1b7: {  	p2 =	sne.s32 s10, $0x9E00;
	[tilespmem:s9+$0x4070] =	vst v13;
	v2 =	vmul.f32 v7, v2;
	v7 =	vld [tilespmem:s9+$0x158E0]  }
0x1b8: {  	v1 =	vmul.f32 v5, v1;
	[tilespmem:s9+$0x4080] =	vst v12  }
0x1b9: {  	[tilespmem:s9+$0x4090] =	vst v2;
	v2 =	vmul.f32 v8, v3  }
0x1ba: {  	[tilespmem:s9+$0x40A0] =	vst v1;
	v1 =	vmul.f32 v9, v4  }
0x1bb: {  	[tilespmem:s9+$0x40B0] =	vst v2;
	v2 =	vmul.f32 v10, v6  }
0x1bc: {  	[tilespmem:s9+$0x40C0] =	vst v1;
	v1 =	vmul.f32 v7, v11  }
0x1bd: {  	s11 =	sshra.s32 s10, $0x2;
	s18 =	sadd.s32 $0x4070, s9;
	s19 =	sadd.s32 $0xB870, s9;
	[tilespmem:s9+$0x40D0] =	vst v2  }
0x1be: {  	[tilespmem:s9+$0x40E0] =	vst v1;
	[spmem:s5] =	stream.indirect.scatter.add.f32 [tilespmem:s18], [sflag:$0x2], $0x1, s19, s26, $0xb8  }
0x1bf: {  	s9 =	smov.u32 s11;
	v10 =	vld [tilespmem:s11+$0x15870]  }
0x1c0: {  	v11 =	vld [tilespmem:s9+$0x10870]  }
0x1c1: {  	v12 =	vld [tilespmem:s9+$0x10880]  }
0x1c2: {  	v14 =	vld [tilespmem:s9+$0x15880]  }
0x1c3: {  	v2 =	vld [tilespmem:s9+$0x10890]  }
0x1c4: {  	v7 =	vld [tilespmem:s9+$0x15890]  }
0x1c5: {  	v1 =	vld [tilespmem:s9+$0x108A0]  }
0x1c6: {  	v5 =	vld [tilespmem:s9+$0x158A0]  }
0x1c7: {  	v3 =	vld [tilespmem:s9+$0x108B0]  }
0x1c8: {  	v8 =	vld [tilespmem:s9+$0x158B0]  }
.Ltmp22:
0x1c9: {  	v4 =	vld [tilespmem:s9+$0x108C0];
	(pc) =	sbr.rel @p2 .LBB2_38-.Ltmp22, $4  }
0x1ca: {  	v9 =	vld [tilespmem:s9+$0x158C0]  }
0x1cb: {  	v6 =	vld [tilespmem:s9+$0x108D0]  }
0x1cc: {  	v13 =	vmul.f32 v10, v11;
	v10 =	vld [tilespmem:s9+$0x158D0]  }
0x1cd: {  	s10 =	sadd.s32 $0x200, s10;
	v12 =	vmul.f32 v14, v12;
	v11 =	vld [tilespmem:s9+$0x108E0]  }
0x1ce: {  	[tilespmem:s9+$0x4070] =	vst v13;
	v2 =	vmul.f32 v7, v2;
	v63 =	vld [tilespmem:s9+$0x158E0]  }
0x1cf: {  	v1 =	vmul.f32 v5, v1;
	[tilespmem:s9+$0x4080] =	vst v12  }
0x1d0: {  	[tilespmem:s9+$0x4090] =	vst v2;
	v2 =	vmul.f32 v8, v3  }
0x1d1: {  	[tilespmem:s9+$0x40A0] =	vst v1;
	v1 =	vmul.f32 v9, v4  }
0x1d2: {  	[tilespmem:s9+$0x40B0] =	vst v2;
	v2 =	vmul.f32 v10, v6  }
0x1d3: {  	[tilespmem:s9+$0x40C0] =	vst v1;
	v1 =	vmul.f32 v63, v11  }
0x1d4: {  	[tilespmem:s9+$0x40D0] =	vst v2  }
0x1d5: {  	s10 =	sadd.s32 $0x4070, s9;
	s11 =	sadd.s32 $0xB870, s9;
	s22 =	smul.u32 $0x500, s22;
	[tilespmem:s9+$0x40E0] =	vst v1  }
0x1d6: {  	[spmem:s5] =	stream.indirect.scatter.add.f32 [tilespmem:s10], [sflag:$0x2], $0x1, s11, s26, $0xb8;
	[tilespmem:$0x1A870] =	vst v63  }
0x1d7: {  	s9 =	sadd.s32 s4, s22  }
0x1d8: {  	[hbm4b:s9+s6] =	stream.linear.scatter [tilespmem:s28], [sflag:$0x3], $0x2800, $0x38;
	[tilespmem:$0x1A870] =	vst v63  }
.LBB2_40:
0x1d9: {  	s9 =	simm.s32 @!p1 $0x1  }
0x1da: {  	_ =	swait.ge @!p1 [sflag:s9], $0x2800  }
0x1db: {  	[sflag:s9] =	ssyncset.done @!p1 $0x0  }
0x1dc: {  	[sflag:s9] =	ssyncadd.s32 @!p1 $0xFFFFD800  }
0x1dd: {  	_ =	swait.ge @!p1 [sflag:s9], $0x2800  }
.Ltmp23:
0x1de: {  	[sflag:s9] =	ssyncset.done @!p1 $0x0;
	(pc) =	sbr.rel @p0 .LBB2_44-.Ltmp23, $4  }
0x1df: {  	[sflag:s9] =	ssyncadd.s32 @!p1 $0xFFFFD800  }
0x1e0: {  	_ =	swait.ge @!p1 [sflag:s9], $0x2800  }
0x1e1: {  	[sflag:s9] =	ssyncset.done @!p1 $0x0  }
0x1e2: {  	[sflag:s9] =	ssyncadd.s32 @!p1 $0xFFFFD800;
	s9 =	simm.s32 $0x50  }
0x1e3: {  	_ =	swait.ge [sflag:s29], $0x80  }
0x1e4: {  	s9 =	sadd.s32 $0xFFFFFFFF, s9;
	[sflag:s29] =	ssyncset.done $0x0  }
.LBB2_42:
0x1e5: {  	p0 =	sne.s32 s9, $0x1;
	s9 =	sadd.s32 $0xFFFFFFFF, s9;
	[sflag:s29] =	ssyncadd.s32 $0xFFFFFF80  }
.Ltmp24:
0x1e6: {  	(pc) =	sbr.rel @p0 .LBB2_42-.Ltmp24, $3  }
0x1e7: {  	_ =	sdelay $0x1  }
0x1e8: {  	_ =	swait.ge [sflag:s29], $0x80  }
0x1e9: {  	[sflag:s29] =	ssyncset.done $0x0  }
0x1ea: {  	[sflag:s29] =	ssyncadd.s32 $0xFFFFFF80  }
0x1eb: {  	_ =	swait.ge [sflag:s30], $0x2800  }
0x1ec: {  	[sflag:s30] =	ssyncset.done $0x0  }
0x1ed: {  	[sflag:s30] =	ssyncadd.s32 $0xFFFFD800  }
.LBB2_44:
0x1ee: {  	s9 =	sadd.s32 s17, s20  }
0x1ef: {  	p0 =	sgt.u32 s9, $0x270  }
0x1f0: {  	s9 =	smul.u32 @!p0 $0x500, s9;
	_ =	sdelay $0x1  }
0x1f1: {  	s11 =	simm.s32 @!p0 $0x0;
	s18 =	simm.s32 @!p0 $0x9070;
	s10 =	sadd.s32 @!p0 s8, s9  }
0x1f2: {  	[tilespmem:s18], [sflag:$0x1] =	stream.linear.gather @!p0 [hbm4b:s10+s11], $0x2800, $0x38;
	[tilespmem:$0x1A870] =	vst v63  }
.Ltmp25:
0x1f3: {  	_ = 	snop;
	(pc) =	sbr.rel @p1 .LBB2_48-.Ltmp25, $4  }
0x1f4: {  	s10 =	sadd.s32 @!p0 s1, s9;
	s18 =	simm.s32 @!p0 $0x10870  }
0x1f5: {  	[tilespmem:s18], [sflag:$0x1] =	stream.linear.gather @!p0 [hbm4b:s10+s11], $0x2800, $0x38;
	[tilespmem:$0x1A870] =	vst v63  }
0x1f6: {  	s9 =	sadd.s32 @!p0 s2, s9;
	s10 =	simm.s32 @!p0 $0x15870  }
0x1f7: {  	[tilespmem:s10], [sflag:$0x1] =	stream.linear.gather @!p0 [hbm4b:s9+s11], $0x2800, $0x38;
	[tilespmem:$0x1A870] =	vst v63  }
0x1f8: {  	s9 =	simm.s32 $0x0  }
0x1f9: {  	v11 =	vld [tilespmem:s9+$0x18070]  }
0x1fa: {  	v12 =	vld [tilespmem:s9+$0x13070]  }
0x1fb: {  	v14 =	vld [tilespmem:s9+$0x13080]  }
0x1fc: {  	v15 =	vld [tilespmem:s9+$0x18080]  }
0x1fd: {  	v2 =	vld [tilespmem:s9+$0x13090]  }
0x1fe: {  	v7 =	vld [tilespmem:s9+$0x18090]  }
0x1ff: {  	v1 =	vld [tilespmem:s9+$0x130A0]  }
0x200: {  	v5 =	vld [tilespmem:s9+$0x180A0]  }
0x201: {  	v3 =	vld [tilespmem:s9+$0x130B0]  }
0x202: {  	v8 =	vld [tilespmem:s9+$0x180B0]  }
0x203: {  	v4 =	vld [tilespmem:s9+$0x130C0]  }
0x204: {  	v9 =	vld [tilespmem:s9+$0x180C0]  }
0x205: {  	v6 =	vld [tilespmem:s9+$0x130D0]  }
0x206: {  	v10 =	vld [tilespmem:s9+$0x180D0];
	v13 =	vmul.f32 v11, v12  }
0x207: {  	s10 =	simm.s32 $0x200;
	v12 =	vmul.f32 v15, v14;
	v11 =	vld [tilespmem:s9+$0x130E0]  }
.LBB2_46:
0x208: {  	p0 =	sne.s32 s10, $0x9E00;
	[tilespmem:s9+$0x6870] =	vst v13;
	v2 =	vmul.f32 v7, v2;
	v7 =	vld [tilespmem:s9+$0x180E0]  }
0x209: {  	v1 =	vmul.f32 v5, v1;
	[tilespmem:s9+$0x6880] =	vst v12  }
0x20a: {  	[tilespmem:s9+$0x6890] =	vst v2;
	v2 =	vmul.f32 v8, v3  }
0x20b: {  	[tilespmem:s9+$0x68A0] =	vst v1;
	v1 =	vmul.f32 v9, v4  }
0x20c: {  	[tilespmem:s9+$0x68B0] =	vst v2;
	v2 =	vmul.f32 v10, v6  }
0x20d: {  	[tilespmem:s9+$0x68C0] =	vst v1;
	v1 =	vmul.f32 v7, v11  }
0x20e: {  	s11 =	sshra.s32 s10, $0x2;
	s18 =	sadd.s32 $0x6870, s9;
	s19 =	sadd.s32 $0xE070, s9;
	[tilespmem:s9+$0x68D0] =	vst v2  }
0x20f: {  	[tilespmem:s9+$0x68E0] =	vst v1;
	[spmem:s5] =	stream.indirect.scatter.add.f32 [tilespmem:s18], [sflag:$0x2], $0x1, s19, s26, $0xb8  }
0x210: {  	s9 =	smov.u32 s11;
	v10 =	vld [tilespmem:s11+$0x18070]  }
0x211: {  	v11 =	vld [tilespmem:s9+$0x13070]  }
0x212: {  	v12 =	vld [tilespmem:s9+$0x13080]  }
0x213: {  	v14 =	vld [tilespmem:s9+$0x18080]  }
0x214: {  	v2 =	vld [tilespmem:s9+$0x13090]  }
0x215: {  	v7 =	vld [tilespmem:s9+$0x18090]  }
0x216: {  	v1 =	vld [tilespmem:s9+$0x130A0]  }
0x217: {  	v5 =	vld [tilespmem:s9+$0x180A0]  }
0x218: {  	v3 =	vld [tilespmem:s9+$0x130B0]  }
0x219: {  	v8 =	vld [tilespmem:s9+$0x180B0]  }
.Ltmp26:
0x21a: {  	v4 =	vld [tilespmem:s9+$0x130C0];
	(pc) =	sbr.rel @p0 .LBB2_46-.Ltmp26, $4  }
0x21b: {  	v9 =	vld [tilespmem:s9+$0x180C0]  }
0x21c: {  	v6 =	vld [tilespmem:s9+$0x130D0]  }
0x21d: {  	v13 =	vmul.f32 v10, v11;
	v10 =	vld [tilespmem:s9+$0x180D0]  }
0x21e: {  	s10 =	sadd.s32 $0x200, s10;
	v12 =	vmul.f32 v14, v12;
	v11 =	vld [tilespmem:s9+$0x130E0]  }
0x21f: {  	[tilespmem:s9+$0x6870] =	vst v13;
	v2 =	vmul.f32 v7, v2;
	v63 =	vld [tilespmem:s9+$0x180E0]  }
0x220: {  	v1 =	vmul.f32 v5, v1;
	[tilespmem:s9+$0x6880] =	vst v12  }
0x221: {  	[tilespmem:s9+$0x6890] =	vst v2;
	v2 =	vmul.f32 v8, v3  }
0x222: {  	[tilespmem:s9+$0x68A0] =	vst v1;
	v1 =	vmul.f32 v9, v4  }
0x223: {  	[tilespmem:s9+$0x68B0] =	vst v2;
	v2 =	vmul.f32 v10, v6  }
0x224: {  	[tilespmem:s9+$0x68C0] =	vst v1;
	v1 =	vmul.f32 v63, v11  }
.Ltmp27:
0x225: {  	[tilespmem:s9+$0x68D0] =	vst v2;
	(pc) =	sbr.rel .LBB2_48-.Ltmp27, $4  }
0x226: {  	s10 =	sadd.s32 $0x6870, s9;
	s11 =	sadd.s32 $0xE070, s9;
	s22 =	smul.u32 $0x500, s21;
	[tilespmem:s9+$0x68E0] =	vst v1  }
0x227: {  	[spmem:s5] =	stream.indirect.scatter.add.f32 [tilespmem:s10], [sflag:$0x2], $0x1, s11, s26, $0xb8;
	[tilespmem:$0x1A870] =	vst v63  }
0x228: {  	s9 =	sadd.s32 s4, s22  }
0x229: {  	[hbm4b:s9+s6] =	stream.linear.scatter [tilespmem:s31], [sflag:$0x3], $0x2800, $0x38;
	[tilespmem:$0x1A870] =	vst v63  }
.LBB2_50:
0x22a: {  	_ =	sfence.sel $0x180000  }
0x22b: {  	[bflag:$0x0] =	sbarrier.arrive $0xFFFF  }
0x22c: {  	_ =	strace $0x90000047  }
0x22d: {  	s0 =	stileid.u32;
	[bflag:$0x2] =	sbarrier.arrive $0xFFFF  }
0x22e: {  	p0 =	sne.s32 s0, $0x0;
	s0 =	rddreg [dreg:$0x5]  }
0x22f: {  	s0 =	sadd.s32 @!p0 $0x100000, s0  }
0x230: {  	[sflag:s0] =	ssyncadd.tile.s32 @!p0 $0x1;
	_ =	shalt  }
.Lfunc_end2:
_tile_overlayer_lowered:
.L_overlay_start_2:
0x231: {  	(tag) =	ssettag $0x2  }
0x232: {  	s0 =	rddreg [dreg:$0x0];
	s2 =	stileid.u32  }
0x233: {  	s1 =	rddreg [dreg:$0x1];
	p0 =	sne.s32 s2, $0x0  }
0x234: {  	s3 =	rddreg [dreg:$0x2];
	[bflag:$0x3] =	sbarrier.arrive $0xFFFF;
	s2 =	simm.s32 @!p0 $0x1C04  }
0x235: {  	[timem:s3], [sflag:s2] =	dma.local @!p0 [hbm:s0], s1  }
0x236: {  	s0 =	simm.s32 @!p0 $0x4  }
0x237: {  	_ =	swait.ge @!p0 [sflag:s0], s1  }
0x238: {  	s1 =	ssub.s32 @!p0 $0x0, s1;
	[sflag:s0] =	ssyncset.done @!p0 $0x0  }
0x239: {  	[sflag:s0] =	ssyncadd.s32 @!p0 s1  }
0x23a: {  	[bflag:$0x3] =	sbarrier.arrive $0xFFFF  }
0x23b: {  	_ =	shalt  }

</sc_bundles>
